<compile_context>
chip_gen: v7x
topology: tpu7x:2x2x1
jax: 0.10.2.dev20260603
libtpu: 0.0.44.dev20260713+nightly
codegen_flags: <defaults>
</compile_context>

<pallas_src>
import functools
import math

import jax
import jax.numpy as jnp
from jax import lax
from jax.experimental import pallas as pl
from jax.experimental.pallas import tpu as pltpu
from jax.experimental.pallas import tpu_sc as plsc

D = 32
SCALE = math.sqrt(32.0)
NC, NS = 2, 16
NW = NC * NS
SEQ = 200
ROWS = 4096
RT = ROWS // 128
GRP = 5
NGRP = SEQ // GRP

_mesh = plsc.VectorSubcoreMesh(
    core_axis_name="c", subcore_axis_name="s", num_cores=NC, num_subcores=NS
)


def _k2_body(
    table_hbm, tok_hbm, out_hbm,
    idx2_v, rows_a, rows_b, tiles_a, tiles_b,
    gsem_a, gsem_b, osem_a, osem_b,
):
    w = lax.axis_index("s") * NC + lax.axis_index("c")
    lane = lax.iota(jnp.int32, 16)
    fbs = [lax.shift_right_logical(lane + 16 * h, 3) for h in range(2)]
    fis = [lax.bitwise_and(lane + 16 * h, 7) for h in range(2)]
    sets = [(rows_a, tiles_a, gsem_a, osem_a), (rows_b, tiles_b, gsem_b, osem_b)]

    pltpu.sync_copy(tok_hbm.at[:, pl.ds(w * 128, 128)], idx2_v)

    def fire(g, rows, gsem):
        c0 = g * GRP
        for b in range(GRP):
            pltpu.async_copy(table_hbm.at[idx2_v.at[c0 + b]], rows.at[b], gsem)

    fire(0, rows_a, gsem_a)

    def pair(gg, carry):
        for p in range(2):
            rows, tiles, gsem, osem = sets[p]
            nrows, _, ngsem, _ = sets[1 - p]
            g = gg * 2 + p

            @pl.when(g + 1 < NGRP)
            def _prefetch():
                fire(g + 1, nrows, ngsem)

            for b in range(GRP):
                pltpu.make_async_copy(
                    table_hbm.at[pl.ds(0, 128)], rows.at[b], gsem
                ).wait()

            @pl.when(g >= 2)
            def _outwait():
                pltpu.make_async_copy(
                    out_hbm.at[pl.ds(0, GRP), :, 0],
                    tiles.at[:, :, :, pl.ds(0, 128)],
                    osem,
                ).wait()

            for b in range(GRP):
                tb = tiles.at[b]

                def assemble(r4, carry2):
                    for j in range(4):
                        r = r4 * 4 + j
                        rv = jnp.full((16,), r, jnp.int32)
                        for h in range(2):
                            vals = rows[b, r, pl.ds(16 * h, 16)] * SCALE
                            plsc.store_scatter(
                                tb, [fbs[h], fis[h], rv], vals
                            )
                    return carry2

                lax.fori_loop(0, 32, assemble, 0)

            pltpu.async_copy(
                tiles.at[:, :, :, pl.ds(0, 128)],
                out_hbm.at[pl.ds(g * GRP, GRP), :, w],
                osem,
            )
        return carry

    lax.fori_loop(0, NGRP // 2, pair, 0)
    for p in range(2):
        rows, tiles, gsem, osem = sets[p]
        pltpu.make_async_copy(
            out_hbm.at[pl.ds(0, GRP), :, 0],
            tiles.at[:, :, :, pl.ds(0, 128)],
            osem,
        ).wait()


_emb_lookup = pl.kernel(
    _k2_body,
    out_type=jax.ShapeDtypeStruct((SEQ, 4, RT, 8, 128), jnp.float32),
    mesh=_mesh,
    compiler_params=pltpu.CompilerParams(
        use_tc_tiling_on_sc=False, needs_layout_passes=False
    ),
    scratch_types=[
        pltpu.VMEM((SEQ, 128), jnp.int32),
        pltpu.VMEM((GRP, 128, D), jnp.float32),
        pltpu.VMEM((GRP, 128, D), jnp.float32),
        pltpu.VMEM((GRP, 4, 8, 133), jnp.float32),
        pltpu.VMEM((GRP, 4, 8, 133), jnp.float32),
        pltpu.SemaphoreType.DMA,
        pltpu.SemaphoreType.DMA,
        pltpu.SemaphoreType.DMA,
        pltpu.SemaphoreType.DMA,
    ],
)


@jax.jit
def kernel(tokens, table):
    tok_t = tokens.T.astype(jnp.int32)
    out5 = _emb_lookup(table, tok_t)
    return out5.transpose(2, 4, 0, 1, 3).reshape(ROWS, SEQ, D)

# --- scband reference (transcript-rebuilt; emitter-appended) ---
"""Pipeline reference for scband-token-embedding-55001351192844 (READ-ONLY COPY).

The authoritative reference and input builder live on the scoring server;
editing this copy changes nothing except your own understanding.
"""

import jax, jax.numpy as jnp
import numpy as np
import math

VOCAB_SIZE = 1000000
EMB_SIZE = 32

def setup_inputs(seed: int = 0) -> dict:
    key = jax.random.key(seed)
    k1, k2 = jax.random.split(key)
    tokens = jax.random.randint(k1, (4096, 200), 0, VOCAB_SIZE, dtype=jnp.int64 if jax.config.jax_enable_x64 else jnp.int32)
    table = jax.random.normal(k2, (VOCAB_SIZE, EMB_SIZE), dtype=jnp.float32)
    return {"tokens": tokens, "table": table}

def reference(tokens, table):
    # TokenEmbedding.forward: embedding(tokens.long()) * sqrt(emb_size)
    emb = jnp.take(table, tokens, axis=0)
    return emb * math.sqrt(EMB_SIZE)

if __name__ == "__main__":
    import jax
    _d = setup_inputs()
    print(jax.jit(kernel)(*tuple(_d.values())))

</pallas_src>

<mosaic_0001>
#map = affine_map<(d0, d1) -> (0, 0)>
#map1 = affine_map<(d0, d1) -> (0, 0, 0, 0, 0)>
module attributes {stable_mosaic.version = 14 : i64} {
  func.func @_k2_body(%arg0: i32, %arg1: i32, %arg2: memref<1000000x32xf32, #tpu.memory_space<hbm>>, %arg3: memref<200x4096xi32, #tpu.memory_space<hbm>>, %arg4: memref<200x4x32x8x128xf32, #tpu.memory_space<hbm>>, %arg5: memref<200x128xi32, #tpu.memory_space<vmem>>, %arg6: memref<5x128x32xf32, #tpu.memory_space<vmem>>, %arg7: memref<5x128x32xf32, #tpu.memory_space<vmem>>, %arg8: memref<5x4x8x133xf32, #tpu.memory_space<vmem>>, %arg9: memref<5x4x8x133xf32, #tpu.memory_space<vmem>>, %arg10: memref<!tpu.dma_semaphore, #tpu.memory_space<semaphore_mem>>, %arg11: memref<!tpu.dma_semaphore, #tpu.memory_space<semaphore_mem>>, %arg12: memref<!tpu.dma_semaphore, #tpu.memory_space<semaphore_mem>>, %arg13: memref<!tpu.dma_semaphore, #tpu.memory_space<semaphore_mem>>) attributes {dimension_semantics = [#tpu.dimension_semantics<core_parallel>, #tpu.dimension_semantics<subcore_parallel>], iteration_bounds = array<i64: 2, 16>, scalar_prefetch = 0 : i64, scratch_operands = 9 : i64, tpu.core_type = #tpu.core_type<sc_vector_subcore>, window_params = [{transform_indices = #map}, {transform_indices = #map}, {transform_indices = #map1}]} {
    %mul3A = arith.constant 2 : i32
    %mul3A_0 = arith.muli %arg1, %mul3A : i32
    %add3A = arith.addi %mul3A_0, %arg0 : i32
    %iota3A = tpu.iota {dimensions = array<i32: 0>} : vector<16xi32>
    %add3A_1 = arith.constant 0 : i32
    %add3A_2 = vector.broadcast %add3A_1 : i32 to vector<16xi32>
    %add3A_3 = arith.addi %iota3A, %add3A_2 : vector<16xi32>
    %shift_right_logical3A = arith.constant 3 : i32
    %shift_right_logical3A_4 = vector.broadcast %shift_right_logical3A : i32 to vector<16xi32>
    %shift_right_logical3A_5 = arith.shrui %add3A_3, %shift_right_logical3A_4 : vector<16xi32>
    %add3A_6 = arith.constant 16 : i32
    %add3A_7 = vector.broadcast %add3A_6 : i32 to vector<16xi32>
    %add3A_8 = arith.addi %iota3A, %add3A_7 : vector<16xi32>
    %shift_right_logical3A_9 = arith.constant 3 : i32
    %shift_right_logical3A_10 = vector.broadcast %shift_right_logical3A_9 : i32 to vector<16xi32>
    %shift_right_logical3A_11 = arith.shrui %add3A_8, %shift_right_logical3A_10 : vector<16xi32>
    %add3A_12 = arith.constant 0 : i32
    %add3A_13 = vector.broadcast %add3A_12 : i32 to vector<16xi32>
    %add3A_14 = arith.addi %iota3A, %add3A_13 : vector<16xi32>
    %and3A = arith.constant 7 : i32
    %and3A_15 = vector.broadcast %and3A : i32 to vector<16xi32>
    %and3A_16 = arith.andi %add3A_14, %and3A_15 : vector<16xi32>
    %add3A_17 = arith.constant 16 : i32
    %add3A_18 = vector.broadcast %add3A_17 : i32 to vector<16xi32>
    %add3A_19 = arith.addi %iota3A, %add3A_18 : vector<16xi32>
    %and3A_20 = arith.constant 7 : i32
    %and3A_21 = vector.broadcast %and3A_20 : i32 to vector<16xi32>
    %and3A_22 = arith.andi %add3A_19, %and3A_21 : vector<16xi32>
    %mul3A_23 = arith.constant 128 : i32
    %mul3A_24 = arith.muli %add3A, %mul3A_23 : i32
    "tpu.region"() ({
      %run_scoped3A = tpu.sem_alloc : memref<!tpu.dma_semaphore, #tpu.memory_space<semaphore_mem>>
      %dma_start3A_134 = arith.constant 0 : i32
      %dma_start3A_135 = tpu.memref_slice %arg3[%dma_start3A_134, %mul3A_24] : memref<200x4096xi32, #tpu.memory_space<hbm>> -> memref<200x128xi32, #tpu.memory_space<hbm>>
      %dma_start3A_136 = arith.constant 0 : i32
      %dma_start3A_137 = tpu.memref_slice %arg3[%dma_start3A_136, %mul3A_24] : memref<200x4096xi32, #tpu.memory_space<hbm>> -> memref<200x128xi32, #tpu.memory_space<hbm>>
      tpu.enqueue_dma source(%dma_start3A_137 : memref<200x128xi32, #tpu.memory_space<hbm>>) target(%arg5 : memref<200x128xi32, #tpu.memory_space<vmem>>) target_semaphore(%run_scoped3A : memref<!tpu.dma_semaphore, #tpu.memory_space<semaphore_mem>>)
      %dma_wait3A_138 = arith.constant 0 : i32
      %dma_wait3A_139 = tpu.memref_slice %arg3[%dma_wait3A_138, %mul3A_24] : memref<200x4096xi32, #tpu.memory_space<hbm>> -> memref<200x128xi32, #tpu.memory_space<hbm>>
      %dma_wait3A_140 = arith.constant 0 : i32
      %dma_wait3A_141 = tpu.memref_slice %arg3[%dma_wait3A_140, %mul3A_24] : memref<200x4096xi32, #tpu.memory_space<hbm>> -> memref<200x128xi32, #tpu.memory_space<hbm>>
      tpu.wait_dma2 semaphore(%run_scoped3A : memref<!tpu.dma_semaphore, #tpu.memory_space<semaphore_mem>>) src(%dma_wait3A_141 : memref<200x128xi32, #tpu.memory_space<hbm>>) dst(%arg5 : memref<200x128xi32, #tpu.memory_space<vmem>>)
      tpu.yield
    }) : () -> ()
    %dma_start3A = arith.constant 0 : i32
    %dma_start3A_25 = arith.constant 0 : i32
    %dma_start3A_26 = arith.constant 0 : i32
    %dma_start3A_27 = arith.constant 0 : i32
    %dma_start3A_28 = tpu.memref_slice %arg6[%dma_start3A_25, %dma_start3A_26, %dma_start3A_27] : memref<5x128x32xf32, #tpu.memory_space<vmem>> -> memref<1x128x32xf32, #tpu.memory_space<vmem>>
    %dma_start3A_29 = tpu.memref_squeeze %dma_start3A_28 : memref<1x128x32xf32, #tpu.memory_space<vmem>> -> memref<128x32xf32, #tpu.memory_space<vmem>>
    %dma_start3A_30 = arith.constant 0 : i32
    %dma_start3A_31 = tpu.memref_slice %arg5[%dma_start3A, %dma_start3A_30] : memref<200x128xi32, #tpu.memory_space<vmem>> -> memref<1x128xi32, #tpu.memory_space<vmem>>
    %dma_start3A_32 = tpu.memref_squeeze %dma_start3A_31 : memref<1x128xi32, #tpu.memory_space<vmem>> -> memref<128xi32, #tpu.memory_space<vmem>>
    %dma_start3A_33 = arith.constant 0 : i32
    %dma_start3A_34 = arith.constant 0 : i32
    %dma_start3A_35 = tpu.memref_slice %arg2[%dma_start3A_33, %dma_start3A_34] : memref<1000000x32xf32, #tpu.memory_space<hbm>> -> memref<1000000x32xf32, #tpu.memory_space<hbm>>
    tpu.enqueue_indirect_dma source(%dma_start3A_35 : memref<1000000x32xf32, #tpu.memory_space<hbm>>) target(%dma_start3A_29 : memref<128x32xf32, #tpu.memory_space<vmem>>) offsets(%dma_start3A_32 : memref<128xi32, #tpu.memory_space<vmem>>) semaphore(%arg10 : memref<!tpu.dma_semaphore, #tpu.memory_space<semaphore_mem>>)
    %dma_start3A_36 = arith.constant 1 : i32
    %dma_start3A_37 = arith.constant 1 : i32
    %dma_start3A_38 = arith.constant 0 : i32
    %dma_start3A_39 = arith.constant 0 : i32
    %dma_start3A_40 = tpu.memref_slice %arg6[%dma_start3A_37, %dma_start3A_38, %dma_start3A_39] : memref<5x128x32xf32, #tpu.memory_space<vmem>> -> memref<1x128x32xf32, #tpu.memory_space<vmem>>
    %dma_start3A_41 = tpu.memref_squeeze %dma_start3A_40 : memref<1x128x32xf32, #tpu.memory_space<vmem>> -> memref<128x32xf32, #tpu.memory_space<vmem>>
    %dma_start3A_42 = arith.constant 0 : i32
    %dma_start3A_43 = tpu.memref_slice %arg5[%dma_start3A_36, %dma_start3A_42] : memref<200x128xi32, #tpu.memory_space<vmem>> -> memref<1x128xi32, #tpu.memory_space<vmem>>
    %dma_start3A_44 = tpu.memref_squeeze %dma_start3A_43 : memref<1x128xi32, #tpu.memory_space<vmem>> -> memref<128xi32, #tpu.memory_space<vmem>>
    %dma_start3A_45 = arith.constant 0 : i32
    %dma_start3A_46 = arith.constant 0 : i32
    %dma_start3A_47 = tpu.memref_slice %arg2[%dma_start3A_45, %dma_start3A_46] : memref<1000000x32xf32, #tpu.memory_space<hbm>> -> memref<1000000x32xf32, #tpu.memory_space<hbm>>
    tpu.enqueue_indirect_dma source(%dma_start3A_47 : memref<1000000x32xf32, #tpu.memory_space<hbm>>) target(%dma_start3A_41 : memref<128x32xf32, #tpu.memory_space<vmem>>) offsets(%dma_start3A_44 : memref<128xi32, #tpu.memory_space<vmem>>) semaphore(%arg10 : memref<!tpu.dma_semaphore, #tpu.memory_space<semaphore_mem>>)
    %dma_start3A_48 = arith.constant 2 : i32
    %dma_start3A_49 = arith.constant 2 : i32
    %dma_start3A_50 = arith.constant 0 : i32
    %dma_start3A_51 = arith.constant 0 : i32
    %dma_start3A_52 = tpu.memref_slice %arg6[%dma_start3A_49, %dma_start3A_50, %dma_start3A_51] : memref<5x128x32xf32, #tpu.memory_space<vmem>> -> memref<1x128x32xf32, #tpu.memory_space<vmem>>
    %dma_start3A_53 = tpu.memref_squeeze %dma_start3A_52 : memref<1x128x32xf32, #tpu.memory_space<vmem>> -> memref<128x32xf32, #tpu.memory_space<vmem>>
    %dma_start3A_54 = arith.constant 0 : i32
    %dma_start3A_55 = tpu.memref_slice %arg5[%dma_start3A_48, %dma_start3A_54] : memref<200x128xi32, #tpu.memory_space<vmem>> -> memref<1x128xi32, #tpu.memory_space<vmem>>
    %dma_start3A_56 = tpu.memref_squeeze %dma_start3A_55 : memref<1x128xi32, #tpu.memory_space<vmem>> -> memref<128xi32, #tpu.memory_space<vmem>>
    %dma_start3A_57 = arith.constant 0 : i32
    %dma_start3A_58 = arith.constant 0 : i32
    %dma_start3A_59 = tpu.memref_slice %arg2[%dma_start3A_57, %dma_start3A_58] : memref<1000000x32xf32, #tpu.memory_space<hbm>> -> memref<1000000x32xf32, #tpu.memory_space<hbm>>
    tpu.enqueue_indirect_dma source(%dma_start3A_59 : memref<1000000x32xf32, #tpu.memory_space<hbm>>) target(%dma_start3A_53 : memref<128x32xf32, #tpu.memory_space<vmem>>) offsets(%dma_start3A_56 : memref<128xi32, #tpu.memory_space<vmem>>) semaphore(%arg10 : memref<!tpu.dma_semaphore, #tpu.memory_space<semaphore_mem>>)
    %dma_start3A_60 = arith.constant 3 : i32
    %dma_start3A_61 = arith.constant 3 : i32
    %dma_start3A_62 = arith.constant 0 : i32
    %dma_start3A_63 = arith.constant 0 : i32
    %dma_start3A_64 = tpu.memref_slice %arg6[%dma_start3A_61, %dma_start3A_62, %dma_start3A_63] : memref<5x128x32xf32, #tpu.memory_space<vmem>> -> memref<1x128x32xf32, #tpu.memory_space<vmem>>
    %dma_start3A_65 = tpu.memref_squeeze %dma_start3A_64 : memref<1x128x32xf32, #tpu.memory_space<vmem>> -> memref<128x32xf32, #tpu.memory_space<vmem>>
    %dma_start3A_66 = arith.constant 0 : i32
    %dma_start3A_67 = tpu.memref_slice %arg5[%dma_start3A_60, %dma_start3A_66] : memref<200x128xi32, #tpu.memory_space<vmem>> -> memref<1x128xi32, #tpu.memory_space<vmem>>
    %dma_start3A_68 = tpu.memref_squeeze %dma_start3A_67 : memref<1x128xi32, #tpu.memory_space<vmem>> -> memref<128xi32, #tpu.memory_space<vmem>>
    %dma_start3A_69 = arith.constant 0 : i32
    %dma_start3A_70 = arith.constant 0 : i32
    %dma_start3A_71 = tpu.memref_slice %arg2[%dma_start3A_69, %dma_start3A_70] : memref<1000000x32xf32, #tpu.memory_space<hbm>> -> memref<1000000x32xf32, #tpu.memory_space<hbm>>
    tpu.enqueue_indirect_dma source(%dma_start3A_71 : memref<1000000x32xf32, #tpu.memory_space<hbm>>) target(%dma_start3A_65 : memref<128x32xf32, #tpu.memory_space<vmem>>) offsets(%dma_start3A_68 : memref<128xi32, #tpu.memory_space<vmem>>) semaphore(%arg10 : memref<!tpu.dma_semaphore, #tpu.memory_space<semaphore_mem>>)
    %dma_start3A_72 = arith.constant 4 : i32
    %dma_start3A_73 = arith.constant 4 : i32
    %dma_start3A_74 = arith.constant 0 : i32
    %dma_start3A_75 = arith.constant 0 : i32
    %dma_start3A_76 = tpu.memref_slice %arg6[%dma_start3A_73, %dma_start3A_74, %dma_start3A_75] : memref<5x128x32xf32, #tpu.memory_space<vmem>> -> memref<1x128x32xf32, #tpu.memory_space<vmem>>
    %dma_start3A_77 = tpu.memref_squeeze %dma_start3A_76 : memref<1x128x32xf32, #tpu.memory_space<vmem>> -> memref<128x32xf32, #tpu.memory_space<vmem>>
    %dma_start3A_78 = arith.constant 0 : i32
    %dma_start3A_79 = tpu.memref_slice %arg5[%dma_start3A_72, %dma_start3A_78] : memref<200x128xi32, #tpu.memory_space<vmem>> -> memref<1x128xi32, #tpu.memory_space<vmem>>
    %dma_start3A_80 = tpu.memref_squeeze %dma_start3A_79 : memref<1x128xi32, #tpu.memory_space<vmem>> -> memref<128xi32, #tpu.memory_space<vmem>>
    %dma_start3A_81 = arith.constant 0 : i32
    %dma_start3A_82 = arith.constant 0 : i32
    %dma_start3A_83 = tpu.memref_slice %arg2[%dma_start3A_81, %dma_start3A_82] : memref<1000000x32xf32, #tpu.memory_space<hbm>> -> memref<1000000x32xf32, #tpu.memory_space<hbm>>
    tpu.enqueue_indirect_dma source(%dma_start3A_83 : memref<1000000x32xf32, #tpu.memory_space<hbm>>) target(%dma_start3A_77 : memref<128x32xf32, #tpu.memory_space<vmem>>) offsets(%dma_start3A_80 : memref<128xi32, #tpu.memory_space<vmem>>) semaphore(%arg10 : memref<!tpu.dma_semaphore, #tpu.memory_space<semaphore_mem>>)
    %scan3A = arith.constant 0 : i32
    %scan3A_84 = arith.constant 0 : i32
    %scan3A_85 = arith.constant 20 : i32
    %scan3A_86 = arith.addi %scan3A_84, %scan3A_85 : i32
    %scan3A_87 = arith.constant 1 : i32
    scf.for %scan3A_134 = %scan3A_84 to %scan3A_86 step %scan3A_87  : i32 {
      %mul3A_135 = arith.constant 2 : i32
      %mul3A_136 = arith.muli %scan3A_134, %mul3A_135 : i32
      %add3A_137 = arith.constant 0 : i32
      %add3A_138 = arith.addi %mul3A_136, %add3A_137 : i32
      %add3A_139 = arith.constant 1 : i32
      %add3A_140 = arith.addi %add3A_138, %add3A_139 : i32
      %lt3A = arith.constant 40 : i32
      %lt3A_141 = arith.cmpi slt, %add3A_140, %lt3A : i32
      %convert_element_type3A = arith.extui %lt3A_141 : i1 to i32
      %cond3A = arith.constant 0 : i32
      %cond3A_142 = arith.cmpi ne, %convert_element_type3A, %cond3A : i32
      scf.if %cond3A_142 {
        %add3A_427 = arith.constant 1 : i32
        %add3A_428 = arith.addi %add3A_138, %add3A_427 : i32
        %mul3A_429 = arith.constant 5 : i32
        %mul3A_430 = arith.muli %add3A_428, %mul3A_429 : i32
        %add3A_431 = arith.constant 0 : i32
        %add3A_432 = arith.addi %mul3A_430, %add3A_431 : i32
        %dma_start3A_433 = arith.constant 0 : i32
        %dma_start3A_434 = arith.constant 0 : i32
        %dma_start3A_435 = arith.constant 0 : i32
        %dma_start3A_436 = tpu.memref_slice %arg7[%dma_start3A_433, %dma_start3A_434, %dma_start3A_435] : memref<5x128x32xf32, #tpu.memory_space<vmem>> -> memref<1x128x32xf32, #tpu.memory_space<vmem>>
        %dma_start3A_437 = tpu.memref_squeeze %dma_start3A_436 : memref<1x128x32xf32, #tpu.memory_space<vmem>> -> memref<128x32xf32, #tpu.memory_space<vmem>>
        %dma_start3A_438 = arith.constant 0 : i32
        %dma_start3A_439 = tpu.memref_slice %arg5[%add3A_432, %dma_start3A_438] : memref<200x128xi32, #tpu.memory_space<vmem>> -> memref<1x128xi32, #tpu.memory_space<vmem>>
        %dma_start3A_440 = tpu.memref_squeeze %dma_start3A_439 : memref<1x128xi32, #tpu.memory_space<vmem>> -> memref<128xi32, #tpu.memory_space<vmem>>
        %dma_start3A_441 = arith.constant 0 : i32
        %dma_start3A_442 = arith.constant 0 : i32
        %dma_start3A_443 = tpu.memref_slice %arg2[%dma_start3A_441, %dma_start3A_442] : memref<1000000x32xf32, #tpu.memory_space<hbm>> -> memref<1000000x32xf32, #tpu.memory_space<hbm>>
        tpu.enqueue_indirect_dma source(%dma_start3A_443 : memref<1000000x32xf32, #tpu.memory_space<hbm>>) target(%dma_start3A_437 : memref<128x32xf32, #tpu.memory_space<vmem>>) offsets(%dma_start3A_440 : memref<128xi32, #tpu.memory_space<vmem>>) semaphore(%arg11 : memref<!tpu.dma_semaphore, #tpu.memory_space<semaphore_mem>>)
        %add3A_444 = arith.constant 1 : i32
        %add3A_445 = arith.addi %mul3A_430, %add3A_444 : i32
        %dma_start3A_446 = arith.constant 1 : i32
        %dma_start3A_447 = arith.constant 0 : i32
        %dma_start3A_448 = arith.constant 0 : i32
        %dma_start3A_449 = tpu.memref_slice %arg7[%dma_start3A_446, %dma_start3A_447, %dma_start3A_448] : memref<5x128x32xf32, #tpu.memory_space<vmem>> -> memref<1x128x32xf32, #tpu.memory_space<vmem>>
        %dma_start3A_450 = tpu.memref_squeeze %dma_start3A_449 : memref<1x128x32xf32, #tpu.memory_space<vmem>> -> memref<128x32xf32, #tpu.memory_space<vmem>>
        %dma_start3A_451 = arith.constant 0 : i32
        %dma_start3A_452 = tpu.memref_slice %arg5[%add3A_445, %dma_start3A_451] : memref<200x128xi32, #tpu.memory_space<vmem>> -> memref<1x128xi32, #tpu.memory_space<vmem>>
        %dma_start3A_453 = tpu.memref_squeeze %dma_start3A_452 : memref<1x128xi32, #tpu.memory_space<vmem>> -> memref<128xi32, #tpu.memory_space<vmem>>
        %dma_start3A_454 = arith.constant 0 : i32
        %dma_start3A_455 = arith.constant 0 : i32
        %dma_start3A_456 = tpu.memref_slice %arg2[%dma_start3A_454, %dma_start3A_455] : memref<1000000x32xf32, #tpu.memory_space<hbm>> -> memref<1000000x32xf32, #tpu.memory_space<hbm>>
        tpu.enqueue_indirect_dma source(%dma_start3A_456 : memref<1000000x32xf32, #tpu.memory_space<hbm>>) target(%dma_start3A_450 : memref<128x32xf32, #tpu.memory_space<vmem>>) offsets(%dma_start3A_453 : memref<128xi32, #tpu.memory_space<vmem>>) semaphore(%arg11 : memref<!tpu.dma_semaphore, #tpu.memory_space<semaphore_mem>>)
        %add3A_457 = arith.constant 2 : i32
        %add3A_458 = arith.addi %mul3A_430, %add3A_457 : i32
        %dma_start3A_459 = arith.constant 2 : i32
        %dma_start3A_460 = arith.constant 0 : i32
        %dma_start3A_461 = arith.constant 0 : i32
        %dma_start3A_462 = tpu.memref_slice %arg7[%dma_start3A_459, %dma_start3A_460, %dma_start3A_461] : memref<5x128x32xf32, #tpu.memory_space<vmem>> -> memref<1x128x32xf32, #tpu.memory_space<vmem>>
        %dma_start3A_463 = tpu.memref_squeeze %dma_start3A_462 : memref<1x128x32xf32, #tpu.memory_space<vmem>> -> memref<128x32xf32, #tpu.memory_space<vmem>>
        %dma_start3A_464 = arith.constant 0 : i32
        %dma_start3A_465 = tpu.memref_slice %arg5[%add3A_458, %dma_start3A_464] : memref<200x128xi32, #tpu.memory_space<vmem>> -> memref<1x128xi32, #tpu.memory_space<vmem>>
        %dma_start3A_466 = tpu.memref_squeeze %dma_start3A_465 : memref<1x128xi32, #tpu.memory_space<vmem>> -> memref<128xi32, #tpu.memory_space<vmem>>
        %dma_start3A_467 = arith.constant 0 : i32
        %dma_start3A_468 = arith.constant 0 : i32
        %dma_start3A_469 = tpu.memref_slice %arg2[%dma_start3A_467, %dma_start3A_468] : memref<1000000x32xf32, #tpu.memory_space<hbm>> -> memref<1000000x32xf32, #tpu.memory_space<hbm>>
        tpu.enqueue_indirect_dma source(%dma_start3A_469 : memref<1000000x32xf32, #tpu.memory_space<hbm>>) target(%dma_start3A_463 : memref<128x32xf32, #tpu.memory_space<vmem>>) offsets(%dma_start3A_466 : memref<128xi32, #tpu.memory_space<vmem>>) semaphore(%arg11 : memref<!tpu.dma_semaphore, #tpu.memory_space<semaphore_mem>>)
        %add3A_470 = arith.constant 3 : i32
        %add3A_471 = arith.addi %mul3A_430, %add3A_470 : i32
        %dma_start3A_472 = arith.constant 3 : i32
        %dma_start3A_473 = arith.constant 0 : i32
        %dma_start3A_474 = arith.constant 0 : i32
        %dma_start3A_475 = tpu.memref_slice %arg7[%dma_start3A_472, %dma_start3A_473, %dma_start3A_474] : memref<5x128x32xf32, #tpu.memory_space<vmem>> -> memref<1x128x32xf32, #tpu.memory_space<vmem>>
        %dma_start3A_476 = tpu.memref_squeeze %dma_start3A_475 : memref<1x128x32xf32, #tpu.memory_space<vmem>> -> memref<128x32xf32, #tpu.memory_space<vmem>>
        %dma_start3A_477 = arith.constant 0 : i32
        %dma_start3A_478 = tpu.memref_slice %arg5[%add3A_471, %dma_start3A_477] : memref<200x128xi32, #tpu.memory_space<vmem>> -> memref<1x128xi32, #tpu.memory_space<vmem>>
        %dma_start3A_479 = tpu.memref_squeeze %dma_start3A_478 : memref<1x128xi32, #tpu.memory_space<vmem>> -> memref<128xi32, #tpu.memory_space<vmem>>
        %dma_start3A_480 = arith.constant 0 : i32
        %dma_start3A_481 = arith.constant 0 : i32
        %dma_start3A_482 = tpu.memref_slice %arg2[%dma_start3A_480, %dma_start3A_481] : memref<1000000x32xf32, #tpu.memory_space<hbm>> -> memref<1000000x32xf32, #tpu.memory_space<hbm>>
        tpu.enqueue_indirect_dma source(%dma_start3A_482 : memref<1000000x32xf32, #tpu.memory_space<hbm>>) target(%dma_start3A_476 : memref<128x32xf32, #tpu.memory_space<vmem>>) offsets(%dma_start3A_479 : memref<128xi32, #tpu.memory_space<vmem>>) semaphore(%arg11 : memref<!tpu.dma_semaphore, #tpu.memory_space<semaphore_mem>>)
        %add3A_483 = arith.constant 4 : i32
        %add3A_484 = arith.addi %mul3A_430, %add3A_483 : i32
        %dma_start3A_485 = arith.constant 4 : i32
        %dma_start3A_486 = arith.constant 0 : i32
        %dma_start3A_487 = arith.constant 0 : i32
        %dma_start3A_488 = tpu.memref_slice %arg7[%dma_start3A_485, %dma_start3A_486, %dma_start3A_487] : memref<5x128x32xf32, #tpu.memory_space<vmem>> -> memref<1x128x32xf32, #tpu.memory_space<vmem>>
        %dma_start3A_489 = tpu.memref_squeeze %dma_start3A_488 : memref<1x128x32xf32, #tpu.memory_space<vmem>> -> memref<128x32xf32, #tpu.memory_space<vmem>>
        %dma_start3A_490 = arith.constant 0 : i32
        %dma_start3A_491 = tpu.memref_slice %arg5[%add3A_484, %dma_start3A_490] : memref<200x128xi32, #tpu.memory_space<vmem>> -> memref<1x128xi32, #tpu.memory_space<vmem>>
        %dma_start3A_492 = tpu.memref_squeeze %dma_start3A_491 : memref<1x128xi32, #tpu.memory_space<vmem>> -> memref<128xi32, #tpu.memory_space<vmem>>
        %dma_start3A_493 = arith.constant 0 : i32
        %dma_start3A_494 = arith.constant 0 : i32
        %dma_start3A_495 = tpu.memref_slice %arg2[%dma_start3A_493, %dma_start3A_494] : memref<1000000x32xf32, #tpu.memory_space<hbm>> -> memref<1000000x32xf32, #tpu.memory_space<hbm>>
        tpu.enqueue_indirect_dma source(%dma_start3A_495 : memref<1000000x32xf32, #tpu.memory_space<hbm>>) target(%dma_start3A_489 : memref<128x32xf32, #tpu.memory_space<vmem>>) offsets(%dma_start3A_492 : memref<128xi32, #tpu.memory_space<vmem>>) semaphore(%arg11 : memref<!tpu.dma_semaphore, #tpu.memory_space<semaphore_mem>>)
      } else {
      }
      %dma_wait3A_143 = arith.constant 0 : i32
      %dma_wait3A_144 = arith.constant 0 : i32
      %dma_wait3A_145 = arith.constant 0 : i32
      %dma_wait3A_146 = tpu.memref_slice %arg6[%dma_wait3A_143, %dma_wait3A_144, %dma_wait3A_145] : memref<5x128x32xf32, #tpu.memory_space<vmem>> -> memref<1x128x32xf32, #tpu.memory_space<vmem>>
      %dma_wait3A_147 = tpu.memref_squeeze %dma_wait3A_146 : memref<1x128x32xf32, #tpu.memory_space<vmem>> -> memref<128x32xf32, #tpu.memory_space<vmem>>
      %dma_wait3A_148 = arith.constant 0 : i32
      %dma_wait3A_149 = arith.constant 0 : i32
      %dma_wait3A_150 = tpu.memref_slice %arg2[%dma_wait3A_148, %dma_wait3A_149] : memref<1000000x32xf32, #tpu.memory_space<hbm>> -> memref<128x32xf32, #tpu.memory_space<hbm>>
      %dma_wait3A_151 = arith.constant 0 : i32
      %dma_wait3A_152 = arith.constant 0 : i32
      %dma_wait3A_153 = tpu.memref_slice %arg6[%dma_wait3A_143, %dma_wait3A_151, %dma_wait3A_152] : memref<5x128x32xf32, #tpu.memory_space<vmem>> -> memref<1x128x32xf32, #tpu.memory_space<vmem>>
      %dma_wait3A_154 = tpu.memref_squeeze %dma_wait3A_153 : memref<1x128x32xf32, #tpu.memory_space<vmem>> -> memref<128x32xf32, #tpu.memory_space<vmem>>
      %dma_wait3A_155 = arith.constant 0 : i32
      %dma_wait3A_156 = arith.constant 0 : i32
      %dma_wait3A_157 = tpu.memref_slice %arg2[%dma_wait3A_155, %dma_wait3A_156] : memref<1000000x32xf32, #tpu.memory_space<hbm>> -> memref<128x32xf32, #tpu.memory_space<hbm>>
      tpu.wait_dma2 semaphore(%arg10 : memref<!tpu.dma_semaphore, #tpu.memory_space<semaphore_mem>>) src(%dma_wait3A_157 : memref<128x32xf32, #tpu.memory_space<hbm>>) dst(%dma_wait3A_154 : memref<128x32xf32, #tpu.memory_space<vmem>>)
      %dma_wait3A_158 = arith.constant 1 : i32
      %dma_wait3A_159 = arith.constant 0 : i32
      %dma_wait3A_160 = arith.constant 0 : i32
      %dma_wait3A_161 = tpu.memref_slice %arg6[%dma_wait3A_158, %dma_wait3A_159, %dma_wait3A_160] : memref<5x128x32xf32, #tpu.memory_space<vmem>> -> memref<1x128x32xf32, #tpu.memory_space<vmem>>
      %dma_wait3A_162 = tpu.memref_squeeze %dma_wait3A_161 : memref<1x128x32xf32, #tpu.memory_space<vmem>> -> memref<128x32xf32, #tpu.memory_space<vmem>>
      %dma_wait3A_163 = arith.constant 0 : i32
      %dma_wait3A_164 = arith.constant 0 : i32
      %dma_wait3A_165 = tpu.memref_slice %arg2[%dma_wait3A_163, %dma_wait3A_164] : memref<1000000x32xf32, #tpu.memory_space<hbm>> -> memref<128x32xf32, #tpu.memory_space<hbm>>
      %dma_wait3A_166 = arith.constant 0 : i32
      %dma_wait3A_167 = arith.constant 0 : i32
      %dma_wait3A_168 = tpu.memref_slice %arg6[%dma_wait3A_158, %dma_wait3A_166, %dma_wait3A_167] : memref<5x128x32xf32, #tpu.memory_space<vmem>> -> memref<1x128x32xf32, #tpu.memory_space<vmem>>
      %dma_wait3A_169 = tpu.memref_squeeze %dma_wait3A_168 : memref<1x128x32xf32, #tpu.memory_space<vmem>> -> memref<128x32xf32, #tpu.memory_space<vmem>>
      %dma_wait3A_170 = arith.constant 0 : i32
      %dma_wait3A_171 = arith.constant 0 : i32
      %dma_wait3A_172 = tpu.memref_slice %arg2[%dma_wait3A_170, %dma_wait3A_171] : memref<1000000x32xf32, #tpu.memory_space<hbm>> -> memref<128x32xf32, #tpu.memory_space<hbm>>
      tpu.wait_dma2 semaphore(%arg10 : memref<!tpu.dma_semaphore, #tpu.memory_space<semaphore_mem>>) src(%dma_wait3A_172 : memref<128x32xf32, #tpu.memory_space<hbm>>) dst(%dma_wait3A_169 : memref<128x32xf32, #tpu.memory_space<vmem>>)
      %dma_wait3A_173 = arith.constant 2 : i32
      %dma_wait3A_174 = arith.constant 0 : i32
      %dma_wait3A_175 = arith.constant 0 : i32
      %dma_wait3A_176 = tpu.memref_slice %arg6[%dma_wait3A_173, %dma_wait3A_174, %dma_wait3A_175] : memref<5x128x32xf32, #tpu.memory_space<vmem>> -> memref<1x128x32xf32, #tpu.memory_space<vmem>>
      %dma_wait3A_177 = tpu.memref_squeeze %dma_wait3A_176 : memref<1x128x32xf32, #tpu.memory_space<vmem>> -> memref<128x32xf32, #tpu.memory_space<vmem>>
      %dma_wait3A_178 = arith.constant 0 : i32
      %dma_wait3A_179 = arith.constant 0 : i32
      %dma_wait3A_180 = tpu.memref_slice %arg2[%dma_wait3A_178, %dma_wait3A_179] : memref<1000000x32xf32, #tpu.memory_space<hbm>> -> memref<128x32xf32, #tpu.memory_space<hbm>>
      %dma_wait3A_181 = arith.constant 0 : i32
      %dma_wait3A_182 = arith.constant 0 : i32
      %dma_wait3A_183 = tpu.memref_slice %arg6[%dma_wait3A_173, %dma_wait3A_181, %dma_wait3A_182] : memref<5x128x32xf32, #tpu.memory_space<vmem>> -> memref<1x128x32xf32, #tpu.memory_space<vmem>>
      %dma_wait3A_184 = tpu.memref_squeeze %dma_wait3A_183 : memref<1x128x32xf32, #tpu.memory_space<vmem>> -> memref<128x32xf32, #tpu.memory_space<vmem>>
      %dma_wait3A_185 = arith.constant 0 : i32
      %dma_wait3A_186 = arith.constant 0 : i32
      %dma_wait3A_187 = tpu.memref_slice %arg2[%dma_wait3A_185, %dma_wait3A_186] : memref<1000000x32xf32, #tpu.memory_space<hbm>> -> memref<128x32xf32, #tpu.memory_space<hbm>>
      tpu.wait_dma2 semaphore(%arg10 : memref<!tpu.dma_semaphore, #tpu.memory_space<semaphore_mem>>) src(%dma_wait3A_187 : memref<128x32xf32, #tpu.memory_space<hbm>>) dst(%dma_wait3A_184 : memref<128x32xf32, #tpu.memory_space<vmem>>)
      %dma_wait3A_188 = arith.constant 3 : i32
      %dma_wait3A_189 = arith.constant 0 : i32
      %dma_wait3A_190 = arith.constant 0 : i32
      %dma_wait3A_191 = tpu.memref_slice %arg6[%dma_wait3A_188, %dma_wait3A_189, %dma_wait3A_190] : memref<5x128x32xf32, #tpu.memory_space<vmem>> -> memref<1x128x32xf32, #tpu.memory_space<vmem>>
      %dma_wait3A_192 = tpu.memref_squeeze %dma_wait3A_191 : memref<1x128x32xf32, #tpu.memory_space<vmem>> -> memref<128x32xf32, #tpu.memory_space<vmem>>
      %dma_wait3A_193 = arith.constant 0 : i32
      %dma_wait3A_194 = arith.constant 0 : i32
      %dma_wait3A_195 = tpu.memref_slice %arg2[%dma_wait3A_193, %dma_wait3A_194] : memref<1000000x32xf32, #tpu.memory_space<hbm>> -> memref<128x32xf32, #tpu.memory_space<hbm>>
      %dma_wait3A_196 = arith.constant 0 : i32
      %dma_wait3A_197 = arith.constant 0 : i32
      %dma_wait3A_198 = tpu.memref_slice %arg6[%dma_wait3A_188, %dma_wait3A_196, %dma_wait3A_197] : memref<5x128x32xf32, #tpu.memory_space<vmem>> -> memref<1x128x32xf32, #tpu.memory_space<vmem>>
      %dma_wait3A_199 = tpu.memref_squeeze %dma_wait3A_198 : memref<1x128x32xf32, #tpu.memory_space<vmem>> -> memref<128x32xf32, #tpu.memory_space<vmem>>
      %dma_wait3A_200 = arith.constant 0 : i32
      %dma_wait3A_201 = arith.constant 0 : i32
      %dma_wait3A_202 = tpu.memref_slice %arg2[%dma_wait3A_200, %dma_wait3A_201] : memref<1000000x32xf32, #tpu.memory_space<hbm>> -> memref<128x32xf32, #tpu.memory_space<hbm>>
      tpu.wait_dma2 semaphore(%arg10 : memref<!tpu.dma_semaphore, #tpu.memory_space<semaphore_mem>>) src(%dma_wait3A_202 : memref<128x32xf32, #tpu.memory_space<hbm>>) dst(%dma_wait3A_199 : memref<128x32xf32, #tpu.memory_space<vmem>>)
      %dma_wait3A_203 = arith.constant 4 : i32
      %dma_wait3A_204 = arith.constant 0 : i32
      %dma_wait3A_205 = arith.constant 0 : i32
      %dma_wait3A_206 = tpu.memref_slice %arg6[%dma_wait3A_203, %dma_wait3A_204, %dma_wait3A_205] : memref<5x128x32xf32, #tpu.memory_space<vmem>> -> memref<1x128x32xf32, #tpu.memory_space<vmem>>
      %dma_wait3A_207 = tpu.memref_squeeze %dma_wait3A_206 : memref<1x128x32xf32, #tpu.memory_space<vmem>> -> memref<128x32xf32, #tpu.memory_space<vmem>>
      %dma_wait3A_208 = arith.constant 0 : i32
      %dma_wait3A_209 = arith.constant 0 : i32
      %dma_wait3A_210 = tpu.memref_slice %arg2[%dma_wait3A_208, %dma_wait3A_209] : memref<1000000x32xf32, #tpu.memory_space<hbm>> -> memref<128x32xf32, #tpu.memory_space<hbm>>
      %dma_wait3A_211 = arith.constant 0 : i32
      %dma_wait3A_212 = arith.constant 0 : i32
      %dma_wait3A_213 = tpu.memref_slice %arg6[%dma_wait3A_203, %dma_wait3A_211, %dma_wait3A_212] : memref<5x128x32xf32, #tpu.memory_space<vmem>> -> memref<1x128x32xf32, #tpu.memory_space<vmem>>
      %dma_wait3A_214 = tpu.memref_squeeze %dma_wait3A_213 : memref<1x128x32xf32, #tpu.memory_space<vmem>> -> memref<128x32xf32, #tpu.memory_space<vmem>>
      %dma_wait3A_215 = arith.constant 0 : i32
      %dma_wait3A_216 = arith.constant 0 : i32
      %dma_wait3A_217 = tpu.memref_slice %arg2[%dma_wait3A_215, %dma_wait3A_216] : memref<1000000x32xf32, #tpu.memory_space<hbm>> -> memref<128x32xf32, #tpu.memory_space<hbm>>
      tpu.wait_dma2 semaphore(%arg10 : memref<!tpu.dma_semaphore, #tpu.memory_space<semaphore_mem>>) src(%dma_wait3A_217 : memref<128x32xf32, #tpu.memory_space<hbm>>) dst(%dma_wait3A_214 : memref<128x32xf32, #tpu.memory_space<vmem>>)
      %ge3A = arith.constant 2 : i32
      %ge3A_218 = arith.cmpi sge, %add3A_138, %ge3A : i32
      %convert_element_type3A_219 = arith.extui %ge3A_218 : i1 to i32
      %cond3A_220 = arith.constant 0 : i32
      %cond3A_221 = arith.cmpi ne, %convert_element_type3A_219, %cond3A_220 : i32
      scf.if %cond3A_221 {
        %dma_wait3A_427 = arith.constant 0 : i32
        %dma_wait3A_428 = arith.constant 0 : i32
        %dma_wait3A_429 = arith.constant 0 : i32
        %dma_wait3A_430 = arith.constant 0 : i32
        %dma_wait3A_431 = arith.constant 0 : i32
        %dma_wait3A_432 = tpu.memref_slice %arg8[%dma_wait3A_428, %dma_wait3A_429, %dma_wait3A_430, %dma_wait3A_431] : memref<5x4x8x133xf32, #tpu.memory_space<vmem>> -> memref<5x4x8x128xf32, #tpu.memory_space<vmem>>
        %dma_wait3A_433 = arith.constant 0 : i32
        %dma_wait3A_434 = arith.constant 0 : i32
        %dma_wait3A_435 = arith.constant 0 : i32
        %dma_wait3A_436 = arith.constant 0 : i32
        %dma_wait3A_437 = tpu.memref_slice %arg4[%dma_wait3A_433, %dma_wait3A_434, %dma_wait3A_427, %dma_wait3A_435, %dma_wait3A_436] : memref<200x4x32x8x128xf32, #tpu.memory_space<hbm>> -> memref<5x4x1x8x128xf32, #tpu.memory_space<hbm>>
        %dma_wait3A_438 = tpu.memref_squeeze %dma_wait3A_437 : memref<5x4x1x8x128xf32, #tpu.memory_space<hbm>> -> memref<5x4x8x128xf32, #tpu.memory_space<hbm>>
        %dma_wait3A_439 = arith.constant 0 : i32
        %dma_wait3A_440 = arith.constant 0 : i32
        %dma_wait3A_441 = arith.constant 0 : i32
        %dma_wait3A_442 = arith.constant 0 : i32
        %dma_wait3A_443 = tpu.memref_slice %arg8[%dma_wait3A_439, %dma_wait3A_440, %dma_wait3A_441, %dma_wait3A_442] : memref<5x4x8x133xf32, #tpu.memory_space<vmem>> -> memref<5x4x8x128xf32, #tpu.memory_space<vmem>>
        %dma_wait3A_444 = arith.constant 0 : i32
        %dma_wait3A_445 = arith.constant 0 : i32
        %dma_wait3A_446 = arith.constant 0 : i32
        %dma_wait3A_447 = arith.constant 0 : i32
        %dma_wait3A_448 = tpu.memref_slice %arg4[%dma_wait3A_444, %dma_wait3A_445, %dma_wait3A_427, %dma_wait3A_446, %dma_wait3A_447] : memref<200x4x32x8x128xf32, #tpu.memory_space<hbm>> -> memref<5x4x1x8x128xf32, #tpu.memory_space<hbm>>
        %dma_wait3A_449 = tpu.memref_squeeze %dma_wait3A_448 : memref<5x4x1x8x128xf32, #tpu.memory_space<hbm>> -> memref<5x4x8x128xf32, #tpu.memory_space<hbm>>
        tpu.wait_dma2 semaphore(%arg12 : memref<!tpu.dma_semaphore, #tpu.memory_space<semaphore_mem>>) src(%dma_wait3A_449 : memref<5x4x8x128xf32, #tpu.memory_space<hbm>>) dst(%dma_wait3A_443 : memref<5x4x8x128xf32, #tpu.memory_space<vmem>>)
      } else {
      }
      %scan3A_222 = arith.constant 0 : i32
      %scan3A_223 = arith.constant 0 : i32
      %scan3A_224 = arith.constant 0 : i32
      %scan3A_225 = arith.constant 32 : i32
      %scan3A_226 = arith.addi %scan3A_224, %scan3A_225 : i32
      %scan3A_227 = arith.constant 1 : i32
      scf.for %scan3A_427 = %scan3A_224 to %scan3A_226 step %scan3A_227  : i32 {
        %mul3A_428 = arith.constant 4 : i32
        %mul3A_429 = arith.muli %scan3A_427, %mul3A_428 : i32
        %add3A_430 = arith.constant 0 : i32
        %add3A_431 = arith.addi %mul3A_429, %add3A_430 : i32
        %broadcast_in_dim3A = vector.broadcast %add3A_431 : i32 to vector<16xi32>
        %get3A = arith.constant 0 : i32
        %get3A_432 = arith.index_cast %get3A : i32 to index
        %get3A_433 = arith.index_cast %add3A_431 : i32 to index
        %get3A_434 = arith.constant 0 : index
        %get3A_435 = tpu.vector_load %arg6[%get3A_432, %get3A_433, %get3A_434] {strides = array<i32>} : memref<5x128x32xf32, #tpu.memory_space<vmem>>, vector<16xf32>,
        %mul3A_436 = arith.constant 5.65685415 : f32
        %mul3A_437 = vector.broadcast %mul3A_436 : f32 to vector<16xf32>
        %mul3A_438 = arith.mulf %get3A_435, %mul3A_437 : vector<16xf32>
        %scatter3A = arith.constant 0 : i32
        %scatter3A_439 = arith.constant 0 : i32
        %scatter3A_440 = arith.constant 0 : i32
        %scatter3A_441 = tpu.memref_slice %arg8[%scan3A_223, %scatter3A, %scatter3A_439, %scatter3A_440] : memref<5x4x8x133xf32, #tpu.memory_space<vmem>> -> memref<1x4x8x133xf32, #tpu.memory_space<vmem>>
        %scatter3A_442 = tpu.memref_squeeze %scatter3A_441 : memref<1x4x8x133xf32, #tpu.memory_space<vmem>> -> memref<4x8x133xf32, #tpu.memory_space<vmem>>
        tpu.vector_store_idx %scatter3A_442[%shift_right_logical3A_5, %and3A_16, %broadcast_in_dim3A], %mul3A_438 : memref<4x8x133xf32, #tpu.memory_space<vmem>>[vector<16xi32>, vector<16xi32>, vector<16xi32>], vector<16xf32>,
        %get3A_443 = arith.constant 0 : i32
        %get3A_444 = arith.index_cast %get3A_443 : i32 to index
        %get3A_445 = arith.index_cast %add3A_431 : i32 to index
        %get3A_446 = arith.constant 16 : index
        %get3A_447 = tpu.vector_load %arg6[%get3A_444, %get3A_445, %get3A_446] {strides = array<i32>} : memref<5x128x32xf32, #tpu.memory_space<vmem>>, vector<16xf32>,
        %mul3A_448 = arith.constant 5.65685415 : f32
        %mul3A_449 = vector.broadcast %mul3A_448 : f32 to vector<16xf32>
        %mul3A_450 = arith.mulf %get3A_447, %mul3A_449 : vector<16xf32>
        %scatter3A_451 = arith.constant 0 : i32
        %scatter3A_452 = arith.constant 0 : i32
        %scatter3A_453 = arith.constant 0 : i32
        %scatter3A_454 = tpu.memref_slice %arg8[%scan3A_223, %scatter3A_451, %scatter3A_452, %scatter3A_453] : memref<5x4x8x133xf32, #tpu.memory_space<vmem>> -> memref<1x4x8x133xf32, #tpu.memory_space<vmem>>
        %scatter3A_455 = tpu.memref_squeeze %scatter3A_454 : memref<1x4x8x133xf32, #tpu.memory_space<vmem>> -> memref<4x8x133xf32, #tpu.memory_space<vmem>>
        tpu.vector_store_idx %scatter3A_455[%shift_right_logical3A_11, %and3A_22, %broadcast_in_dim3A], %mul3A_450 : memref<4x8x133xf32, #tpu.memory_space<vmem>>[vector<16xi32>, vector<16xi32>, vector<16xi32>], vector<16xf32>,
        %mul3A_456 = arith.constant 4 : i32
        %mul3A_457 = arith.muli %scan3A_427, %mul3A_456 : i32
        %add3A_458 = arith.constant 1 : i32
        %add3A_459 = arith.addi %mul3A_457, %add3A_458 : i32
        %broadcast_in_dim3A_460 = vector.broadcast %add3A_459 : i32 to vector<16xi32>
        %get3A_461 = arith.constant 0 : i32
        %get3A_462 = arith.index_cast %get3A_461 : i32 to index
        %get3A_463 = arith.index_cast %add3A_459 : i32 to index
        %get3A_464 = arith.constant 0 : index
        %get3A_465 = tpu.vector_load %arg6[%get3A_462, %get3A_463, %get3A_464] {strides = array<i32>} : memref<5x128x32xf32, #tpu.memory_space<vmem>>, vector<16xf32>,
        %mul3A_466 = arith.constant 5.65685415 : f32
        %mul3A_467 = vector.broadcast %mul3A_466 : f32 to vector<16xf32>
        %mul3A_468 = arith.mulf %get3A_465, %mul3A_467 : vector<16xf32>
        %scatter3A_469 = arith.constant 0 : i32
        %scatter3A_470 = arith.constant 0 : i32
        %scatter3A_471 = arith.constant 0 : i32
        %scatter3A_472 = tpu.memref_slice %arg8[%scan3A_223, %scatter3A_469, %scatter3A_470, %scatter3A_471] : memref<5x4x8x133xf32, #tpu.memory_space<vmem>> -> memref<1x4x8x133xf32, #tpu.memory_space<vmem>>
        %scatter3A_473 = tpu.memref_squeeze %scatter3A_472 : memref<1x4x8x133xf32, #tpu.memory_space<vmem>> -> memref<4x8x133xf32, #tpu.memory_space<vmem>>
        tpu.vector_store_idx %scatter3A_473[%shift_right_logical3A_5, %and3A_16, %broadcast_in_dim3A_460], %mul3A_468 : memref<4x8x133xf32, #tpu.memory_space<vmem>>[vector<16xi32>, vector<16xi32>, vector<16xi32>], vector<16xf32>,
        %get3A_474 = arith.constant 0 : i32
        %get3A_475 = arith.index_cast %get3A_474 : i32 to index
        %get3A_476 = arith.index_cast %add3A_459 : i32 to index
        %get3A_477 = arith.constant 16 : index
        %get3A_478 = tpu.vector_load %arg6[%get3A_475, %get3A_476, %get3A_477] {strides = array<i32>} : memref<5x128x32xf32, #tpu.memory_space<vmem>>, vector<16xf32>,
        %mul3A_479 = arith.constant 5.65685415 : f32
        %mul3A_480 = vector.broadcast %mul3A_479 : f32 to vector<16xf32>
        %mul3A_481 = arith.mulf %get3A_478, %mul3A_480 : vector<16xf32>
        %scatter3A_482 = arith.constant 0 : i32
        %scatter3A_483 = arith.constant 0 : i32
        %scatter3A_484 = arith.constant 0 : i32
        %scatter3A_485 = tpu.memref_slice %arg8[%scan3A_223, %scatter3A_482, %scatter3A_483, %scatter3A_484] : memref<5x4x8x133xf32, #tpu.memory_space<vmem>> -> memref<1x4x8x133xf32, #tpu.memory_space<vmem>>
        %scatter3A_486 = tpu.memref_squeeze %scatter3A_485 : memref<1x4x8x133xf32, #tpu.memory_space<vmem>> -> memref<4x8x133xf32, #tpu.memory_space<vmem>>
        tpu.vector_store_idx %scatter3A_486[%shift_right_logical3A_11, %and3A_22, %broadcast_in_dim3A_460], %mul3A_481 : memref<4x8x133xf32, #tpu.memory_space<vmem>>[vector<16xi32>, vector<16xi32>, vector<16xi32>], vector<16xf32>,
        %mul3A_487 = arith.constant 4 : i32
        %mul3A_488 = arith.muli %scan3A_427, %mul3A_487 : i32
        %add3A_489 = arith.constant 2 : i32
        %add3A_490 = arith.addi %mul3A_488, %add3A_489 : i32
        %broadcast_in_dim3A_491 = vector.broadcast %add3A_490 : i32 to vector<16xi32>
        %get3A_492 = arith.constant 0 : i32
        %get3A_493 = arith.index_cast %get3A_492 : i32 to index
        %get3A_494 = arith.index_cast %add3A_490 : i32 to index
        %get3A_495 = arith.constant 0 : index
        %get3A_496 = tpu.vector_load %arg6[%get3A_493, %get3A_494, %get3A_495] {strides = array<i32>} : memref<5x128x32xf32, #tpu.memory_space<vmem>>, vector<16xf32>,
        %mul3A_497 = arith.constant 5.65685415 : f32
        %mul3A_498 = vector.broadcast %mul3A_497 : f32 to vector<16xf32>
        %mul3A_499 = arith.mulf %get3A_496, %mul3A_498 : vector<16xf32>
        %scatter3A_500 = arith.constant 0 : i32
        %scatter3A_501 = arith.constant 0 : i32
        %scatter3A_502 = arith.constant 0 : i32
        %scatter3A_503 = tpu.memref_slice %arg8[%scan3A_223, %scatter3A_500, %scatter3A_501, %scatter3A_502] : memref<5x4x8x133xf32, #tpu.memory_space<vmem>> -> memref<1x4x8x133xf32, #tpu.memory_space<vmem>>
        %scatter3A_504 = tpu.memref_squeeze %scatter3A_503 : memref<1x4x8x133xf32, #tpu.memory_space<vmem>> -> memref<4x8x133xf32, #tpu.memory_space<vmem>>
        tpu.vector_store_idx %scatter3A_504[%shift_right_logical3A_5, %and3A_16, %broadcast_in_dim3A_491], %mul3A_499 : memref<4x8x133xf32, #tpu.memory_space<vmem>>[vector<16xi32>, vector<16xi32>, vector<16xi32>], vector<16xf32>,
        %get3A_505 = arith.constant 0 : i32
        %get3A_506 = arith.index_cast %get3A_505 : i32 to index
        %get3A_507 = arith.index_cast %add3A_490 : i32 to index
        %get3A_508 = arith.constant 16 : index
        %get3A_509 = tpu.vector_load %arg6[%get3A_506, %get3A_507, %get3A_508] {strides = array<i32>} : memref<5x128x32xf32, #tpu.memory_space<vmem>>, vector<16xf32>,
        %mul3A_510 = arith.constant 5.65685415 : f32
        %mul3A_511 = vector.broadcast %mul3A_510 : f32 to vector<16xf32>
        %mul3A_512 = arith.mulf %get3A_509, %mul3A_511 : vector<16xf32>
        %scatter3A_513 = arith.constant 0 : i32
        %scatter3A_514 = arith.constant 0 : i32
        %scatter3A_515 = arith.constant 0 : i32
        %scatter3A_516 = tpu.memref_slice %arg8[%scan3A_223, %scatter3A_513, %scatter3A_514, %scatter3A_515] : memref<5x4x8x133xf32, #tpu.memory_space<vmem>> -> memref<1x4x8x133xf32, #tpu.memory_space<vmem>>
        %scatter3A_517 = tpu.memref_squeeze %scatter3A_516 : memref<1x4x8x133xf32, #tpu.memory_space<vmem>> -> memref<4x8x133xf32, #tpu.memory_space<vmem>>
        tpu.vector_store_idx %scatter3A_517[%shift_right_logical3A_11, %and3A_22, %broadcast_in_dim3A_491], %mul3A_512 : memref<4x8x133xf32, #tpu.memory_space<vmem>>[vector<16xi32>, vector<16xi32>, vector<16xi32>], vector<16xf32>,
        %mul3A_518 = arith.constant 4 : i32
        %mul3A_519 = arith.muli %scan3A_427, %mul3A_518 : i32
        %add3A_520 = arith.constant 3 : i32
        %add3A_521 = arith.addi %mul3A_519, %add3A_520 : i32
        %broadcast_in_dim3A_522 = vector.broadcast %add3A_521 : i32 to vector<16xi32>
        %get3A_523 = arith.constant 0 : i32
        %get3A_524 = arith.index_cast %get3A_523 : i32 to index
        %get3A_525 = arith.index_cast %add3A_521 : i32 to index
        %get3A_526 = arith.constant 0 : index
        %get3A_527 = tpu.vector_load %arg6[%get3A_524, %get3A_525, %get3A_526] {strides = array<i32>} : memref<5x128x32xf32, #tpu.memory_space<vmem>>, vector<16xf32>,
        %mul3A_528 = arith.constant 5.65685415 : f32
        %mul3A_529 = vector.broadcast %mul3A_528 : f32 to vector<16xf32>
        %mul3A_530 = arith.mulf %get3A_527, %mul3A_529 : vector<16xf32>
        %scatter3A_531 = arith.constant 0 : i32
        %scatter3A_532 = arith.constant 0 : i32
        %scatter3A_533 = arith.constant 0 : i32
        %scatter3A_534 = tpu.memref_slice %arg8[%scan3A_223, %scatter3A_531, %scatter3A_532, %scatter3A_533] : memref<5x4x8x133xf32, #tpu.memory_space<vmem>> -> memref<1x4x8x133xf32, #tpu.memory_space<vmem>>
        %scatter3A_535 = tpu.memref_squeeze %scatter3A_534 : memref<1x4x8x133xf32, #tpu.memory_space<vmem>> -> memref<4x8x133xf32, #tpu.memory_space<vmem>>
        tpu.vector_store_idx %scatter3A_535[%shift_right_logical3A_5, %and3A_16, %broadcast_in_dim3A_522], %mul3A_530 : memref<4x8x133xf32, #tpu.memory_space<vmem>>[vector<16xi32>, vector<16xi32>, vector<16xi32>], vector<16xf32>,
        %get3A_536 = arith.constant 0 : i32
        %get3A_537 = arith.index_cast %get3A_536 : i32 to index
        %get3A_538 = arith.index_cast %add3A_521 : i32 to index
        %get3A_539 = arith.constant 16 : index
        %get3A_540 = tpu.vector_load %arg6[%get3A_537, %get3A_538, %get3A_539] {strides = array<i32>} : memref<5x128x32xf32, #tpu.memory_space<vmem>>, vector<16xf32>,
        %mul3A_541 = arith.constant 5.65685415 : f32
        %mul3A_542 = vector.broadcast %mul3A_541 : f32 to vector<16xf32>
        %mul3A_543 = arith.mulf %get3A_540, %mul3A_542 : vector<16xf32>
        %scatter3A_544 = arith.constant 0 : i32
        %scatter3A_545 = arith.constant 0 : i32
        %scatter3A_546 = arith.constant 0 : i32
        %scatter3A_547 = tpu.memref_slice %arg8[%scan3A_223, %scatter3A_544, %scatter3A_545, %scatter3A_546] : memref<5x4x8x133xf32, #tpu.memory_space<vmem>> -> memref<1x4x8x133xf32, #tpu.memory_space<vmem>>
        %scatter3A_548 = tpu.memref_squeeze %scatter3A_547 : memref<1x4x8x133xf32, #tpu.memory_space<vmem>> -> memref<4x8x133xf32, #tpu.memory_space<vmem>>
        tpu.vector_store_idx %scatter3A_548[%shift_right_logical3A_11, %and3A_22, %broadcast_in_dim3A_522], %mul3A_543 : memref<4x8x133xf32, #tpu.memory_space<vmem>>[vector<16xi32>, vector<16xi32>, vector<16xi32>], vector<16xf32>,
      }
      %scan3A_228 = arith.constant 32 : i32
      %scan3A_229 = arith.constant 0 : i32
      %scan3A_230 = arith.constant 1 : i32
      %scan3A_231 = arith.constant 0 : i32
      %scan3A_232 = arith.constant 32 : i32
      %scan3A_233 = arith.addi %scan3A_231, %scan3A_232 : i32
      %scan3A_234 = arith.constant 1 : i32
      scf.for %scan3A_427 = %scan3A_231 to %scan3A_233 step %scan3A_234  : i32 {
        %mul3A_428 = arith.constant 4 : i32
        %mul3A_429 = arith.muli %scan3A_427, %mul3A_428 : i32
        %add3A_430 = arith.constant 0 : i32
        %add3A_431 = arith.addi %mul3A_429, %add3A_430 : i32
        %broadcast_in_dim3A = vector.broadcast %add3A_431 : i32 to vector<16xi32>
        %get3A = arith.constant 1 : i32
        %get3A_432 = arith.index_cast %get3A : i32 to index
        %get3A_433 = arith.index_cast %add3A_431 : i32 to index
        %get3A_434 = arith.constant 0 : index
        %get3A_435 = tpu.vector_load %arg6[%get3A_432, %get3A_433, %get3A_434] {strides = array<i32>} : memref<5x128x32xf32, #tpu.memory_space<vmem>>, vector<16xf32>,
        %mul3A_436 = arith.constant 5.65685415 : f32
        %mul3A_437 = vector.broadcast %mul3A_436 : f32 to vector<16xf32>
        %mul3A_438 = arith.mulf %get3A_435, %mul3A_437 : vector<16xf32>
        %scatter3A = arith.constant 0 : i32
        %scatter3A_439 = arith.constant 0 : i32
        %scatter3A_440 = arith.constant 0 : i32
        %scatter3A_441 = tpu.memref_slice %arg8[%scan3A_230, %scatter3A, %scatter3A_439, %scatter3A_440] : memref<5x4x8x133xf32, #tpu.memory_space<vmem>> -> memref<1x4x8x133xf32, #tpu.memory_space<vmem>>
        %scatter3A_442 = tpu.memref_squeeze %scatter3A_441 : memref<1x4x8x133xf32, #tpu.memory_space<vmem>> -> memref<4x8x133xf32, #tpu.memory_space<vmem>>
        tpu.vector_store_idx %scatter3A_442[%shift_right_logical3A_5, %and3A_16, %broadcast_in_dim3A], %mul3A_438 : memref<4x8x133xf32, #tpu.memory_space<vmem>>[vector<16xi32>, vector<16xi32>, vector<16xi32>], vector<16xf32>,
        %get3A_443 = arith.constant 1 : i32
        %get3A_444 = arith.index_cast %get3A_443 : i32 to index
        %get3A_445 = arith.index_cast %add3A_431 : i32 to index
        %get3A_446 = arith.constant 16 : index
        %get3A_447 = tpu.vector_load %arg6[%get3A_444, %get3A_445, %get3A_446] {strides = array<i32>} : memref<5x128x32xf32, #tpu.memory_space<vmem>>, vector<16xf32>,
        %mul3A_448 = arith.constant 5.65685415 : f32
        %mul3A_449 = vector.broadcast %mul3A_448 : f32 to vector<16xf32>
        %mul3A_450 = arith.mulf %get3A_447, %mul3A_449 : vector<16xf32>
        %scatter3A_451 = arith.constant 0 : i32
        %scatter3A_452 = arith.constant 0 : i32
        %scatter3A_453 = arith.constant 0 : i32
        %scatter3A_454 = tpu.memref_slice %arg8[%scan3A_230, %scatter3A_451, %scatter3A_452, %scatter3A_453] : memref<5x4x8x133xf32, #tpu.memory_space<vmem>> -> memref<1x4x8x133xf32, #tpu.memory_space<vmem>>
        %scatter3A_455 = tpu.memref_squeeze %scatter3A_454 : memref<1x4x8x133xf32, #tpu.memory_space<vmem>> -> memref<4x8x133xf32, #tpu.memory_space<vmem>>
        tpu.vector_store_idx %scatter3A_455[%shift_right_logical3A_11, %and3A_22, %broadcast_in_dim3A], %mul3A_450 : memref<4x8x133xf32, #tpu.memory_space<vmem>>[vector<16xi32>, vector<16xi32>, vector<16xi32>], vector<16xf32>,
        %mul3A_456 = arith.constant 4 : i32
        %mul3A_457 = arith.muli %scan3A_427, %mul3A_456 : i32
        %add3A_458 = arith.constant 1 : i32
        %add3A_459 = arith.addi %mul3A_457, %add3A_458 : i32
        %broadcast_in_dim3A_460 = vector.broadcast %add3A_459 : i32 to vector<16xi32>
        %get3A_461 = arith.constant 1 : i32
        %get3A_462 = arith.index_cast %get3A_461 : i32 to index
        %get3A_463 = arith.index_cast %add3A_459 : i32 to index
        %get3A_464 = arith.constant 0 : index
        %get3A_465 = tpu.vector_load %arg6[%get3A_462, %get3A_463, %get3A_464] {strides = array<i32>} : memref<5x128x32xf32, #tpu.memory_space<vmem>>, vector<16xf32>,
        %mul3A_466 = arith.constant 5.65685415 : f32
        %mul3A_467 = vector.broadcast %mul3A_466 : f32 to vector<16xf32>
        %mul3A_468 = arith.mulf %get3A_465, %mul3A_467 : vector<16xf32>
        %scatter3A_469 = arith.constant 0 : i32
        %scatter3A_470 = arith.constant 0 : i32
        %scatter3A_471 = arith.constant 0 : i32
        %scatter3A_472 = tpu.memref_slice %arg8[%scan3A_230, %scatter3A_469, %scatter3A_470, %scatter3A_471] : memref<5x4x8x133xf32, #tpu.memory_space<vmem>> -> memref<1x4x8x133xf32, #tpu.memory_space<vmem>>
        %scatter3A_473 = tpu.memref_squeeze %scatter3A_472 : memref<1x4x8x133xf32, #tpu.memory_space<vmem>> -> memref<4x8x133xf32, #tpu.memory_space<vmem>>
        tpu.vector_store_idx %scatter3A_473[%shift_right_logical3A_5, %and3A_16, %broadcast_in_dim3A_460], %mul3A_468 : memref<4x8x133xf32, #tpu.memory_space<vmem>>[vector<16xi32>, vector<16xi32>, vector<16xi32>], vector<16xf32>,
        %get3A_474 = arith.constant 1 : i32
        %get3A_475 = arith.index_cast %get3A_474 : i32 to index
        %get3A_476 = arith.index_cast %add3A_459 : i32 to index
        %get3A_477 = arith.constant 16 : index
        %get3A_478 = tpu.vector_load %arg6[%get3A_475, %get3A_476, %get3A_477] {strides = array<i32>} : memref<5x128x32xf32, #tpu.memory_space<vmem>>, vector<16xf32>,
        %mul3A_479 = arith.constant 5.65685415 : f32
        %mul3A_480 = vector.broadcast %mul3A_479 : f32 to vector<16xf32>
        %mul3A_481 = arith.mulf %get3A_478, %mul3A_480 : vector<16xf32>
        %scatter3A_482 = arith.constant 0 : i32
        %scatter3A_483 = arith.constant 0 : i32
        %scatter3A_484 = arith.constant 0 : i32
        %scatter3A_485 = tpu.memref_slice %arg8[%scan3A_230, %scatter3A_482, %scatter3A_483, %scatter3A_484] : memref<5x4x8x133xf32, #tpu.memory_space<vmem>> -> memref<1x4x8x133xf32, #tpu.memory_space<vmem>>
        %scatter3A_486 = tpu.memref_squeeze %scatter3A_485 : memref<1x4x8x133xf32, #tpu.memory_space<vmem>> -> memref<4x8x133xf32, #tpu.memory_space<vmem>>
        tpu.vector_store_idx %scatter3A_486[%shift_right_logical3A_11, %and3A_22, %broadcast_in_dim3A_460], %mul3A_481 : memref<4x8x133xf32, #tpu.memory_space<vmem>>[vector<16xi32>, vector<16xi32>, vector<16xi32>], vector<16xf32>,
        %mul3A_487 = arith.constant 4 : i32
        %mul3A_488 = arith.muli %scan3A_427, %mul3A_487 : i32
        %add3A_489 = arith.constant 2 : i32
        %add3A_490 = arith.addi %mul3A_488, %add3A_489 : i32
        %broadcast_in_dim3A_491 = vector.broadcast %add3A_490 : i32 to vector<16xi32>
        %get3A_492 = arith.constant 1 : i32
        %get3A_493 = arith.index_cast %get3A_492 : i32 to index
        %get3A_494 = arith.index_cast %add3A_490 : i32 to index
        %get3A_495 = arith.constant 0 : index
        %get3A_496 = tpu.vector_load %arg6[%get3A_493, %get3A_494, %get3A_495] {strides = array<i32>} : memref<5x128x32xf32, #tpu.memory_space<vmem>>, vector<16xf32>,
        %mul3A_497 = arith.constant 5.65685415 : f32
        %mul3A_498 = vector.broadcast %mul3A_497 : f32 to vector<16xf32>
        %mul3A_499 = arith.mulf %get3A_496, %mul3A_498 : vector<16xf32>
        %scatter3A_500 = arith.constant 0 : i32
        %scatter3A_501 = arith.constant 0 : i32
        %scatter3A_502 = arith.constant 0 : i32
        %scatter3A_503 = tpu.memref_slice %arg8[%scan3A_230, %scatter3A_500, %scatter3A_501, %scatter3A_502] : memref<5x4x8x133xf32, #tpu.memory_space<vmem>> -> memref<1x4x8x133xf32, #tpu.memory_space<vmem>>
        %scatter3A_504 = tpu.memref_squeeze %scatter3A_503 : memref<1x4x8x133xf32, #tpu.memory_space<vmem>> -> memref<4x8x133xf32, #tpu.memory_space<vmem>>
        tpu.vector_store_idx %scatter3A_504[%shift_right_logical3A_5, %and3A_16, %broadcast_in_dim3A_491], %mul3A_499 : memref<4x8x133xf32, #tpu.memory_space<vmem>>[vector<16xi32>, vector<16xi32>, vector<16xi32>], vector<16xf32>,
        %get3A_505 = arith.constant 1 : i32
        %get3A_506 = arith.index_cast %get3A_505 : i32 to index
        %get3A_507 = arith.index_cast %add3A_490 : i32 to index
        %get3A_508 = arith.constant 16 : index
        %get3A_509 = tpu.vector_load %arg6[%get3A_506, %get3A_507, %get3A_508] {strides = array<i32>} : memref<5x128x32xf32, #tpu.memory_space<vmem>>, vector<16xf32>,
        %mul3A_510 = arith.constant 5.65685415 : f32
        %mul3A_511 = vector.broadcast %mul3A_510 : f32 to vector<16xf32>
        %mul3A_512 = arith.mulf %get3A_509, %mul3A_511 : vector<16xf32>
        %scatter3A_513 = arith.constant 0 : i32
        %scatter3A_514 = arith.constant 0 : i32
        %scatter3A_515 = arith.constant 0 : i32
        %scatter3A_516 = tpu.memref_slice %arg8[%scan3A_230, %scatter3A_513, %scatter3A_514, %scatter3A_515] : memref<5x4x8x133xf32, #tpu.memory_space<vmem>> -> memref<1x4x8x133xf32, #tpu.memory_space<vmem>>
        %scatter3A_517 = tpu.memref_squeeze %scatter3A_516 : memref<1x4x8x133xf32, #tpu.memory_space<vmem>> -> memref<4x8x133xf32, #tpu.memory_space<vmem>>
        tpu.vector_store_idx %scatter3A_517[%shift_right_logical3A_11, %and3A_22, %broadcast_in_dim3A_491], %mul3A_512 : memref<4x8x133xf32, #tpu.memory_space<vmem>>[vector<16xi32>, vector<16xi32>, vector<16xi32>], vector<16xf32>,
        %mul3A_518 = arith.constant 4 : i32
        %mul3A_519 = arith.muli %scan3A_427, %mul3A_518 : i32
        %add3A_520 = arith.constant 3 : i32
        %add3A_521 = arith.addi %mul3A_519, %add3A_520 : i32
        %broadcast_in_dim3A_522 = vector.broadcast %add3A_521 : i32 to vector<16xi32>
        %get3A_523 = arith.constant 1 : i32
        %get3A_524 = arith.index_cast %get3A_523 : i32 to index
        %get3A_525 = arith.index_cast %add3A_521 : i32 to index
        %get3A_526 = arith.constant 0 : index
        %get3A_527 = tpu.vector_load %arg6[%get3A_524, %get3A_525, %get3A_526] {strides = array<i32>} : memref<5x128x32xf32, #tpu.memory_space<vmem>>, vector<16xf32>,
        %mul3A_528 = arith.constant 5.65685415 : f32
        %mul3A_529 = vector.broadcast %mul3A_528 : f32 to vector<16xf32>
        %mul3A_530 = arith.mulf %get3A_527, %mul3A_529 : vector<16xf32>
        %scatter3A_531 = arith.constant 0 : i32
        %scatter3A_532 = arith.constant 0 : i32
        %scatter3A_533 = arith.constant 0 : i32
        %scatter3A_534 = tpu.memref_slice %arg8[%scan3A_230, %scatter3A_531, %scatter3A_532, %scatter3A_533] : memref<5x4x8x133xf32, #tpu.memory_space<vmem>> -> memref<1x4x8x133xf32, #tpu.memory_space<vmem>>
        %scatter3A_535 = tpu.memref_squeeze %scatter3A_534 : memref<1x4x8x133xf32, #tpu.memory_space<vmem>> -> memref<4x8x133xf32, #tpu.memory_space<vmem>>
        tpu.vector_store_idx %scatter3A_535[%shift_right_logical3A_5, %and3A_16, %broadcast_in_dim3A_522], %mul3A_530 : memref<4x8x133xf32, #tpu.memory_space<vmem>>[vector<16xi32>, vector<16xi32>, vector<16xi32>], vector<16xf32>,
        %get3A_536 = arith.constant 1 : i32
        %get3A_537 = arith.index_cast %get3A_536 : i32 to index
        %get3A_538 = arith.index_cast %add3A_521 : i32 to index
        %get3A_539 = arith.constant 16 : index
        %get3A_540 = tpu.vector_load %arg6[%get3A_537, %get3A_538, %get3A_539] {strides = array<i32>} : memref<5x128x32xf32, #tpu.memory_space<vmem>>, vector<16xf32>,
        %mul3A_541 = arith.constant 5.65685415 : f32
        %mul3A_542 = vector.broadcast %mul3A_541 : f32 to vector<16xf32>
        %mul3A_543 = arith.mulf %get3A_540, %mul3A_542 : vector<16xf32>
        %scatter3A_544 = arith.constant 0 : i32
        %scatter3A_545 = arith.constant 0 : i32
        %scatter3A_546 = arith.constant 0 : i32
        %scatter3A_547 = tpu.memref_slice %arg8[%scan3A_230, %scatter3A_544, %scatter3A_545, %scatter3A_546] : memref<5x4x8x133xf32, #tpu.memory_space<vmem>> -> memref<1x4x8x133xf32, #tpu.memory_space<vmem>>
        %scatter3A_548 = tpu.memref_squeeze %scatter3A_547 : memref<1x4x8x133xf32, #tpu.memory_space<vmem>> -> memref<4x8x133xf32, #tpu.memory_space<vmem>>
        tpu.vector_store_idx %scatter3A_548[%shift_right_logical3A_11, %and3A_22, %broadcast_in_dim3A_522], %mul3A_543 : memref<4x8x133xf32, #tpu.memory_space<vmem>>[vector<16xi32>, vector<16xi32>, vector<16xi32>], vector<16xf32>,
      }
      %scan3A_235 = arith.constant 32 : i32
      %scan3A_236 = arith.constant 0 : i32
      %scan3A_237 = arith.constant 2 : i32
      %scan3A_238 = arith.constant 0 : i32
      %scan3A_239 = arith.constant 32 : i32
      %scan3A_240 = arith.addi %scan3A_238, %scan3A_239 : i32
      %scan3A_241 = arith.constant 1 : i32
      scf.for %scan3A_427 = %scan3A_238 to %scan3A_240 step %scan3A_241  : i32 {
        %mul3A_428 = arith.constant 4 : i32
        %mul3A_429 = arith.muli %scan3A_427, %mul3A_428 : i32
        %add3A_430 = arith.constant 0 : i32
        %add3A_431 = arith.addi %mul3A_429, %add3A_430 : i32
        %broadcast_in_dim3A = vector.broadcast %add3A_431 : i32 to vector<16xi32>
        %get3A = arith.constant 2 : i32
        %get3A_432 = arith.index_cast %get3A : i32 to index
        %get3A_433 = arith.index_cast %add3A_431 : i32 to index
        %get3A_434 = arith.constant 0 : index
        %get3A_435 = tpu.vector_load %arg6[%get3A_432, %get3A_433, %get3A_434] {strides = array<i32>} : memref<5x128x32xf32, #tpu.memory_space<vmem>>, vector<16xf32>,
        %mul3A_436 = arith.constant 5.65685415 : f32
        %mul3A_437 = vector.broadcast %mul3A_436 : f32 to vector<16xf32>
        %mul3A_438 = arith.mulf %get3A_435, %mul3A_437 : vector<16xf32>
        %scatter3A = arith.constant 0 : i32
        %scatter3A_439 = arith.constant 0 : i32
        %scatter3A_440 = arith.constant 0 : i32
        %scatter3A_441 = tpu.memref_slice %arg8[%scan3A_237, %scatter3A, %scatter3A_439, %scatter3A_440] : memref<5x4x8x133xf32, #tpu.memory_space<vmem>> -> memref<1x4x8x133xf32, #tpu.memory_space<vmem>>
        %scatter3A_442 = tpu.memref_squeeze %scatter3A_441 : memref<1x4x8x133xf32, #tpu.memory_space<vmem>> -> memref<4x8x133xf32, #tpu.memory_space<vmem>>
        tpu.vector_store_idx %scatter3A_442[%shift_right_logical3A_5, %and3A_16, %broadcast_in_dim3A], %mul3A_438 : memref<4x8x133xf32, #tpu.memory_space<vmem>>[vector<16xi32>, vector<16xi32>, vector<16xi32>], vector<16xf32>,
        %get3A_443 = arith.constant 2 : i32
        %get3A_444 = arith.index_cast %get3A_443 : i32 to index
        %get3A_445 = arith.index_cast %add3A_431 : i32 to index
        %get3A_446 = arith.constant 16 : index
        %get3A_447 = tpu.vector_load %arg6[%get3A_444, %get3A_445, %get3A_446] {strides = array<i32>} : memref<5x128x32xf32, #tpu.memory_space<vmem>>, vector<16xf32>,
        %mul3A_448 = arith.constant 5.65685415 : f32
        %mul3A_449 = vector.broadcast %mul3A_448 : f32 to vector<16xf32>
        %mul3A_450 = arith.mulf %get3A_447, %mul3A_449 : vector<16xf32>
        %scatter3A_451 = arith.constant 0 : i32
        %scatter3A_452 = arith.constant 0 : i32
        %scatter3A_453 = arith.constant 0 : i32
        %scatter3A_454 = tpu.memref_slice %arg8[%scan3A_237, %scatter3A_451, %scatter3A_452, %scatter3A_453] : memref<5x4x8x133xf32, #tpu.memory_space<vmem>> -> memref<1x4x8x133xf32, #tpu.memory_space<vmem>>
        %scatter3A_455 = tpu.memref_squeeze %scatter3A_454 : memref<1x4x8x133xf32, #tpu.memory_space<vmem>> -> memref<4x8x133xf32, #tpu.memory_space<vmem>>
        tpu.vector_store_idx %scatter3A_455[%shift_right_logical3A_11, %and3A_22, %broadcast_in_dim3A], %mul3A_450 : memref<4x8x133xf32, #tpu.memory_space<vmem>>[vector<16xi32>, vector<16xi32>, vector<16xi32>], vector<16xf32>,
        %mul3A_456 = arith.constant 4 : i32
        %mul3A_457 = arith.muli %scan3A_427, %mul3A_456 : i32
        %add3A_458 = arith.constant 1 : i32
        %add3A_459 = arith.addi %mul3A_457, %add3A_458 : i32
        %broadcast_in_dim3A_460 = vector.broadcast %add3A_459 : i32 to vector<16xi32>
        %get3A_461 = arith.constant 2 : i32
        %get3A_462 = arith.index_cast %get3A_461 : i32 to index
        %get3A_463 = arith.index_cast %add3A_459 : i32 to index
        %get3A_464 = arith.constant 0 : index
        %get3A_465 = tpu.vector_load %arg6[%get3A_462, %get3A_463, %get3A_464] {strides = array<i32>} : memref<5x128x32xf32, #tpu.memory_space<vmem>>, vector<16xf32>,
        %mul3A_466 = arith.constant 5.65685415 : f32
        %mul3A_467 = vector.broadcast %mul3A_466 : f32 to vector<16xf32>
        %mul3A_468 = arith.mulf %get3A_465, %mul3A_467 : vector<16xf32>
        %scatter3A_469 = arith.constant 0 : i32
        %scatter3A_470 = arith.constant 0 : i32
        %scatter3A_471 = arith.constant 0 : i32
        %scatter3A_472 = tpu.memref_slice %arg8[%scan3A_237, %scatter3A_469, %scatter3A_470, %scatter3A_471] : memref<5x4x8x133xf32, #tpu.memory_space<vmem>> -> memref<1x4x8x133xf32, #tpu.memory_space<vmem>>
        %scatter3A_473 = tpu.memref_squeeze %scatter3A_472 : memref<1x4x8x133xf32, #tpu.memory_space<vmem>> -> memref<4x8x133xf32, #tpu.memory_space<vmem>>
        tpu.vector_store_idx %scatter3A_473[%shift_right_logical3A_5, %and3A_16, %broadcast_in_dim3A_460], %mul3A_468 : memref<4x8x133xf32, #tpu.memory_space<vmem>>[vector<16xi32>, vector<16xi32>, vector<16xi32>], vector<16xf32>,
        %get3A_474 = arith.constant 2 : i32
        %get3A_475 = arith.index_cast %get3A_474 : i32 to index
        %get3A_476 = arith.index_cast %add3A_459 : i32 to index
        %get3A_477 = arith.constant 16 : index
        %get3A_478 = tpu.vector_load %arg6[%get3A_475, %get3A_476, %get3A_477] {strides = array<i32>} : memref<5x128x32xf32, #tpu.memory_space<vmem>>, vector<16xf32>,
        %mul3A_479 = arith.constant 5.65685415 : f32
        %mul3A_480 = vector.broadcast %mul3A_479 : f32 to vector<16xf32>
        %mul3A_481 = arith.mulf %get3A_478, %mul3A_480 : vector<16xf32>
        %scatter3A_482 = arith.constant 0 : i32
        %scatter3A_483 = arith.constant 0 : i32
        %scatter3A_484 = arith.constant 0 : i32
        %scatter3A_485 = tpu.memref_slice %arg8[%scan3A_237, %scatter3A_482, %scatter3A_483, %scatter3A_484] : memref<5x4x8x133xf32, #tpu.memory_space<vmem>> -> memref<1x4x8x133xf32, #tpu.memory_space<vmem>>
        %scatter3A_486 = tpu.memref_squeeze %scatter3A_485 : memref<1x4x8x133xf32, #tpu.memory_space<vmem>> -> memref<4x8x133xf32, #tpu.memory_space<vmem>>
        tpu.vector_store_idx %scatter3A_486[%shift_right_logical3A_11, %and3A_22, %broadcast_in_dim3A_460], %mul3A_481 : memref<4x8x133xf32, #tpu.memory_space<vmem>>[vector<16xi32>, vector<16xi32>, vector<16xi32>], vector<16xf32>,
        %mul3A_487 = arith.constant 4 : i32
        %mul3A_488 = arith.muli %scan3A_427, %mul3A_487 : i32
        %add3A_489 = arith.constant 2 : i32
        %add3A_490 = arith.addi %mul3A_488, %add3A_489 : i32
        %broadcast_in_dim3A_491 = vector.broadcast %add3A_490 : i32 to vector<16xi32>
        %get3A_492 = arith.constant 2 : i32
        %get3A_493 = arith.index_cast %get3A_492 : i32 to index
        %get3A_494 = arith.index_cast %add3A_490 : i32 to index
        %get3A_495 = arith.constant 0 : index
        %get3A_496 = tpu.vector_load %arg6[%get3A_493, %get3A_494, %get3A_495] {strides = array<i32>} : memref<5x128x32xf32, #tpu.memory_space<vmem>>, vector<16xf32>,
        %mul3A_497 = arith.constant 5.65685415 : f32
        %mul3A_498 = vector.broadcast %mul3A_497 : f32 to vector<16xf32>
        %mul3A_499 = arith.mulf %get3A_496, %mul3A_498 : vector<16xf32>
        %scatter3A_500 = arith.constant 0 : i32
        %scatter3A_501 = arith.constant 0 : i32
        %scatter3A_502 = arith.constant 0 : i32
        %scatter3A_503 = tpu.memref_slice %arg8[%scan3A_237, %scatter3A_500, %scatter3A_501, %scatter3A_502] : memref<5x4x8x133xf32, #tpu.memory_space<vmem>> -> memref<1x4x8x133xf32, #tpu.memory_space<vmem>>
        %scatter3A_504 = tpu.memref_squeeze %scatter3A_503 : memref<1x4x8x133xf32, #tpu.memory_space<vmem>> -> memref<4x8x133xf32, #tpu.memory_space<vmem>>
        tpu.vector_store_idx %scatter3A_504[%shift_right_logical3A_5, %and3A_16, %broadcast_in_dim3A_491], %mul3A_499 : memref<4x8x133xf32, #tpu.memory_space<vmem>>[vector<16xi32>, vector<16xi32>, vector<16xi32>], vector<16xf32>,
        %get3A_505 = arith.constant 2 : i32
        %get3A_506 = arith.index_cast %get3A_505 : i32 to index
        %get3A_507 = arith.index_cast %add3A_490 : i32 to index
        %get3A_508 = arith.constant 16 : index
        %get3A_509 = tpu.vector_load %arg6[%get3A_506, %get3A_507, %get3A_508] {strides = array<i32>} : memref<5x128x32xf32, #tpu.memory_space<vmem>>, vector<16xf32>,
        %mul3A_510 = arith.constant 5.65685415 : f32
        %mul3A_511 = vector.broadcast %mul3A_510 : f32 to vector<16xf32>
        %mul3A_512 = arith.mulf %get3A_509, %mul3A_511 : vector<16xf32>
        %scatter3A_513 = arith.constant 0 : i32
        %scatter3A_514 = arith.constant 0 : i32
        %scatter3A_515 = arith.constant 0 : i32
        %scatter3A_516 = tpu.memref_slice %arg8[%scan3A_237, %scatter3A_513, %scatter3A_514, %scatter3A_515] : memref<5x4x8x133xf32, #tpu.memory_space<vmem>> -> memref<1x4x8x133xf32, #tpu.memory_space<vmem>>
        %scatter3A_517 = tpu.memref_squeeze %scatter3A_516 : memref<1x4x8x133xf32, #tpu.memory_space<vmem>> -> memref<4x8x133xf32, #tpu.memory_space<vmem>>
        tpu.vector_store_idx %scatter3A_517[%shift_right_logical3A_11, %and3A_22, %broadcast_in_dim3A_491], %mul3A_512 : memref<4x8x133xf32, #tpu.memory_space<vmem>>[vector<16xi32>, vector<16xi32>, vector<16xi32>], vector<16xf32>,
        %mul3A_518 = arith.constant 4 : i32
        %mul3A_519 = arith.muli %scan3A_427, %mul3A_518 : i32
        %add3A_520 = arith.constant 3 : i32
        %add3A_521 = arith.addi %mul3A_519, %add3A_520 : i32
        %broadcast_in_dim3A_522 = vector.broadcast %add3A_521 : i32 to vector<16xi32>
        %get3A_523 = arith.constant 2 : i32
        %get3A_524 = arith.index_cast %get3A_523 : i32 to index
        %get3A_525 = arith.index_cast %add3A_521 : i32 to index
        %get3A_526 = arith.constant 0 : index
        %get3A_527 = tpu.vector_load %arg6[%get3A_524, %get3A_525, %get3A_526] {strides = array<i32>} : memref<5x128x32xf32, #tpu.memory_space<vmem>>, vector<16xf32>,
        %mul3A_528 = arith.constant 5.65685415 : f32
        %mul3A_529 = vector.broadcast %mul3A_528 : f32 to vector<16xf32>
        %mul3A_530 = arith.mulf %get3A_527, %mul3A_529 : vector<16xf32>
        %scatter3A_531 = arith.constant 0 : i32
        %scatter3A_532 = arith.constant 0 : i32
        %scatter3A_533 = arith.constant 0 : i32
        %scatter3A_534 = tpu.memref_slice %arg8[%scan3A_237, %scatter3A_531, %scatter3A_532, %scatter3A_533] : memref<5x4x8x133xf32, #tpu.memory_space<vmem>> -> memref<1x4x8x133xf32, #tpu.memory_space<vmem>>
        %scatter3A_535 = tpu.memref_squeeze %scatter3A_534 : memref<1x4x8x133xf32, #tpu.memory_space<vmem>> -> memref<4x8x133xf32, #tpu.memory_space<vmem>>
        tpu.vector_store_idx %scatter3A_535[%shift_right_logical3A_5, %and3A_16, %broadcast_in_dim3A_522], %mul3A_530 : memref<4x8x133xf32, #tpu.memory_space<vmem>>[vector<16xi32>, vector<16xi32>, vector<16xi32>], vector<16xf32>,
        %get3A_536 = arith.constant 2 : i32
        %get3A_537 = arith.index_cast %get3A_536 : i32 to index
        %get3A_538 = arith.index_cast %add3A_521 : i32 to index
        %get3A_539 = arith.constant 16 : index
        %get3A_540 = tpu.vector_load %arg6[%get3A_537, %get3A_538, %get3A_539] {strides = array<i32>} : memref<5x128x32xf32, #tpu.memory_space<vmem>>, vector<16xf32>,
        %mul3A_541 = arith.constant 5.65685415 : f32
        %mul3A_542 = vector.broadcast %mul3A_541 : f32 to vector<16xf32>
        %mul3A_543 = arith.mulf %get3A_540, %mul3A_542 : vector<16xf32>
        %scatter3A_544 = arith.constant 0 : i32
        %scatter3A_545 = arith.constant 0 : i32
        %scatter3A_546 = arith.constant 0 : i32
        %scatter3A_547 = tpu.memref_slice %arg8[%scan3A_237, %scatter3A_544, %scatter3A_545, %scatter3A_546] : memref<5x4x8x133xf32, #tpu.memory_space<vmem>> -> memref<1x4x8x133xf32, #tpu.memory_space<vmem>>
        %scatter3A_548 = tpu.memref_squeeze %scatter3A_547 : memref<1x4x8x133xf32, #tpu.memory_space<vmem>> -> memref<4x8x133xf32, #tpu.memory_space<vmem>>
        tpu.vector_store_idx %scatter3A_548[%shift_right_logical3A_11, %and3A_22, %broadcast_in_dim3A_522], %mul3A_543 : memref<4x8x133xf32, #tpu.memory_space<vmem>>[vector<16xi32>, vector<16xi32>, vector<16xi32>], vector<16xf32>,
      }
      %scan3A_242 = arith.constant 32 : i32
      %scan3A_243 = arith.constant 0 : i32
      %scan3A_244 = arith.constant 3 : i32
      %scan3A_245 = arith.constant 0 : i32
      %scan3A_246 = arith.constant 32 : i32
      %scan3A_247 = arith.addi %scan3A_245, %scan3A_246 : i32
      %scan3A_248 = arith.constant 1 : i32
      scf.for %scan3A_427 = %scan3A_245 to %scan3A_247 step %scan3A_248  : i32 {
        %mul3A_428 = arith.constant 4 : i32
        %mul3A_429 = arith.muli %scan3A_427, %mul3A_428 : i32
        %add3A_430 = arith.constant 0 : i32
        %add3A_431 = arith.addi %mul3A_429, %add3A_430 : i32
        %broadcast_in_dim3A = vector.broadcast %add3A_431 : i32 to vector<16xi32>
        %get3A = arith.constant 3 : i32
        %get3A_432 = arith.index_cast %get3A : i32 to index
        %get3A_433 = arith.index_cast %add3A_431 : i32 to index
        %get3A_434 = arith.constant 0 : index
        %get3A_435 = tpu.vector_load %arg6[%get3A_432, %get3A_433, %get3A_434] {strides = array<i32>} : memref<5x128x32xf32, #tpu.memory_space<vmem>>, vector<16xf32>,
        %mul3A_436 = arith.constant 5.65685415 : f32
        %mul3A_437 = vector.broadcast %mul3A_436 : f32 to vector<16xf32>
        %mul3A_438 = arith.mulf %get3A_435, %mul3A_437 : vector<16xf32>
        %scatter3A = arith.constant 0 : i32
        %scatter3A_439 = arith.constant 0 : i32
        %scatter3A_440 = arith.constant 0 : i32
        %scatter3A_441 = tpu.memref_slice %arg8[%scan3A_244, %scatter3A, %scatter3A_439, %scatter3A_440] : memref<5x4x8x133xf32, #tpu.memory_space<vmem>> -> memref<1x4x8x133xf32, #tpu.memory_space<vmem>>
        %scatter3A_442 = tpu.memref_squeeze %scatter3A_441 : memref<1x4x8x133xf32, #tpu.memory_space<vmem>> -> memref<4x8x133xf32, #tpu.memory_space<vmem>>
        tpu.vector_store_idx %scatter3A_442[%shift_right_logical3A_5, %and3A_16, %broadcast_in_dim3A], %mul3A_438 : memref<4x8x133xf32, #tpu.memory_space<vmem>>[vector<16xi32>, vector<16xi32>, vector<16xi32>], vector<16xf32>,
        %get3A_443 = arith.constant 3 : i32
        %get3A_444 = arith.index_cast %get3A_443 : i32 to index
        %get3A_445 = arith.index_cast %add3A_431 : i32 to index
        %get3A_446 = arith.constant 16 : index
        %get3A_447 = tpu.vector_load %arg6[%get3A_444, %get3A_445, %get3A_446] {strides = array<i32>} : memref<5x128x32xf32, #tpu.memory_space<vmem>>, vector<16xf32>,
        %mul3A_448 = arith.constant 5.65685415 : f32
        %mul3A_449 = vector.broadcast %mul3A_448 : f32 to vector<16xf32>
        %mul3A_450 = arith.mulf %get3A_447, %mul3A_449 : vector<16xf32>
        %scatter3A_451 = arith.constant 0 : i32
        %scatter3A_452 = arith.constant 0 : i32
        %scatter3A_453 = arith.constant 0 : i32
        %scatter3A_454 = tpu.memref_slice %arg8[%scan3A_244, %scatter3A_451, %scatter3A_452, %scatter3A_453] : memref<5x4x8x133xf32, #tpu.memory_space<vmem>> -> memref<1x4x8x133xf32, #tpu.memory_space<vmem>>
        %scatter3A_455 = tpu.memref_squeeze %scatter3A_454 : memref<1x4x8x133xf32, #tpu.memory_space<vmem>> -> memref<4x8x133xf32, #tpu.memory_space<vmem>>
        tpu.vector_store_idx %scatter3A_455[%shift_right_logical3A_11, %and3A_22, %broadcast_in_dim3A], %mul3A_450 : memref<4x8x133xf32, #tpu.memory_space<vmem>>[vector<16xi32>, vector<16xi32>, vector<16xi32>], vector<16xf32>,
        %mul3A_456 = arith.constant 4 : i32
        %mul3A_457 = arith.muli %scan3A_427, %mul3A_456 : i32
        %add3A_458 = arith.constant 1 : i32
        %add3A_459 = arith.addi %mul3A_457, %add3A_458 : i32
        %broadcast_in_dim3A_460 = vector.broadcast %add3A_459 : i32 to vector<16xi32>
        %get3A_461 = arith.constant 3 : i32
        %get3A_462 = arith.index_cast %get3A_461 : i32 to index
        %get3A_463 = arith.index_cast %add3A_459 : i32 to index
        %get3A_464 = arith.constant 0 : index
        %get3A_465 = tpu.vector_load %arg6[%get3A_462, %get3A_463, %get3A_464] {strides = array<i32>} : memref<5x128x32xf32, #tpu.memory_space<vmem>>, vector<16xf32>,
        %mul3A_466 = arith.constant 5.65685415 : f32
        %mul3A_467 = vector.broadcast %mul3A_466 : f32 to vector<16xf32>
        %mul3A_468 = arith.mulf %get3A_465, %mul3A_467 : vector<16xf32>
        %scatter3A_469 = arith.constant 0 : i32
        %scatter3A_470 = arith.constant 0 : i32
        %scatter3A_471 = arith.constant 0 : i32
        %scatter3A_472 = tpu.memref_slice %arg8[%scan3A_244, %scatter3A_469, %scatter3A_470, %scatter3A_471] : memref<5x4x8x133xf32, #tpu.memory_space<vmem>> -> memref<1x4x8x133xf32, #tpu.memory_space<vmem>>
        %scatter3A_473 = tpu.memref_squeeze %scatter3A_472 : memref<1x4x8x133xf32, #tpu.memory_space<vmem>> -> memref<4x8x133xf32, #tpu.memory_space<vmem>>
        tpu.vector_store_idx %scatter3A_473[%shift_right_logical3A_5, %and3A_16, %broadcast_in_dim3A_460], %mul3A_468 : memref<4x8x133xf32, #tpu.memory_space<vmem>>[vector<16xi32>, vector<16xi32>, vector<16xi32>], vector<16xf32>,
        %get3A_474 = arith.constant 3 : i32
        %get3A_475 = arith.index_cast %get3A_474 : i32 to index
        %get3A_476 = arith.index_cast %add3A_459 : i32 to index
        %get3A_477 = arith.constant 16 : index
        %get3A_478 = tpu.vector_load %arg6[%get3A_475, %get3A_476, %get3A_477] {strides = array<i32>} : memref<5x128x32xf32, #tpu.memory_space<vmem>>, vector<16xf32>,
        %mul3A_479 = arith.constant 5.65685415 : f32
        %mul3A_480 = vector.broadcast %mul3A_479 : f32 to vector<16xf32>
        %mul3A_481 = arith.mulf %get3A_478, %mul3A_480 : vector<16xf32>
        %scatter3A_482 = arith.constant 0 : i32
        %scatter3A_483 = arith.constant 0 : i32
        %scatter3A_484 = arith.constant 0 : i32
        %scatter3A_485 = tpu.memref_slice %arg8[%scan3A_244, %scatter3A_482, %scatter3A_483, %scatter3A_484] : memref<5x4x8x133xf32, #tpu.memory_space<vmem>> -> memref<1x4x8x133xf32, #tpu.memory_space<vmem>>
        %scatter3A_486 = tpu.memref_squeeze %scatter3A_485 : memref<1x4x8x133xf32, #tpu.memory_space<vmem>> -> memref<4x8x133xf32, #tpu.memory_space<vmem>>
        tpu.vector_store_idx %scatter3A_486[%shift_right_logical3A_11, %and3A_22, %broadcast_in_dim3A_460], %mul3A_481 : memref<4x8x133xf32, #tpu.memory_space<vmem>>[vector<16xi32>, vector<16xi32>, vector<16xi32>], vector<16xf32>,
        %mul3A_487 = arith.constant 4 : i32
        %mul3A_488 = arith.muli %scan3A_427, %mul3A_487 : i32
        %add3A_489 = arith.constant 2 : i32
        %add3A_490 = arith.addi %mul3A_488, %add3A_489 : i32
        %broadcast_in_dim3A_491 = vector.broadcast %add3A_490 : i32 to vector<16xi32>
        %get3A_492 = arith.constant 3 : i32
        %get3A_493 = arith.index_cast %get3A_492 : i32 to index
        %get3A_494 = arith.index_cast %add3A_490 : i32 to index
        %get3A_495 = arith.constant 0 : index
        %get3A_496 = tpu.vector_load %arg6[%get3A_493, %get3A_494, %get3A_495] {strides = array<i32>} : memref<5x128x32xf32, #tpu.memory_space<vmem>>, vector<16xf32>,
        %mul3A_497 = arith.constant 5.65685415 : f32
        %mul3A_498 = vector.broadcast %mul3A_497 : f32 to vector<16xf32>
        %mul3A_499 = arith.mulf %get3A_496, %mul3A_498 : vector<16xf32>
        %scatter3A_500 = arith.constant 0 : i32
        %scatter3A_501 = arith.constant 0 : i32
        %scatter3A_502 = arith.constant 0 : i32
        %scatter3A_503 = tpu.memref_slice %arg8[%scan3A_244, %scatter3A_500, %scatter3A_501, %scatter3A_502] : memref<5x4x8x133xf32, #tpu.memory_space<vmem>> -> memref<1x4x8x133xf32, #tpu.memory_space<vmem>>
        %scatter3A_504 = tpu.memref_squeeze %scatter3A_503 : memref<1x4x8x133xf32, #tpu.memory_space<vmem>> -> memref<4x8x133xf32, #tpu.memory_space<vmem>>
        tpu.vector_store_idx %scatter3A_504[%shift_right_logical3A_5, %and3A_16, %broadcast_in_dim3A_491], %mul3A_499 : memref<4x8x133xf32, #tpu.memory_space<vmem>>[vector<16xi32>, vector<16xi32>, vector<16xi32>], vector<16xf32>,
        %get3A_505 = arith.constant 3 : i32
        %get3A_506 = arith.index_cast %get3A_505 : i32 to index
        %get3A_507 = arith.index_cast %add3A_490 : i32 to index
        %get3A_508 = arith.constant 16 : index
        %get3A_509 = tpu.vector_load %arg6[%get3A_506, %get3A_507, %get3A_508] {strides = array<i32>} : memref<5x128x32xf32, #tpu.memory_space<vmem>>, vector<16xf32>,
        %mul3A_510 = arith.constant 5.65685415 : f32
        %mul3A_511 = vector.broadcast %mul3A_510 : f32 to vector<16xf32>
        %mul3A_512 = arith.mulf %get3A_509, %mul3A_511 : vector<16xf32>
        %scatter3A_513 = arith.constant 0 : i32
        %scatter3A_514 = arith.constant 0 : i32
        %scatter3A_515 = arith.constant 0 : i32
        %scatter3A_516 = tpu.memref_slice %arg8[%scan3A_244, %scatter3A_513, %scatter3A_514, %scatter3A_515] : memref<5x4x8x133xf32, #tpu.memory_space<vmem>> -> memref<1x4x8x133xf32, #tpu.memory_space<vmem>>
        %scatter3A_517 = tpu.memref_squeeze %scatter3A_516 : memref<1x4x8x133xf32, #tpu.memory_space<vmem>> -> memref<4x8x133xf32, #tpu.memory_space<vmem>>
        tpu.vector_store_idx %scatter3A_517[%shift_right_logical3A_11, %and3A_22, %broadcast_in_dim3A_491], %mul3A_512 : memref<4x8x133xf32, #tpu.memory_space<vmem>>[vector<16xi32>, vector<16xi32>, vector<16xi32>], vector<16xf32>,
        %mul3A_518 = arith.constant 4 : i32
        %mul3A_519 = arith.muli %scan3A_427, %mul3A_518 : i32
        %add3A_520 = arith.constant 3 : i32
        %add3A_521 = arith.addi %mul3A_519, %add3A_520 : i32
        %broadcast_in_dim3A_522 = vector.broadcast %add3A_521 : i32 to vector<16xi32>
        %get3A_523 = arith.constant 3 : i32
        %get3A_524 = arith.index_cast %get3A_523 : i32 to index
        %get3A_525 = arith.index_cast %add3A_521 : i32 to index
        %get3A_526 = arith.constant 0 : index
        %get3A_527 = tpu.vector_load %arg6[%get3A_524, %get3A_525, %get3A_526] {strides = array<i32>} : memref<5x128x32xf32, #tpu.memory_space<vmem>>, vector<16xf32>,
        %mul3A_528 = arith.constant 5.65685415 : f32
        %mul3A_529 = vector.broadcast %mul3A_528 : f32 to vector<16xf32>
        %mul3A_530 = arith.mulf %get3A_527, %mul3A_529 : vector<16xf32>
        %scatter3A_531 = arith.constant 0 : i32
        %scatter3A_532 = arith.constant 0 : i32
        %scatter3A_533 = arith.constant 0 : i32
        %scatter3A_534 = tpu.memref_slice %arg8[%scan3A_244, %scatter3A_531, %scatter3A_532, %scatter3A_533] : memref<5x4x8x133xf32, #tpu.memory_space<vmem>> -> memref<1x4x8x133xf32, #tpu.memory_space<vmem>>
        %scatter3A_535 = tpu.memref_squeeze %scatter3A_534 : memref<1x4x8x133xf32, #tpu.memory_space<vmem>> -> memref<4x8x133xf32, #tpu.memory_space<vmem>>
        tpu.vector_store_idx %scatter3A_535[%shift_right_logical3A_5, %and3A_16, %broadcast_in_dim3A_522], %mul3A_530 : memref<4x8x133xf32, #tpu.memory_space<vmem>>[vector<16xi32>, vector<16xi32>, vector<16xi32>], vector<16xf32>,
        %get3A_536 = arith.constant 3 : i32
        %get3A_537 = arith.index_cast %get3A_536 : i32 to index
        %get3A_538 = arith.index_cast %add3A_521 : i32 to index
        %get3A_539 = arith.constant 16 : index
        %get3A_540 = tpu.vector_load %arg6[%get3A_537, %get3A_538, %get3A_539] {strides = array<i32>} : memref<5x128x32xf32, #tpu.memory_space<vmem>>, vector<16xf32>,
        %mul3A_541 = arith.constant 5.65685415 : f32
        %mul3A_542 = vector.broadcast %mul3A_541 : f32 to vector<16xf32>
        %mul3A_543 = arith.mulf %get3A_540, %mul3A_542 : vector<16xf32>
        %scatter3A_544 = arith.constant 0 : i32
        %scatter3A_545 = arith.constant 0 : i32
        %scatter3A_546 = arith.constant 0 : i32
        %scatter3A_547 = tpu.memref_slice %arg8[%scan3A_244, %scatter3A_544, %scatter3A_545, %scatter3A_546] : memref<5x4x8x133xf32, #tpu.memory_space<vmem>> -> memref<1x4x8x133xf32, #tpu.memory_space<vmem>>
        %scatter3A_548 = tpu.memref_squeeze %scatter3A_547 : memref<1x4x8x133xf32, #tpu.memory_space<vmem>> -> memref<4x8x133xf32, #tpu.memory_space<vmem>>
        tpu.vector_store_idx %scatter3A_548[%shift_right_logical3A_11, %and3A_22, %broadcast_in_dim3A_522], %mul3A_543 : memref<4x8x133xf32, #tpu.memory_space<vmem>>[vector<16xi32>, vector<16xi32>, vector<16xi32>], vector<16xf32>,
      }
      %scan3A_249 = arith.constant 32 : i32
      %scan3A_250 = arith.constant 0 : i32
      %scan3A_251 = arith.constant 4 : i32
      %scan3A_252 = arith.constant 0 : i32
      %scan3A_253 = arith.constant 32 : i32
      %scan3A_254 = arith.addi %scan3A_252, %scan3A_253 : i32
      %scan3A_255 = arith.constant 1 : i32
      scf.for %scan3A_427 = %scan3A_252 to %scan3A_254 step %scan3A_255  : i32 {
        %mul3A_428 = arith.constant 4 : i32
        %mul3A_429 = arith.muli %scan3A_427, %mul3A_428 : i32
        %add3A_430 = arith.constant 0 : i32
        %add3A_431 = arith.addi %mul3A_429, %add3A_430 : i32
        %broadcast_in_dim3A = vector.broadcast %add3A_431 : i32 to vector<16xi32>
        %get3A = arith.constant 4 : i32
        %get3A_432 = arith.index_cast %get3A : i32 to index
        %get3A_433 = arith.index_cast %add3A_431 : i32 to index
        %get3A_434 = arith.constant 0 : index
        %get3A_435 = tpu.vector_load %arg6[%get3A_432, %get3A_433, %get3A_434] {strides = array<i32>} : memref<5x128x32xf32, #tpu.memory_space<vmem>>, vector<16xf32>,
        %mul3A_436 = arith.constant 5.65685415 : f32
        %mul3A_437 = vector.broadcast %mul3A_436 : f32 to vector<16xf32>
        %mul3A_438 = arith.mulf %get3A_435, %mul3A_437 : vector<16xf32>
        %scatter3A = arith.constant 0 : i32
        %scatter3A_439 = arith.constant 0 : i32
        %scatter3A_440 = arith.constant 0 : i32
        %scatter3A_441 = tpu.memref_slice %arg8[%scan3A_251, %scatter3A, %scatter3A_439, %scatter3A_440] : memref<5x4x8x133xf32, #tpu.memory_space<vmem>> -> memref<1x4x8x133xf32, #tpu.memory_space<vmem>>
        %scatter3A_442 = tpu.memref_squeeze %scatter3A_441 : memref<1x4x8x133xf32, #tpu.memory_space<vmem>> -> memref<4x8x133xf32, #tpu.memory_space<vmem>>
        tpu.vector_store_idx %scatter3A_442[%shift_right_logical3A_5, %and3A_16, %broadcast_in_dim3A], %mul3A_438 : memref<4x8x133xf32, #tpu.memory_space<vmem>>[vector<16xi32>, vector<16xi32>, vector<16xi32>], vector<16xf32>,
        %get3A_443 = arith.constant 4 : i32
        %get3A_444 = arith.index_cast %get3A_443 : i32 to index
        %get3A_445 = arith.index_cast %add3A_431 : i32 to index
        %get3A_446 = arith.constant 16 : index
        %get3A_447 = tpu.vector_load %arg6[%get3A_444, %get3A_445, %get3A_446] {strides = array<i32>} : memref<5x128x32xf32, #tpu.memory_space<vmem>>, vector<16xf32>,
        %mul3A_448 = arith.constant 5.65685415 : f32
        %mul3A_449 = vector.broadcast %mul3A_448 : f32 to vector<16xf32>
        %mul3A_450 = arith.mulf %get3A_447, %mul3A_449 : vector<16xf32>
        %scatter3A_451 = arith.constant 0 : i32
        %scatter3A_452 = arith.constant 0 : i32
        %scatter3A_453 = arith.constant 0 : i32
        %scatter3A_454 = tpu.memref_slice %arg8[%scan3A_251, %scatter3A_451, %scatter3A_452, %scatter3A_453] : memref<5x4x8x133xf32, #tpu.memory_space<vmem>> -> memref<1x4x8x133xf32, #tpu.memory_space<vmem>>
        %scatter3A_455 = tpu.memref_squeeze %scatter3A_454 : memref<1x4x8x133xf32, #tpu.memory_space<vmem>> -> memref<4x8x133xf32, #tpu.memory_space<vmem>>
        tpu.vector_store_idx %scatter3A_455[%shift_right_logical3A_11, %and3A_22, %broadcast_in_dim3A], %mul3A_450 : memref<4x8x133xf32, #tpu.memory_space<vmem>>[vector<16xi32>, vector<16xi32>, vector<16xi32>], vector<16xf32>,
        %mul3A_456 = arith.constant 4 : i32
        %mul3A_457 = arith.muli %scan3A_427, %mul3A_456 : i32
        %add3A_458 = arith.constant 1 : i32
        %add3A_459 = arith.addi %mul3A_457, %add3A_458 : i32
        %broadcast_in_dim3A_460 = vector.broadcast %add3A_459 : i32 to vector<16xi32>
        %get3A_461 = arith.constant 4 : i32
        %get3A_462 = arith.index_cast %get3A_461 : i32 to index
        %get3A_463 = arith.index_cast %add3A_459 : i32 to index
        %get3A_464 = arith.constant 0 : index
        %get3A_465 = tpu.vector_load %arg6[%get3A_462, %get3A_463, %get3A_464] {strides = array<i32>} : memref<5x128x32xf32, #tpu.memory_space<vmem>>, vector<16xf32>,
        %mul3A_466 = arith.constant 5.65685415 : f32
        %mul3A_467 = vector.broadcast %mul3A_466 : f32 to vector<16xf32>
        %mul3A_468 = arith.mulf %get3A_465, %mul3A_467 : vector<16xf32>
        %scatter3A_469 = arith.constant 0 : i32
        %scatter3A_470 = arith.constant 0 : i32
        %scatter3A_471 = arith.constant 0 : i32
        %scatter3A_472 = tpu.memref_slice %arg8[%scan3A_251, %scatter3A_469, %scatter3A_470, %scatter3A_471] : memref<5x4x8x133xf32, #tpu.memory_space<vmem>> -> memref<1x4x8x133xf32, #tpu.memory_space<vmem>>
        %scatter3A_473 = tpu.memref_squeeze %scatter3A_472 : memref<1x4x8x133xf32, #tpu.memory_space<vmem>> -> memref<4x8x133xf32, #tpu.memory_space<vmem>>
        tpu.vector_store_idx %scatter3A_473[%shift_right_logical3A_5, %and3A_16, %broadcast_in_dim3A_460], %mul3A_468 : memref<4x8x133xf32, #tpu.memory_space<vmem>>[vector<16xi32>, vector<16xi32>, vector<16xi32>], vector<16xf32>,
        %get3A_474 = arith.constant 4 : i32
        %get3A_475 = arith.index_cast %get3A_474 : i32 to index
        %get3A_476 = arith.index_cast %add3A_459 : i32 to index
        %get3A_477 = arith.constant 16 : index
        %get3A_478 = tpu.vector_load %arg6[%get3A_475, %get3A_476, %get3A_477] {strides = array<i32>} : memref<5x128x32xf32, #tpu.memory_space<vmem>>, vector<16xf32>,
        %mul3A_479 = arith.constant 5.65685415 : f32
        %mul3A_480 = vector.broadcast %mul3A_479 : f32 to vector<16xf32>
        %mul3A_481 = arith.mulf %get3A_478, %mul3A_480 : vector<16xf32>
        %scatter3A_482 = arith.constant 0 : i32
        %scatter3A_483 = arith.constant 0 : i32
        %scatter3A_484 = arith.constant 0 : i32
        %scatter3A_485 = tpu.memref_slice %arg8[%scan3A_251, %scatter3A_482, %scatter3A_483, %scatter3A_484] : memref<5x4x8x133xf32, #tpu.memory_space<vmem>> -> memref<1x4x8x133xf32, #tpu.memory_space<vmem>>
        %scatter3A_486 = tpu.memref_squeeze %scatter3A_485 : memref<1x4x8x133xf32, #tpu.memory_space<vmem>> -> memref<4x8x133xf32, #tpu.memory_space<vmem>>
        tpu.vector_store_idx %scatter3A_486[%shift_right_logical3A_11, %and3A_22, %broadcast_in_dim3A_460], %mul3A_481 : memref<4x8x133xf32, #tpu.memory_space<vmem>>[vector<16xi32>, vector<16xi32>, vector<16xi32>], vector<16xf32>,
        %mul3A_487 = arith.constant 4 : i32
        %mul3A_488 = arith.muli %scan3A_427, %mul3A_487 : i32
        %add3A_489 = arith.constant 2 : i32
        %add3A_490 = arith.addi %mul3A_488, %add3A_489 : i32
        %broadcast_in_dim3A_491 = vector.broadcast %add3A_490 : i32 to vector<16xi32>
        %get3A_492 = arith.constant 4 : i32
        %get3A_493 = arith.index_cast %get3A_492 : i32 to index
        %get3A_494 = arith.index_cast %add3A_490 : i32 to index
        %get3A_495 = arith.constant 0 : index
        %get3A_496 = tpu.vector_load %arg6[%get3A_493, %get3A_494, %get3A_495] {strides = array<i32>} : memref<5x128x32xf32, #tpu.memory_space<vmem>>, vector<16xf32>,
        %mul3A_497 = arith.constant 5.65685415 : f32
        %mul3A_498 = vector.broadcast %mul3A_497 : f32 to vector<16xf32>
        %mul3A_499 = arith.mulf %get3A_496, %mul3A_498 : vector<16xf32>
        %scatter3A_500 = arith.constant 0 : i32
        %scatter3A_501 = arith.constant 0 : i32
        %scatter3A_502 = arith.constant 0 : i32
        %scatter3A_503 = tpu.memref_slice %arg8[%scan3A_251, %scatter3A_500, %scatter3A_501, %scatter3A_502] : memref<5x4x8x133xf32, #tpu.memory_space<vmem>> -> memref<1x4x8x133xf32, #tpu.memory_space<vmem>>
        %scatter3A_504 = tpu.memref_squeeze %scatter3A_503 : memref<1x4x8x133xf32, #tpu.memory_space<vmem>> -> memref<4x8x133xf32, #tpu.memory_space<vmem>>
        tpu.vector_store_idx %scatter3A_504[%shift_right_logical3A_5, %and3A_16, %broadcast_in_dim3A_491], %mul3A_499 : memref<4x8x133xf32, #tpu.memory_space<vmem>>[vector<16xi32>, vector<16xi32>, vector<16xi32>], vector<16xf32>,
        %get3A_505 = arith.constant 4 : i32
        %get3A_506 = arith.index_cast %get3A_505 : i32 to index
        %get3A_507 = arith.index_cast %add3A_490 : i32 to index
        %get3A_508 = arith.constant 16 : index
        %get3A_509 = tpu.vector_load %arg6[%get3A_506, %get3A_507, %get3A_508] {strides = array<i32>} : memref<5x128x32xf32, #tpu.memory_space<vmem>>, vector<16xf32>,
        %mul3A_510 = arith.constant 5.65685415 : f32
        %mul3A_511 = vector.broadcast %mul3A_510 : f32 to vector<16xf32>
        %mul3A_512 = arith.mulf %get3A_509, %mul3A_511 : vector<16xf32>
        %scatter3A_513 = arith.constant 0 : i32
        %scatter3A_514 = arith.constant 0 : i32
        %scatter3A_515 = arith.constant 0 : i32
        %scatter3A_516 = tpu.memref_slice %arg8[%scan3A_251, %scatter3A_513, %scatter3A_514, %scatter3A_515] : memref<5x4x8x133xf32, #tpu.memory_space<vmem>> -> memref<1x4x8x133xf32, #tpu.memory_space<vmem>>
        %scatter3A_517 = tpu.memref_squeeze %scatter3A_516 : memref<1x4x8x133xf32, #tpu.memory_space<vmem>> -> memref<4x8x133xf32, #tpu.memory_space<vmem>>
        tpu.vector_store_idx %scatter3A_517[%shift_right_logical3A_11, %and3A_22, %broadcast_in_dim3A_491], %mul3A_512 : memref<4x8x133xf32, #tpu.memory_space<vmem>>[vector<16xi32>, vector<16xi32>, vector<16xi32>], vector<16xf32>,
        %mul3A_518 = arith.constant 4 : i32
        %mul3A_519 = arith.muli %scan3A_427, %mul3A_518 : i32
        %add3A_520 = arith.constant 3 : i32
        %add3A_521 = arith.addi %mul3A_519, %add3A_520 : i32
        %broadcast_in_dim3A_522 = vector.broadcast %add3A_521 : i32 to vector<16xi32>
        %get3A_523 = arith.constant 4 : i32
        %get3A_524 = arith.index_cast %get3A_523 : i32 to index
        %get3A_525 = arith.index_cast %add3A_521 : i32 to index
        %get3A_526 = arith.constant 0 : index
        %get3A_527 = tpu.vector_load %arg6[%get3A_524, %get3A_525, %get3A_526] {strides = array<i32>} : memref<5x128x32xf32, #tpu.memory_space<vmem>>, vector<16xf32>,
        %mul3A_528 = arith.constant 5.65685415 : f32
        %mul3A_529 = vector.broadcast %mul3A_528 : f32 to vector<16xf32>
        %mul3A_530 = arith.mulf %get3A_527, %mul3A_529 : vector<16xf32>
        %scatter3A_531 = arith.constant 0 : i32
        %scatter3A_532 = arith.constant 0 : i32
        %scatter3A_533 = arith.constant 0 : i32
        %scatter3A_534 = tpu.memref_slice %arg8[%scan3A_251, %scatter3A_531, %scatter3A_532, %scatter3A_533] : memref<5x4x8x133xf32, #tpu.memory_space<vmem>> -> memref<1x4x8x133xf32, #tpu.memory_space<vmem>>
        %scatter3A_535 = tpu.memref_squeeze %scatter3A_534 : memref<1x4x8x133xf32, #tpu.memory_space<vmem>> -> memref<4x8x133xf32, #tpu.memory_space<vmem>>
        tpu.vector_store_idx %scatter3A_535[%shift_right_logical3A_5, %and3A_16, %broadcast_in_dim3A_522], %mul3A_530 : memref<4x8x133xf32, #tpu.memory_space<vmem>>[vector<16xi32>, vector<16xi32>, vector<16xi32>], vector<16xf32>,
        %get3A_536 = arith.constant 4 : i32
        %get3A_537 = arith.index_cast %get3A_536 : i32 to index
        %get3A_538 = arith.index_cast %add3A_521 : i32 to index
        %get3A_539 = arith.constant 16 : index
        %get3A_540 = tpu.vector_load %arg6[%get3A_537, %get3A_538, %get3A_539] {strides = array<i32>} : memref<5x128x32xf32, #tpu.memory_space<vmem>>, vector<16xf32>,
        %mul3A_541 = arith.constant 5.65685415 : f32
        %mul3A_542 = vector.broadcast %mul3A_541 : f32 to vector<16xf32>
        %mul3A_543 = arith.mulf %get3A_540, %mul3A_542 : vector<16xf32>
        %scatter3A_544 = arith.constant 0 : i32
        %scatter3A_545 = arith.constant 0 : i32
        %scatter3A_546 = arith.constant 0 : i32
        %scatter3A_547 = tpu.memref_slice %arg8[%scan3A_251, %scatter3A_544, %scatter3A_545, %scatter3A_546] : memref<5x4x8x133xf32, #tpu.memory_space<vmem>> -> memref<1x4x8x133xf32, #tpu.memory_space<vmem>>
        %scatter3A_548 = tpu.memref_squeeze %scatter3A_547 : memref<1x4x8x133xf32, #tpu.memory_space<vmem>> -> memref<4x8x133xf32, #tpu.memory_space<vmem>>
        tpu.vector_store_idx %scatter3A_548[%shift_right_logical3A_11, %and3A_22, %broadcast_in_dim3A_522], %mul3A_543 : memref<4x8x133xf32, #tpu.memory_space<vmem>>[vector<16xi32>, vector<16xi32>, vector<16xi32>], vector<16xf32>,
      }
      %scan3A_256 = arith.constant 32 : i32
      %mul3A_257 = arith.constant 5 : i32
      %mul3A_258 = arith.muli %add3A_138, %mul3A_257 : i32
      %dma_start3A_259 = arith.constant 0 : i32
      %dma_start3A_260 = arith.constant 0 : i32
      %dma_start3A_261 = arith.constant 0 : i32
      %dma_start3A_262 = arith.constant 0 : i32
      %dma_start3A_263 = tpu.memref_slice %arg8[%dma_start3A_259, %dma_start3A_260, %dma_start3A_261, %dma_start3A_262] : memref<5x4x8x133xf32, #tpu.memory_space<vmem>> -> memref<5x4x8x128xf32, #tpu.memory_space<vmem>>
      %dma_start3A_264 = arith.constant 0 : i32
      %dma_start3A_265 = arith.constant 0 : i32
      %dma_start3A_266 = arith.constant 0 : i32
      %dma_start3A_267 = tpu.memref_slice %arg4[%mul3A_258, %dma_start3A_264, %add3A, %dma_start3A_265, %dma_start3A_266] : memref<200x4x32x8x128xf32, #tpu.memory_space<hbm>> -> memref<5x4x1x8x128xf32, #tpu.memory_space<hbm>>
      %dma_start3A_268 = tpu.memref_squeeze %dma_start3A_267 : memref<5x4x1x8x128xf32, #tpu.memory_space<hbm>> -> memref<5x4x8x128xf32, #tpu.memory_space<hbm>>
      %dma_start3A_269 = arith.constant 0 : i32
      %dma_start3A_270 = arith.constant 0 : i32
      %dma_start3A_271 = arith.constant 0 : i32
      %dma_start3A_272 = tpu.memref_slice %arg4[%mul3A_258, %dma_start3A_269, %add3A, %dma_start3A_270, %dma_start3A_271] : memref<200x4x32x8x128xf32, #tpu.memory_space<hbm>> -> memref<5x4x1x8x128xf32, #tpu.memory_space<hbm>>
      %dma_start3A_273 = tpu.memref_squeeze %dma_start3A_272 : memref<5x4x1x8x128xf32, #tpu.memory_space<hbm>> -> memref<5x4x8x128xf32, #tpu.memory_space<hbm>>
      %dma_start3A_274 = arith.constant 0 : i32
      %dma_start3A_275 = arith.constant 0 : i32
      %dma_start3A_276 = arith.constant 0 : i32
      %dma_start3A_277 = arith.constant 0 : i32
      %dma_start3A_278 = tpu.memref_slice %arg8[%dma_start3A_274, %dma_start3A_275, %dma_start3A_276, %dma_start3A_277] : memref<5x4x8x133xf32, #tpu.memory_space<vmem>> -> memref<5x4x8x128xf32, #tpu.memory_space<vmem>>
      tpu.enqueue_dma source(%dma_start3A_278 : memref<5x4x8x128xf32, #tpu.memory_space<vmem>>) target(%dma_start3A_273 : memref<5x4x8x128xf32, #tpu.memory_space<hbm>>) target_semaphore(%arg12 : memref<!tpu.dma_semaphore, #tpu.memory_space<semaphore_mem>>)
      %mul3A_279 = arith.constant 2 : i32
      %mul3A_280 = arith.muli %scan3A_134, %mul3A_279 : i32
      %add3A_281 = arith.constant 1 : i32
      %add3A_282 = arith.addi %mul3A_280, %add3A_281 : i32
      %add3A_283 = arith.constant 1 : i32
      %add3A_284 = arith.addi %add3A_282, %add3A_283 : i32
      %lt3A_285 = arith.constant 40 : i32
      %lt3A_286 = arith.cmpi slt, %add3A_284, %lt3A_285 : i32
      %convert_element_type3A_287 = arith.extui %lt3A_286 : i1 to i32
      %cond3A_288 = arith.constant 0 : i32
      %cond3A_289 = arith.cmpi ne, %convert_element_type3A_287, %cond3A_288 : i32
      scf.if %cond3A_289 {
        %add3A_427 = arith.constant 1 : i32
        %add3A_428 = arith.addi %add3A_282, %add3A_427 : i32
        %mul3A_429 = arith.constant 5 : i32
        %mul3A_430 = arith.muli %add3A_428, %mul3A_429 : i32
        %add3A_431 = arith.constant 0 : i32
        %add3A_432 = arith.addi %mul3A_430, %add3A_431 : i32
        %dma_start3A_433 = arith.constant 0 : i32
        %dma_start3A_434 = arith.constant 0 : i32
        %dma_start3A_435 = arith.constant 0 : i32
        %dma_start3A_436 = tpu.memref_slice %arg6[%dma_start3A_433, %dma_start3A_434, %dma_start3A_435] : memref<5x128x32xf32, #tpu.memory_space<vmem>> -> memref<1x128x32xf32, #tpu.memory_space<vmem>>
        %dma_start3A_437 = tpu.memref_squeeze %dma_start3A_436 : memref<1x128x32xf32, #tpu.memory_space<vmem>> -> memref<128x32xf32, #tpu.memory_space<vmem>>
        %dma_start3A_438 = arith.constant 0 : i32
        %dma_start3A_439 = tpu.memref_slice %arg5[%add3A_432, %dma_start3A_438] : memref<200x128xi32, #tpu.memory_space<vmem>> -> memref<1x128xi32, #tpu.memory_space<vmem>>
        %dma_start3A_440 = tpu.memref_squeeze %dma_start3A_439 : memref<1x128xi32, #tpu.memory_space<vmem>> -> memref<128xi32, #tpu.memory_space<vmem>>
        %dma_start3A_441 = arith.constant 0 : i32
        %dma_start3A_442 = arith.constant 0 : i32
        %dma_start3A_443 = tpu.memref_slice %arg2[%dma_start3A_441, %dma_start3A_442] : memref<1000000x32xf32, #tpu.memory_space<hbm>> -> memref<1000000x32xf32, #tpu.memory_space<hbm>>
        tpu.enqueue_indirect_dma source(%dma_start3A_443 : memref<1000000x32xf32, #tpu.memory_space<hbm>>) target(%dma_start3A_437 : memref<128x32xf32, #tpu.memory_space<vmem>>) offsets(%dma_start3A_440 : memref<128xi32, #tpu.memory_space<vmem>>) semaphore(%arg10 : memref<!tpu.dma_semaphore, #tpu.memory_space<semaphore_mem>>)
        %add3A_444 = arith.constant 1 : i32
        %add3A_445 = arith.addi %mul3A_430, %add3A_444 : i32
        %dma_start3A_446 = arith.constant 1 : i32
        %dma_start3A_447 = arith.constant 0 : i32
        %dma_start3A_448 = arith.constant 0 : i32
        %dma_start3A_449 = tpu.memref_slice %arg6[%dma_start3A_446, %dma_start3A_447, %dma_start3A_448] : memref<5x128x32xf32, #tpu.memory_space<vmem>> -> memref<1x128x32xf32, #tpu.memory_space<vmem>>
        %dma_start3A_450 = tpu.memref_squeeze %dma_start3A_449 : memref<1x128x32xf32, #tpu.memory_space<vmem>> -> memref<128x32xf32, #tpu.memory_space<vmem>>
        %dma_start3A_451 = arith.constant 0 : i32
        %dma_start3A_452 = tpu.memref_slice %arg5[%add3A_445, %dma_start3A_451] : memref<200x128xi32, #tpu.memory_space<vmem>> -> memref<1x128xi32, #tpu.memory_space<vmem>>
        %dma_start3A_453 = tpu.memref_squeeze %dma_start3A_452 : memref<1x128xi32, #tpu.memory_space<vmem>> -> memref<128xi32, #tpu.memory_space<vmem>>
        %dma_start3A_454 = arith.constant 0 : i32
        %dma_start3A_455 = arith.constant 0 : i32
        %dma_start3A_456 = tpu.memref_slice %arg2[%dma_start3A_454, %dma_start3A_455] : memref<1000000x32xf32, #tpu.memory_space<hbm>> -> memref<1000000x32xf32, #tpu.memory_space<hbm>>
        tpu.enqueue_indirect_dma source(%dma_start3A_456 : memref<1000000x32xf32, #tpu.memory_space<hbm>>) target(%dma_start3A_450 : memref<128x32xf32, #tpu.memory_space<vmem>>) offsets(%dma_start3A_453 : memref<128xi32, #tpu.memory_space<vmem>>) semaphore(%arg10 : memref<!tpu.dma_semaphore, #tpu.memory_space<semaphore_mem>>)
        %add3A_457 = arith.constant 2 : i32
        %add3A_458 = arith.addi %mul3A_430, %add3A_457 : i32
        %dma_start3A_459 = arith.constant 2 : i32
        %dma_start3A_460 = arith.constant 0 : i32
        %dma_start3A_461 = arith.constant 0 : i32
        %dma_start3A_462 = tpu.memref_slice %arg6[%dma_start3A_459, %dma_start3A_460, %dma_start3A_461] : memref<5x128x32xf32, #tpu.memory_space<vmem>> -> memref<1x128x32xf32, #tpu.memory_space<vmem>>
        %dma_start3A_463 = tpu.memref_squeeze %dma_start3A_462 : memref<1x128x32xf32, #tpu.memory_space<vmem>> -> memref<128x32xf32, #tpu.memory_space<vmem>>
        %dma_start3A_464 = arith.constant 0 : i32
        %dma_start3A_465 = tpu.memref_slice %arg5[%add3A_458, %dma_start3A_464] : memref<200x128xi32, #tpu.memory_space<vmem>> -> memref<1x128xi32, #tpu.memory_space<vmem>>
        %dma_start3A_466 = tpu.memref_squeeze %dma_start3A_465 : memref<1x128xi32, #tpu.memory_space<vmem>> -> memref<128xi32, #tpu.memory_space<vmem>>
        %dma_start3A_467 = arith.constant 0 : i32
        %dma_start3A_468 = arith.constant 0 : i32
        %dma_start3A_469 = tpu.memref_slice %arg2[%dma_start3A_467, %dma_start3A_468] : memref<1000000x32xf32, #tpu.memory_space<hbm>> -> memref<1000000x32xf32, #tpu.memory_space<hbm>>
        tpu.enqueue_indirect_dma source(%dma_start3A_469 : memref<1000000x32xf32, #tpu.memory_space<hbm>>) target(%dma_start3A_463 : memref<128x32xf32, #tpu.memory_space<vmem>>) offsets(%dma_start3A_466 : memref<128xi32, #tpu.memory_space<vmem>>) semaphore(%arg10 : memref<!tpu.dma_semaphore, #tpu.memory_space<semaphore_mem>>)
        %add3A_470 = arith.constant 3 : i32
        %add3A_471 = arith.addi %mul3A_430, %add3A_470 : i32
        %dma_start3A_472 = arith.constant 3 : i32
        %dma_start3A_473 = arith.constant 0 : i32
        %dma_start3A_474 = arith.constant 0 : i32
        %dma_start3A_475 = tpu.memref_slice %arg6[%dma_start3A_472, %dma_start3A_473, %dma_start3A_474] : memref<5x128x32xf32, #tpu.memory_space<vmem>> -> memref<1x128x32xf32, #tpu.memory_space<vmem>>
        %dma_start3A_476 = tpu.memref_squeeze %dma_start3A_475 : memref<1x128x32xf32, #tpu.memory_space<vmem>> -> memref<128x32xf32, #tpu.memory_space<vmem>>
        %dma_start3A_477 = arith.constant 0 : i32
        %dma_start3A_478 = tpu.memref_slice %arg5[%add3A_471, %dma_start3A_477] : memref<200x128xi32, #tpu.memory_space<vmem>> -> memref<1x128xi32, #tpu.memory_space<vmem>>
        %dma_start3A_479 = tpu.memref_squeeze %dma_start3A_478 : memref<1x128xi32, #tpu.memory_space<vmem>> -> memref<128xi32, #tpu.memory_space<vmem>>
        %dma_start3A_480 = arith.constant 0 : i32
        %dma_start3A_481 = arith.constant 0 : i32
        %dma_start3A_482 = tpu.memref_slice %arg2[%dma_start3A_480, %dma_start3A_481] : memref<1000000x32xf32, #tpu.memory_space<hbm>> -> memref<1000000x32xf32, #tpu.memory_space<hbm>>
        tpu.enqueue_indirect_dma source(%dma_start3A_482 : memref<1000000x32xf32, #tpu.memory_space<hbm>>) target(%dma_start3A_476 : memref<128x32xf32, #tpu.memory_space<vmem>>) offsets(%dma_start3A_479 : memref<128xi32, #tpu.memory_space<vmem>>) semaphore(%arg10 : memref<!tpu.dma_semaphore, #tpu.memory_space<semaphore_mem>>)
        %add3A_483 = arith.constant 4 : i32
        %add3A_484 = arith.addi %mul3A_430, %add3A_483 : i32
        %dma_start3A_485 = arith.constant 4 : i32
        %dma_start3A_486 = arith.constant 0 : i32
        %dma_start3A_487 = arith.constant 0 : i32
        %dma_start3A_488 = tpu.memref_slice %arg6[%dma_start3A_485, %dma_start3A_486, %dma_start3A_487] : memref<5x128x32xf32, #tpu.memory_space<vmem>> -> memref<1x128x32xf32, #tpu.memory_space<vmem>>
        %dma_start3A_489 = tpu.memref_squeeze %dma_start3A_488 : memref<1x128x32xf32, #tpu.memory_space<vmem>> -> memref<128x32xf32, #tpu.memory_space<vmem>>
        %dma_start3A_490 = arith.constant 0 : i32
        %dma_start3A_491 = tpu.memref_slice %arg5[%add3A_484, %dma_start3A_490] : memref<200x128xi32, #tpu.memory_space<vmem>> -> memref<1x128xi32, #tpu.memory_space<vmem>>
        %dma_start3A_492 = tpu.memref_squeeze %dma_start3A_491 : memref<1x128xi32, #tpu.memory_space<vmem>> -> memref<128xi32, #tpu.memory_space<vmem>>
        %dma_start3A_493 = arith.constant 0 : i32
        %dma_start3A_494 = arith.constant 0 : i32
        %dma_start3A_495 = tpu.memref_slice %arg2[%dma_start3A_493, %dma_start3A_494] : memref<1000000x32xf32, #tpu.memory_space<hbm>> -> memref<1000000x32xf32, #tpu.memory_space<hbm>>
        tpu.enqueue_indirect_dma source(%dma_start3A_495 : memref<1000000x32xf32, #tpu.memory_space<hbm>>) target(%dma_start3A_489 : memref<128x32xf32, #tpu.memory_space<vmem>>) offsets(%dma_start3A_492 : memref<128xi32, #tpu.memory_space<vmem>>) semaphore(%arg10 : memref<!tpu.dma_semaphore, #tpu.memory_space<semaphore_mem>>)
      } else {
      }
      %dma_wait3A_290 = arith.constant 0 : i32
      %dma_wait3A_291 = arith.constant 0 : i32
      %dma_wait3A_292 = arith.constant 0 : i32
      %dma_wait3A_293 = tpu.memref_slice %arg7[%dma_wait3A_290, %dma_wait3A_291, %dma_wait3A_292] : memref<5x128x32xf32, #tpu.memory_space<vmem>> -> memref<1x128x32xf32, #tpu.memory_space<vmem>>
      %dma_wait3A_294 = tpu.memref_squeeze %dma_wait3A_293 : memref<1x128x32xf32, #tpu.memory_space<vmem>> -> memref<128x32xf32, #tpu.memory_space<vmem>>
      %dma_wait3A_295 = arith.constant 0 : i32
      %dma_wait3A_296 = arith.constant 0 : i32
      %dma_wait3A_297 = tpu.memref_slice %arg2[%dma_wait3A_295, %dma_wait3A_296] : memref<1000000x32xf32, #tpu.memory_space<hbm>> -> memref<128x32xf32, #tpu.memory_space<hbm>>
      %dma_wait3A_298 = arith.constant 0 : i32
      %dma_wait3A_299 = arith.constant 0 : i32
      %dma_wait3A_300 = tpu.memref_slice %arg7[%dma_wait3A_290, %dma_wait3A_298, %dma_wait3A_299] : memref<5x128x32xf32, #tpu.memory_space<vmem>> -> memref<1x128x32xf32, #tpu.memory_space<vmem>>
      %dma_wait3A_301 = tpu.memref_squeeze %dma_wait3A_300 : memref<1x128x32xf32, #tpu.memory_space<vmem>> -> memref<128x32xf32, #tpu.memory_space<vmem>>
      %dma_wait3A_302 = arith.constant 0 : i32
      %dma_wait3A_303 = arith.constant 0 : i32
      %dma_wait3A_304 = tpu.memref_slice %arg2[%dma_wait3A_302, %dma_wait3A_303] : memref<1000000x32xf32, #tpu.memory_space<hbm>> -> memref<128x32xf32, #tpu.memory_space<hbm>>
      tpu.wait_dma2 semaphore(%arg11 : memref<!tpu.dma_semaphore, #tpu.memory_space<semaphore_mem>>) src(%dma_wait3A_304 : memref<128x32xf32, #tpu.memory_space<hbm>>) dst(%dma_wait3A_301 : memref<128x32xf32, #tpu.memory_space<vmem>>)
      %dma_wait3A_305 = arith.constant 1 : i32
      %dma_wait3A_306 = arith.constant 0 : i32
      %dma_wait3A_307 = arith.constant 0 : i32
      %dma_wait3A_308 = tpu.memref_slice %arg7[%dma_wait3A_305, %dma_wait3A_306, %dma_wait3A_307] : memref<5x128x32xf32, #tpu.memory_space<vmem>> -> memref<1x128x32xf32, #tpu.memory_space<vmem>>
      %dma_wait3A_309 = tpu.memref_squeeze %dma_wait3A_308 : memref<1x128x32xf32, #tpu.memory_space<vmem>> -> memref<128x32xf32, #tpu.memory_space<vmem>>
      %dma_wait3A_310 = arith.constant 0 : i32
      %dma_wait3A_311 = arith.constant 0 : i32
      %dma_wait3A_312 = tpu.memref_slice %arg2[%dma_wait3A_310, %dma_wait3A_311] : memref<1000000x32xf32, #tpu.memory_space<hbm>> -> memref<128x32xf32, #tpu.memory_space<hbm>>
      %dma_wait3A_313 = arith.constant 0 : i32
      %dma_wait3A_314 = arith.constant 0 : i32
      %dma_wait3A_315 = tpu.memref_slice %arg7[%dma_wait3A_305, %dma_wait3A_313, %dma_wait3A_314] : memref<5x128x32xf32, #tpu.memory_space<vmem>> -> memref<1x128x32xf32, #tpu.memory_space<vmem>>
      %dma_wait3A_316 = tpu.memref_squeeze %dma_wait3A_315 : memref<1x128x32xf32, #tpu.memory_space<vmem>> -> memref<128x32xf32, #tpu.memory_space<vmem>>
      %dma_wait3A_317 = arith.constant 0 : i32
      %dma_wait3A_318 = arith.constant 0 : i32
      %dma_wait3A_319 = tpu.memref_slice %arg2[%dma_wait3A_317, %dma_wait3A_318] : memref<1000000x32xf32, #tpu.memory_space<hbm>> -> memref<128x32xf32, #tpu.memory_space<hbm>>
      tpu.wait_dma2 semaphore(%arg11 : memref<!tpu.dma_semaphore, #tpu.memory_space<semaphore_mem>>) src(%dma_wait3A_319 : memref<128x32xf32, #tpu.memory_space<hbm>>) dst(%dma_wait3A_316 : memref<128x32xf32, #tpu.memory_space<vmem>>)
      %dma_wait3A_320 = arith.constant 2 : i32
      %dma_wait3A_321 = arith.constant 0 : i32
      %dma_wait3A_322 = arith.constant 0 : i32
      %dma_wait3A_323 = tpu.memref_slice %arg7[%dma_wait3A_320, %dma_wait3A_321, %dma_wait3A_322] : memref<5x128x32xf32, #tpu.memory_space<vmem>> -> memref<1x128x32xf32, #tpu.memory_space<vmem>>
      %dma_wait3A_324 = tpu.memref_squeeze %dma_wait3A_323 : memref<1x128x32xf32, #tpu.memory_space<vmem>> -> memref<128x32xf32, #tpu.memory_space<vmem>>
      %dma_wait3A_325 = arith.constant 0 : i32
      %dma_wait3A_326 = arith.constant 0 : i32
      %dma_wait3A_327 = tpu.memref_slice %arg2[%dma_wait3A_325, %dma_wait3A_326] : memref<1000000x32xf32, #tpu.memory_space<hbm>> -> memref<128x32xf32, #tpu.memory_space<hbm>>
      %dma_wait3A_328 = arith.constant 0 : i32
      %dma_wait3A_329 = arith.constant 0 : i32
      %dma_wait3A_330 = tpu.memref_slice %arg7[%dma_wait3A_320, %dma_wait3A_328, %dma_wait3A_329] : memref<5x128x32xf32, #tpu.memory_space<vmem>> -> memref<1x128x32xf32, #tpu.memory_space<vmem>>
      %dma_wait3A_331 = tpu.memref_squeeze %dma_wait3A_330 : memref<1x128x32xf32, #tpu.memory_space<vmem>> -> memref<128x32xf32, #tpu.memory_space<vmem>>
      %dma_wait3A_332 = arith.constant 0 : i32
      %dma_wait3A_333 = arith.constant 0 : i32
      %dma_wait3A_334 = tpu.memref_slice %arg2[%dma_wait3A_332, %dma_wait3A_333] : memref<1000000x32xf32, #tpu.memory_space<hbm>> -> memref<128x32xf32, #tpu.memory_space<hbm>>
      tpu.wait_dma2 semaphore(%arg11 : memref<!tpu.dma_semaphore, #tpu.memory_space<semaphore_mem>>) src(%dma_wait3A_334 : memref<128x32xf32, #tpu.memory_space<hbm>>) dst(%dma_wait3A_331 : memref<128x32xf32, #tpu.memory_space<vmem>>)
      %dma_wait3A_335 = arith.constant 3 : i32
      %dma_wait3A_336 = arith.constant 0 : i32
      %dma_wait3A_337 = arith.constant 0 : i32
      %dma_wait3A_338 = tpu.memref_slice %arg7[%dma_wait3A_335, %dma_wait3A_336, %dma_wait3A_337] : memref<5x128x32xf32, #tpu.memory_space<vmem>> -> memref<1x128x32xf32, #tpu.memory_space<vmem>>
      %dma_wait3A_339 = tpu.memref_squeeze %dma_wait3A_338 : memref<1x128x32xf32, #tpu.memory_space<vmem>> -> memref<128x32xf32, #tpu.memory_space<vmem>>
      %dma_wait3A_340 = arith.constant 0 : i32
      %dma_wait3A_341 = arith.constant 0 : i32
      %dma_wait3A_342 = tpu.memref_slice %arg2[%dma_wait3A_340, %dma_wait3A_341] : memref<1000000x32xf32, #tpu.memory_space<hbm>> -> memref<128x32xf32, #tpu.memory_space<hbm>>
      %dma_wait3A_343 = arith.constant 0 : i32
      %dma_wait3A_344 = arith.constant 0 : i32
      %dma_wait3A_345 = tpu.memref_slice %arg7[%dma_wait3A_335, %dma_wait3A_343, %dma_wait3A_344] : memref<5x128x32xf32, #tpu.memory_space<vmem>> -> memref<1x128x32xf32, #tpu.memory_space<vmem>>
      %dma_wait3A_346 = tpu.memref_squeeze %dma_wait3A_345 : memref<1x128x32xf32, #tpu.memory_space<vmem>> -> memref<128x32xf32, #tpu.memory_space<vmem>>
      %dma_wait3A_347 = arith.constant 0 : i32
      %dma_wait3A_348 = arith.constant 0 : i32
      %dma_wait3A_349 = tpu.memref_slice %arg2[%dma_wait3A_347, %dma_wait3A_348] : memref<1000000x32xf32, #tpu.memory_space<hbm>> -> memref<128x32xf32, #tpu.memory_space<hbm>>
      tpu.wait_dma2 semaphore(%arg11 : memref<!tpu.dma_semaphore, #tpu.memory_space<semaphore_mem>>) src(%dma_wait3A_349 : memref<128x32xf32, #tpu.memory_space<hbm>>) dst(%dma_wait3A_346 : memref<128x32xf32, #tpu.memory_space<vmem>>)
      %dma_wait3A_350 = arith.constant 4 : i32
      %dma_wait3A_351 = arith.constant 0 : i32
      %dma_wait3A_352 = arith.constant 0 : i32
      %dma_wait3A_353 = tpu.memref_slice %arg7[%dma_wait3A_350, %dma_wait3A_351, %dma_wait3A_352] : memref<5x128x32xf32, #tpu.memory_space<vmem>> -> memref<1x128x32xf32, #tpu.memory_space<vmem>>
      %dma_wait3A_354 = tpu.memref_squeeze %dma_wait3A_353 : memref<1x128x32xf32, #tpu.memory_space<vmem>> -> memref<128x32xf32, #tpu.memory_space<vmem>>
      %dma_wait3A_355 = arith.constant 0 : i32
      %dma_wait3A_356 = arith.constant 0 : i32
      %dma_wait3A_357 = tpu.memref_slice %arg2[%dma_wait3A_355, %dma_wait3A_356] : memref<1000000x32xf32, #tpu.memory_space<hbm>> -> memref<128x32xf32, #tpu.memory_space<hbm>>
      %dma_wait3A_358 = arith.constant 0 : i32
      %dma_wait3A_359 = arith.constant 0 : i32
      %dma_wait3A_360 = tpu.memref_slice %arg7[%dma_wait3A_350, %dma_wait3A_358, %dma_wait3A_359] : memref<5x128x32xf32, #tpu.memory_space<vmem>> -> memref<1x128x32xf32, #tpu.memory_space<vmem>>
      %dma_wait3A_361 = tpu.memref_squeeze %dma_wait3A_360 : memref<1x128x32xf32, #tpu.memory_space<vmem>> -> memref<128x32xf32, #tpu.memory_space<vmem>>
      %dma_wait3A_362 = arith.constant 0 : i32
      %dma_wait3A_363 = arith.constant 0 : i32
      %dma_wait3A_364 = tpu.memref_slice %arg2[%dma_wait3A_362, %dma_wait3A_363] : memref<1000000x32xf32, #tpu.memory_space<hbm>> -> memref<128x32xf32, #tpu.memory_space<hbm>>
      tpu.wait_dma2 semaphore(%arg11 : memref<!tpu.dma_semaphore, #tpu.memory_space<semaphore_mem>>) src(%dma_wait3A_364 : memref<128x32xf32, #tpu.memory_space<hbm>>) dst(%dma_wait3A_361 : memref<128x32xf32, #tpu.memory_space<vmem>>)
      %ge3A_365 = arith.constant 2 : i32
      %ge3A_366 = arith.cmpi sge, %add3A_282, %ge3A_365 : i32
      %convert_element_type3A_367 = arith.extui %ge3A_366 : i1 to i32
      %cond3A_368 = arith.constant 0 : i32
      %cond3A_369 = arith.cmpi ne, %convert_element_type3A_367, %cond3A_368 : i32
      scf.if %cond3A_369 {
        %dma_wait3A_427 = arith.constant 0 : i32
        %dma_wait3A_428 = arith.constant 0 : i32
        %dma_wait3A_429 = arith.constant 0 : i32
        %dma_wait3A_430 = arith.constant 0 : i32
        %dma_wait3A_431 = arith.constant 0 : i32
        %dma_wait3A_432 = tpu.memref_slice %arg9[%dma_wait3A_428, %dma_wait3A_429, %dma_wait3A_430, %dma_wait3A_431] : memref<5x4x8x133xf32, #tpu.memory_space<vmem>> -> memref<5x4x8x128xf32, #tpu.memory_space<vmem>>
        %dma_wait3A_433 = arith.constant 0 : i32
        %dma_wait3A_434 = arith.constant 0 : i32
        %dma_wait3A_435 = arith.constant 0 : i32
        %dma_wait3A_436 = arith.constant 0 : i32
        %dma_wait3A_437 = tpu.memref_slice %arg4[%dma_wait3A_433, %dma_wait3A_434, %dma_wait3A_427, %dma_wait3A_435, %dma_wait3A_436] : memref<200x4x32x8x128xf32, #tpu.memory_space<hbm>> -> memref<5x4x1x8x128xf32, #tpu.memory_space<hbm>>
        %dma_wait3A_438 = tpu.memref_squeeze %dma_wait3A_437 : memref<5x4x1x8x128xf32, #tpu.memory_space<hbm>> -> memref<5x4x8x128xf32, #tpu.memory_space<hbm>>
        %dma_wait3A_439 = arith.constant 0 : i32
        %dma_wait3A_440 = arith.constant 0 : i32
        %dma_wait3A_441 = arith.constant 0 : i32
        %dma_wait3A_442 = arith.constant 0 : i32
        %dma_wait3A_443 = tpu.memref_slice %arg9[%dma_wait3A_439, %dma_wait3A_440, %dma_wait3A_441, %dma_wait3A_442] : memref<5x4x8x133xf32, #tpu.memory_space<vmem>> -> memref<5x4x8x128xf32, #tpu.memory_space<vmem>>
        %dma_wait3A_444 = arith.constant 0 : i32
        %dma_wait3A_445 = arith.constant 0 : i32
        %dma_wait3A_446 = arith.constant 0 : i32
        %dma_wait3A_447 = arith.constant 0 : i32
        %dma_wait3A_448 = tpu.memref_slice %arg4[%dma_wait3A_444, %dma_wait3A_445, %dma_wait3A_427, %dma_wait3A_446, %dma_wait3A_447] : memref<200x4x32x8x128xf32, #tpu.memory_space<hbm>> -> memref<5x4x1x8x128xf32, #tpu.memory_space<hbm>>
        %dma_wait3A_449 = tpu.memref_squeeze %dma_wait3A_448 : memref<5x4x1x8x128xf32, #tpu.memory_space<hbm>> -> memref<5x4x8x128xf32, #tpu.memory_space<hbm>>
        tpu.wait_dma2 semaphore(%arg13 : memref<!tpu.dma_semaphore, #tpu.memory_space<semaphore_mem>>) src(%dma_wait3A_449 : memref<5x4x8x128xf32, #tpu.memory_space<hbm>>) dst(%dma_wait3A_443 : memref<5x4x8x128xf32, #tpu.memory_space<vmem>>)
      } else {
      }
      %scan3A_370 = arith.constant 0 : i32
      %scan3A_371 = arith.constant 0 : i32
      %scan3A_372 = arith.constant 0 : i32
      %scan3A_373 = arith.constant 32 : i32
      %scan3A_374 = arith.addi %scan3A_372, %scan3A_373 : i32
      %scan3A_375 = arith.constant 1 : i32
      scf.for %scan3A_427 = %scan3A_372 to %scan3A_374 step %scan3A_375  : i32 {
        %mul3A_428 = arith.constant 4 : i32
        %mul3A_429 = arith.muli %scan3A_427, %mul3A_428 : i32
        %add3A_430 = arith.constant 0 : i32
        %add3A_431 = arith.addi %mul3A_429, %add3A_430 : i32
        %broadcast_in_dim3A = vector.broadcast %add3A_431 : i32 to vector<16xi32>
        %get3A = arith.constant 0 : i32
        %get3A_432 = arith.index_cast %get3A : i32 to index
        %get3A_433 = arith.index_cast %add3A_431 : i32 to index
        %get3A_434 = arith.constant 0 : index
        %get3A_435 = tpu.vector_load %arg7[%get3A_432, %get3A_433, %get3A_434] {strides = array<i32>} : memref<5x128x32xf32, #tpu.memory_space<vmem>>, vector<16xf32>,
        %mul3A_436 = arith.constant 5.65685415 : f32
        %mul3A_437 = vector.broadcast %mul3A_436 : f32 to vector<16xf32>
        %mul3A_438 = arith.mulf %get3A_435, %mul3A_437 : vector<16xf32>
        %scatter3A = arith.constant 0 : i32
        %scatter3A_439 = arith.constant 0 : i32
        %scatter3A_440 = arith.constant 0 : i32
        %scatter3A_441 = tpu.memref_slice %arg9[%scan3A_371, %scatter3A, %scatter3A_439, %scatter3A_440] : memref<5x4x8x133xf32, #tpu.memory_space<vmem>> -> memref<1x4x8x133xf32, #tpu.memory_space<vmem>>
        %scatter3A_442 = tpu.memref_squeeze %scatter3A_441 : memref<1x4x8x133xf32, #tpu.memory_space<vmem>> -> memref<4x8x133xf32, #tpu.memory_space<vmem>>
        tpu.vector_store_idx %scatter3A_442[%shift_right_logical3A_5, %and3A_16, %broadcast_in_dim3A], %mul3A_438 : memref<4x8x133xf32, #tpu.memory_space<vmem>>[vector<16xi32>, vector<16xi32>, vector<16xi32>], vector<16xf32>,
        %get3A_443 = arith.constant 0 : i32
        %get3A_444 = arith.index_cast %get3A_443 : i32 to index
        %get3A_445 = arith.index_cast %add3A_431 : i32 to index
        %get3A_446 = arith.constant 16 : index
        %get3A_447 = tpu.vector_load %arg7[%get3A_444, %get3A_445, %get3A_446] {strides = array<i32>} : memref<5x128x32xf32, #tpu.memory_space<vmem>>, vector<16xf32>,
        %mul3A_448 = arith.constant 5.65685415 : f32
        %mul3A_449 = vector.broadcast %mul3A_448 : f32 to vector<16xf32>
        %mul3A_450 = arith.mulf %get3A_447, %mul3A_449 : vector<16xf32>
        %scatter3A_451 = arith.constant 0 : i32
        %scatter3A_452 = arith.constant 0 : i32
        %scatter3A_453 = arith.constant 0 : i32
        %scatter3A_454 = tpu.memref_slice %arg9[%scan3A_371, %scatter3A_451, %scatter3A_452, %scatter3A_453] : memref<5x4x8x133xf32, #tpu.memory_space<vmem>> -> memref<1x4x8x133xf32, #tpu.memory_space<vmem>>
        %scatter3A_455 = tpu.memref_squeeze %scatter3A_454 : memref<1x4x8x133xf32, #tpu.memory_space<vmem>> -> memref<4x8x133xf32, #tpu.memory_space<vmem>>
        tpu.vector_store_idx %scatter3A_455[%shift_right_logical3A_11, %and3A_22, %broadcast_in_dim3A], %mul3A_450 : memref<4x8x133xf32, #tpu.memory_space<vmem>>[vector<16xi32>, vector<16xi32>, vector<16xi32>], vector<16xf32>,
        %mul3A_456 = arith.constant 4 : i32
        %mul3A_457 = arith.muli %scan3A_427, %mul3A_456 : i32
        %add3A_458 = arith.constant 1 : i32
        %add3A_459 = arith.addi %mul3A_457, %add3A_458 : i32
        %broadcast_in_dim3A_460 = vector.broadcast %add3A_459 : i32 to vector<16xi32>
        %get3A_461 = arith.constant 0 : i32
        %get3A_462 = arith.index_cast %get3A_461 : i32 to index
        %get3A_463 = arith.index_cast %add3A_459 : i32 to index
        %get3A_464 = arith.constant 0 : index
        %get3A_465 = tpu.vector_load %arg7[%get3A_462, %get3A_463, %get3A_464] {strides = array<i32>} : memref<5x128x32xf32, #tpu.memory_space<vmem>>, vector<16xf32>,
        %mul3A_466 = arith.constant 5.65685415 : f32
        %mul3A_467 = vector.broadcast %mul3A_466 : f32 to vector<16xf32>
        %mul3A_468 = arith.mulf %get3A_465, %mul3A_467 : vector<16xf32>
        %scatter3A_469 = arith.constant 0 : i32
        %scatter3A_470 = arith.constant 0 : i32
        %scatter3A_471 = arith.constant 0 : i32
        %scatter3A_472 = tpu.memref_slice %arg9[%scan3A_371, %scatter3A_469, %scatter3A_470, %scatter3A_471] : memref<5x4x8x133xf32, #tpu.memory_space<vmem>> -> memref<1x4x8x133xf32, #tpu.memory_space<vmem>>
        %scatter3A_473 = tpu.memref_squeeze %scatter3A_472 : memref<1x4x8x133xf32, #tpu.memory_space<vmem>> -> memref<4x8x133xf32, #tpu.memory_space<vmem>>
        tpu.vector_store_idx %scatter3A_473[%shift_right_logical3A_5, %and3A_16, %broadcast_in_dim3A_460], %mul3A_468 : memref<4x8x133xf32, #tpu.memory_space<vmem>>[vector<16xi32>, vector<16xi32>, vector<16xi32>], vector<16xf32>,
        %get3A_474 = arith.constant 0 : i32
        %get3A_475 = arith.index_cast %get3A_474 : i32 to index
        %get3A_476 = arith.index_cast %add3A_459 : i32 to index
        %get3A_477 = arith.constant 16 : index
        %get3A_478 = tpu.vector_load %arg7[%get3A_475, %get3A_476, %get3A_477] {strides = array<i32>} : memref<5x128x32xf32, #tpu.memory_space<vmem>>, vector<16xf32>,
        %mul3A_479 = arith.constant 5.65685415 : f32
        %mul3A_480 = vector.broadcast %mul3A_479 : f32 to vector<16xf32>
        %mul3A_481 = arith.mulf %get3A_478, %mul3A_480 : vector<16xf32>
        %scatter3A_482 = arith.constant 0 : i32
        %scatter3A_483 = arith.constant 0 : i32
        %scatter3A_484 = arith.constant 0 : i32
        %scatter3A_485 = tpu.memref_slice %arg9[%scan3A_371, %scatter3A_482, %scatter3A_483, %scatter3A_484] : memref<5x4x8x133xf32, #tpu.memory_space<vmem>> -> memref<1x4x8x133xf32, #tpu.memory_space<vmem>>
        %scatter3A_486 = tpu.memref_squeeze %scatter3A_485 : memref<1x4x8x133xf32, #tpu.memory_space<vmem>> -> memref<4x8x133xf32, #tpu.memory_space<vmem>>
        tpu.vector_store_idx %scatter3A_486[%shift_right_logical3A_11, %and3A_22, %broadcast_in_dim3A_460], %mul3A_481 : memref<4x8x133xf32, #tpu.memory_space<vmem>>[vector<16xi32>, vector<16xi32>, vector<16xi32>], vector<16xf32>,
        %mul3A_487 = arith.constant 4 : i32
        %mul3A_488 = arith.muli %scan3A_427, %mul3A_487 : i32
        %add3A_489 = arith.constant 2 : i32
        %add3A_490 = arith.addi %mul3A_488, %add3A_489 : i32
        %broadcast_in_dim3A_491 = vector.broadcast %add3A_490 : i32 to vector<16xi32>
        %get3A_492 = arith.constant 0 : i32
        %get3A_493 = arith.index_cast %get3A_492 : i32 to index
        %get3A_494 = arith.index_cast %add3A_490 : i32 to index
        %get3A_495 = arith.constant 0 : index
        %get3A_496 = tpu.vector_load %arg7[%get3A_493, %get3A_494, %get3A_495] {strides = array<i32>} : memref<5x128x32xf32, #tpu.memory_space<vmem>>, vector<16xf32>,
        %mul3A_497 = arith.constant 5.65685415 : f32
        %mul3A_498 = vector.broadcast %mul3A_497 : f32 to vector<16xf32>
        %mul3A_499 = arith.mulf %get3A_496, %mul3A_498 : vector<16xf32>
        %scatter3A_500 = arith.constant 0 : i32
        %scatter3A_501 = arith.constant 0 : i32
        %scatter3A_502 = arith.constant 0 : i32
        %scatter3A_503 = tpu.memref_slice %arg9[%scan3A_371, %scatter3A_500, %scatter3A_501, %scatter3A_502] : memref<5x4x8x133xf32, #tpu.memory_space<vmem>> -> memref<1x4x8x133xf32, #tpu.memory_space<vmem>>
        %scatter3A_504 = tpu.memref_squeeze %scatter3A_503 : memref<1x4x8x133xf32, #tpu.memory_space<vmem>> -> memref<4x8x133xf32, #tpu.memory_space<vmem>>
        tpu.vector_store_idx %scatter3A_504[%shift_right_logical3A_5, %and3A_16, %broadcast_in_dim3A_491], %mul3A_499 : memref<4x8x133xf32, #tpu.memory_space<vmem>>[vector<16xi32>, vector<16xi32>, vector<16xi32>], vector<16xf32>,
        %get3A_505 = arith.constant 0 : i32
        %get3A_506 = arith.index_cast %get3A_505 : i32 to index
        %get3A_507 = arith.index_cast %add3A_490 : i32 to index
        %get3A_508 = arith.constant 16 : index
        %get3A_509 = tpu.vector_load %arg7[%get3A_506, %get3A_507, %get3A_508] {strides = array<i32>} : memref<5x128x32xf32, #tpu.memory_space<vmem>>, vector<16xf32>,
        %mul3A_510 = arith.constant 5.65685415 : f32
        %mul3A_511 = vector.broadcast %mul3A_510 : f32 to vector<16xf32>
        %mul3A_512 = arith.mulf %get3A_509, %mul3A_511 : vector<16xf32>
        %scatter3A_513 = arith.constant 0 : i32
        %scatter3A_514 = arith.constant 0 : i32
        %scatter3A_515 = arith.constant 0 : i32
        %scatter3A_516 = tpu.memref_slice %arg9[%scan3A_371, %scatter3A_513, %scatter3A_514, %scatter3A_515] : memref<5x4x8x133xf32, #tpu.memory_space<vmem>> -> memref<1x4x8x133xf32, #tpu.memory_space<vmem>>
        %scatter3A_517 = tpu.memref_squeeze %scatter3A_516 : memref<1x4x8x133xf32, #tpu.memory_space<vmem>> -> memref<4x8x133xf32, #tpu.memory_space<vmem>>
        tpu.vector_store_idx %scatter3A_517[%shift_right_logical3A_11, %and3A_22, %broadcast_in_dim3A_491], %mul3A_512 : memref<4x8x133xf32, #tpu.memory_space<vmem>>[vector<16xi32>, vector<16xi32>, vector<16xi32>], vector<16xf32>,
        %mul3A_518 = arith.constant 4 : i32
        %mul3A_519 = arith.muli %scan3A_427, %mul3A_518 : i32
        %add3A_520 = arith.constant 3 : i32
        %add3A_521 = arith.addi %mul3A_519, %add3A_520 : i32
        %broadcast_in_dim3A_522 = vector.broadcast %add3A_521 : i32 to vector<16xi32>
        %get3A_523 = arith.constant 0 : i32
        %get3A_524 = arith.index_cast %get3A_523 : i32 to index
        %get3A_525 = arith.index_cast %add3A_521 : i32 to index
        %get3A_526 = arith.constant 0 : index
        %get3A_527 = tpu.vector_load %arg7[%get3A_524, %get3A_525, %get3A_526] {strides = array<i32>} : memref<5x128x32xf32, #tpu.memory_space<vmem>>, vector<16xf32>,
        %mul3A_528 = arith.constant 5.65685415 : f32
        %mul3A_529 = vector.broadcast %mul3A_528 : f32 to vector<16xf32>
        %mul3A_530 = arith.mulf %get3A_527, %mul3A_529 : vector<16xf32>
        %scatter3A_531 = arith.constant 0 : i32
        %scatter3A_532 = arith.constant 0 : i32
        %scatter3A_533 = arith.constant 0 : i32
        %scatter3A_534 = tpu.memref_slice %arg9[%scan3A_371, %scatter3A_531, %scatter3A_532, %scatter3A_533] : memref<5x4x8x133xf32, #tpu.memory_space<vmem>> -> memref<1x4x8x133xf32, #tpu.memory_space<vmem>>
        %scatter3A_535 = tpu.memref_squeeze %scatter3A_534 : memref<1x4x8x133xf32, #tpu.memory_space<vmem>> -> memref<4x8x133xf32, #tpu.memory_space<vmem>>
        tpu.vector_store_idx %scatter3A_535[%shift_right_logical3A_5, %and3A_16, %broadcast_in_dim3A_522], %mul3A_530 : memref<4x8x133xf32, #tpu.memory_space<vmem>>[vector<16xi32>, vector<16xi32>, vector<16xi32>], vector<16xf32>,
        %get3A_536 = arith.constant 0 : i32
        %get3A_537 = arith.index_cast %get3A_536 : i32 to index
        %get3A_538 = arith.index_cast %add3A_521 : i32 to index
        %get3A_539 = arith.constant 16 : index
        %get3A_540 = tpu.vector_load %arg7[%get3A_537, %get3A_538, %get3A_539] {strides = array<i32>} : memref<5x128x32xf32, #tpu.memory_space<vmem>>, vector<16xf32>,
        %mul3A_541 = arith.constant 5.65685415 : f32
        %mul3A_542 = vector.broadcast %mul3A_541 : f32 to vector<16xf32>
        %mul3A_543 = arith.mulf %get3A_540, %mul3A_542 : vector<16xf32>
        %scatter3A_544 = arith.constant 0 : i32
        %scatter3A_545 = arith.constant 0 : i32
        %scatter3A_546 = arith.constant 0 : i32
        %scatter3A_547 = tpu.memref_slice %arg9[%scan3A_371, %scatter3A_544, %scatter3A_545, %scatter3A_546] : memref<5x4x8x133xf32, #tpu.memory_space<vmem>> -> memref<1x4x8x133xf32, #tpu.memory_space<vmem>>
        %scatter3A_548 = tpu.memref_squeeze %scatter3A_547 : memref<1x4x8x133xf32, #tpu.memory_space<vmem>> -> memref<4x8x133xf32, #tpu.memory_space<vmem>>
        tpu.vector_store_idx %scatter3A_548[%shift_right_logical3A_11, %and3A_22, %broadcast_in_dim3A_522], %mul3A_543 : memref<4x8x133xf32, #tpu.memory_space<vmem>>[vector<16xi32>, vector<16xi32>, vector<16xi32>], vector<16xf32>,
      }
      %scan3A_376 = arith.constant 32 : i32
      %scan3A_377 = arith.constant 0 : i32
      %scan3A_378 = arith.constant 1 : i32
      %scan3A_379 = arith.constant 0 : i32
      %scan3A_380 = arith.constant 32 : i32
      %scan3A_381 = arith.addi %scan3A_379, %scan3A_380 : i32
      %scan3A_382 = arith.constant 1 : i32
      scf.for %scan3A_427 = %scan3A_379 to %scan3A_381 step %scan3A_382  : i32 {
        %mul3A_428 = arith.constant 4 : i32
        %mul3A_429 = arith.muli %scan3A_427, %mul3A_428 : i32
        %add3A_430 = arith.constant 0 : i32
        %add3A_431 = arith.addi %mul3A_429, %add3A_430 : i32
        %broadcast_in_dim3A = vector.broadcast %add3A_431 : i32 to vector<16xi32>
        %get3A = arith.constant 1 : i32
        %get3A_432 = arith.index_cast %get3A : i32 to index
        %get3A_433 = arith.index_cast %add3A_431 : i32 to index
        %get3A_434 = arith.constant 0 : index
        %get3A_435 = tpu.vector_load %arg7[%get3A_432, %get3A_433, %get3A_434] {strides = array<i32>} : memref<5x128x32xf32, #tpu.memory_space<vmem>>, vector<16xf32>,
        %mul3A_436 = arith.constant 5.65685415 : f32
        %mul3A_437 = vector.broadcast %mul3A_436 : f32 to vector<16xf32>
        %mul3A_438 = arith.mulf %get3A_435, %mul3A_437 : vector<16xf32>
        %scatter3A = arith.constant 0 : i32
        %scatter3A_439 = arith.constant 0 : i32
        %scatter3A_440 = arith.constant 0 : i32
        %scatter3A_441 = tpu.memref_slice %arg9[%scan3A_378, %scatter3A, %scatter3A_439, %scatter3A_440] : memref<5x4x8x133xf32, #tpu.memory_space<vmem>> -> memref<1x4x8x133xf32, #tpu.memory_space<vmem>>
        %scatter3A_442 = tpu.memref_squeeze %scatter3A_441 : memref<1x4x8x133xf32, #tpu.memory_space<vmem>> -> memref<4x8x133xf32, #tpu.memory_space<vmem>>
        tpu.vector_store_idx %scatter3A_442[%shift_right_logical3A_5, %and3A_16, %broadcast_in_dim3A], %mul3A_438 : memref<4x8x133xf32, #tpu.memory_space<vmem>>[vector<16xi32>, vector<16xi32>, vector<16xi32>], vector<16xf32>,
        %get3A_443 = arith.constant 1 : i32
        %get3A_444 = arith.index_cast %get3A_443 : i32 to index
        %get3A_445 = arith.index_cast %add3A_431 : i32 to index
        %get3A_446 = arith.constant 16 : index
        %get3A_447 = tpu.vector_load %arg7[%get3A_444, %get3A_445, %get3A_446] {strides = array<i32>} : memref<5x128x32xf32, #tpu.memory_space<vmem>>, vector<16xf32>,
        %mul3A_448 = arith.constant 5.65685415 : f32
        %mul3A_449 = vector.broadcast %mul3A_448 : f32 to vector<16xf32>
        %mul3A_450 = arith.mulf %get3A_447, %mul3A_449 : vector<16xf32>
        %scatter3A_451 = arith.constant 0 : i32
        %scatter3A_452 = arith.constant 0 : i32
        %scatter3A_453 = arith.constant 0 : i32
        %scatter3A_454 = tpu.memref_slice %arg9[%scan3A_378, %scatter3A_451, %scatter3A_452, %scatter3A_453] : memref<5x4x8x133xf32, #tpu.memory_space<vmem>> -> memref<1x4x8x133xf32, #tpu.memory_space<vmem>>
        %scatter3A_455 = tpu.memref_squeeze %scatter3A_454 : memref<1x4x8x133xf32, #tpu.memory_space<vmem>> -> memref<4x8x133xf32, #tpu.memory_space<vmem>>
        tpu.vector_store_idx %scatter3A_455[%shift_right_logical3A_11, %and3A_22, %broadcast_in_dim3A], %mul3A_450 : memref<4x8x133xf32, #tpu.memory_space<vmem>>[vector<16xi32>, vector<16xi32>, vector<16xi32>], vector<16xf32>,
        %mul3A_456 = arith.constant 4 : i32
        %mul3A_457 = arith.muli %scan3A_427, %mul3A_456 : i32
        %add3A_458 = arith.constant 1 : i32
        %add3A_459 = arith.addi %mul3A_457, %add3A_458 : i32
        %broadcast_in_dim3A_460 = vector.broadcast %add3A_459 : i32 to vector<16xi32>
        %get3A_461 = arith.constant 1 : i32
        %get3A_462 = arith.index_cast %get3A_461 : i32 to index
        %get3A_463 = arith.index_cast %add3A_459 : i32 to index
        %get3A_464 = arith.constant 0 : index
        %get3A_465 = tpu.vector_load %arg7[%get3A_462, %get3A_463, %get3A_464] {strides = array<i32>} : memref<5x128x32xf32, #tpu.memory_space<vmem>>, vector<16xf32>,
        %mul3A_466 = arith.constant 5.65685415 : f32
        %mul3A_467 = vector.broadcast %mul3A_466 : f32 to vector<16xf32>
        %mul3A_468 = arith.mulf %get3A_465, %mul3A_467 : vector<16xf32>
        %scatter3A_469 = arith.constant 0 : i32
        %scatter3A_470 = arith.constant 0 : i32
        %scatter3A_471 = arith.constant 0 : i32
        %scatter3A_472 = tpu.memref_slice %arg9[%scan3A_378, %scatter3A_469, %scatter3A_470, %scatter3A_471] : memref<5x4x8x133xf32, #tpu.memory_space<vmem>> -> memref<1x4x8x133xf32, #tpu.memory_space<vmem>>
        %scatter3A_473 = tpu.memref_squeeze %scatter3A_472 : memref<1x4x8x133xf32, #tpu.memory_space<vmem>> -> memref<4x8x133xf32, #tpu.memory_space<vmem>>
        tpu.vector_store_idx %scatter3A_473[%shift_right_logical3A_5, %and3A_16, %broadcast_in_dim3A_460], %mul3A_468 : memref<4x8x133xf32, #tpu.memory_space<vmem>>[vector<16xi32>, vector<16xi32>, vector<16xi32>], vector<16xf32>,
        %get3A_474 = arith.constant 1 : i32
        %get3A_475 = arith.index_cast %get3A_474 : i32 to index
        %get3A_476 = arith.index_cast %add3A_459 : i32 to index
        %get3A_477 = arith.constant 16 : index
        %get3A_478 = tpu.vector_load %arg7[%get3A_475, %get3A_476, %get3A_477] {strides = array<i32>} : memref<5x128x32xf32, #tpu.memory_space<vmem>>, vector<16xf32>,
        %mul3A_479 = arith.constant 5.65685415 : f32
        %mul3A_480 = vector.broadcast %mul3A_479 : f32 to vector<16xf32>
        %mul3A_481 = arith.mulf %get3A_478, %mul3A_480 : vector<16xf32>
        %scatter3A_482 = arith.constant 0 : i32
        %scatter3A_483 = arith.constant 0 : i32
        %scatter3A_484 = arith.constant 0 : i32
        %scatter3A_485 = tpu.memref_slice %arg9[%scan3A_378, %scatter3A_482, %scatter3A_483, %scatter3A_484] : memref<5x4x8x133xf32, #tpu.memory_space<vmem>> -> memref<1x4x8x133xf32, #tpu.memory_space<vmem>>
        %scatter3A_486 = tpu.memref_squeeze %scatter3A_485 : memref<1x4x8x133xf32, #tpu.memory_space<vmem>> -> memref<4x8x133xf32, #tpu.memory_space<vmem>>
        tpu.vector_store_idx %scatter3A_486[%shift_right_logical3A_11, %and3A_22, %broadcast_in_dim3A_460], %mul3A_481 : memref<4x8x133xf32, #tpu.memory_space<vmem>>[vector<16xi32>, vector<16xi32>, vector<16xi32>], vector<16xf32>,
        %mul3A_487 = arith.constant 4 : i32
        %mul3A_488 = arith.muli %scan3A_427, %mul3A_487 : i32
        %add3A_489 = arith.constant 2 : i32
        %add3A_490 = arith.addi %mul3A_488, %add3A_489 : i32
        %broadcast_in_dim3A_491 = vector.broadcast %add3A_490 : i32 to vector<16xi32>
        %get3A_492 = arith.constant 1 : i32
        %get3A_493 = arith.index_cast %get3A_492 : i32 to index
        %get3A_494 = arith.index_cast %add3A_490 : i32 to index
        %get3A_495 = arith.constant 0 : index
        %get3A_496 = tpu.vector_load %arg7[%get3A_493, %get3A_494, %get3A_495] {strides = array<i32>} : memref<5x128x32xf32, #tpu.memory_space<vmem>>, vector<16xf32>,
        %mul3A_497 = arith.constant 5.65685415 : f32
        %mul3A_498 = vector.broadcast %mul3A_497 : f32 to vector<16xf32>
        %mul3A_499 = arith.mulf %get3A_496, %mul3A_498 : vector<16xf32>
        %scatter3A_500 = arith.constant 0 : i32
        %scatter3A_501 = arith.constant 0 : i32
        %scatter3A_502 = arith.constant 0 : i32
        %scatter3A_503 = tpu.memref_slice %arg9[%scan3A_378, %scatter3A_500, %scatter3A_501, %scatter3A_502] : memref<5x4x8x133xf32, #tpu.memory_space<vmem>> -> memref<1x4x8x133xf32, #tpu.memory_space<vmem>>
        %scatter3A_504 = tpu.memref_squeeze %scatter3A_503 : memref<1x4x8x133xf32, #tpu.memory_space<vmem>> -> memref<4x8x133xf32, #tpu.memory_space<vmem>>
        tpu.vector_store_idx %scatter3A_504[%shift_right_logical3A_5, %and3A_16, %broadcast_in_dim3A_491], %mul3A_499 : memref<4x8x133xf32, #tpu.memory_space<vmem>>[vector<16xi32>, vector<16xi32>, vector<16xi32>], vector<16xf32>,
        %get3A_505 = arith.constant 1 : i32
        %get3A_506 = arith.index_cast %get3A_505 : i32 to index
        %get3A_507 = arith.index_cast %add3A_490 : i32 to index
        %get3A_508 = arith.constant 16 : index
        %get3A_509 = tpu.vector_load %arg7[%get3A_506, %get3A_507, %get3A_508] {strides = array<i32>} : memref<5x128x32xf32, #tpu.memory_space<vmem>>, vector<16xf32>,
        %mul3A_510 = arith.constant 5.65685415 : f32
        %mul3A_511 = vector.broadcast %mul3A_510 : f32 to vector<16xf32>
        %mul3A_512 = arith.mulf %get3A_509, %mul3A_511 : vector<16xf32>
        %scatter3A_513 = arith.constant 0 : i32
        %scatter3A_514 = arith.constant 0 : i32
        %scatter3A_515 = arith.constant 0 : i32
        %scatter3A_516 = tpu.memref_slice %arg9[%scan3A_378, %scatter3A_513, %scatter3A_514, %scatter3A_515] : memref<5x4x8x133xf32, #tpu.memory_space<vmem>> -> memref<1x4x8x133xf32, #tpu.memory_space<vmem>>
        %scatter3A_517 = tpu.memref_squeeze %scatter3A_516 : memref<1x4x8x133xf32, #tpu.memory_space<vmem>> -> memref<4x8x133xf32, #tpu.memory_space<vmem>>
        tpu.vector_store_idx %scatter3A_517[%shift_right_logical3A_11, %and3A_22, %broadcast_in_dim3A_491], %mul3A_512 : memref<4x8x133xf32, #tpu.memory_space<vmem>>[vector<16xi32>, vector<16xi32>, vector<16xi32>], vector<16xf32>,
        %mul3A_518 = arith.constant 4 : i32
        %mul3A_519 = arith.muli %scan3A_427, %mul3A_518 : i32
        %add3A_520 = arith.constant 3 : i32
        %add3A_521 = arith.addi %mul3A_519, %add3A_520 : i32
        %broadcast_in_dim3A_522 = vector.broadcast %add3A_521 : i32 to vector<16xi32>
        %get3A_523 = arith.constant 1 : i32
        %get3A_524 = arith.index_cast %get3A_523 : i32 to index
        %get3A_525 = arith.index_cast %add3A_521 : i32 to index
        %get3A_526 = arith.constant 0 : index
        %get3A_527 = tpu.vector_load %arg7[%get3A_524, %get3A_525, %get3A_526] {strides = array<i32>} : memref<5x128x32xf32, #tpu.memory_space<vmem>>, vector<16xf32>,
        %mul3A_528 = arith.constant 5.65685415 : f32
        %mul3A_529 = vector.broadcast %mul3A_528 : f32 to vector<16xf32>
        %mul3A_530 = arith.mulf %get3A_527, %mul3A_529 : vector<16xf32>
        %scatter3A_531 = arith.constant 0 : i32
        %scatter3A_532 = arith.constant 0 : i32
        %scatter3A_533 = arith.constant 0 : i32
        %scatter3A_534 = tpu.memref_slice %arg9[%scan3A_378, %scatter3A_531, %scatter3A_532, %scatter3A_533] : memref<5x4x8x133xf32, #tpu.memory_space<vmem>> -> memref<1x4x8x133xf32, #tpu.memory_space<vmem>>
        %scatter3A_535 = tpu.memref_squeeze %scatter3A_534 : memref<1x4x8x133xf32, #tpu.memory_space<vmem>> -> memref<4x8x133xf32, #tpu.memory_space<vmem>>
        tpu.vector_store_idx %scatter3A_535[%shift_right_logical3A_5, %and3A_16, %broadcast_in_dim3A_522], %mul3A_530 : memref<4x8x133xf32, #tpu.memory_space<vmem>>[vector<16xi32>, vector<16xi32>, vector<16xi32>], vector<16xf32>,
        %get3A_536 = arith.constant 1 : i32
        %get3A_537 = arith.index_cast %get3A_536 : i32 to index
        %get3A_538 = arith.index_cast %add3A_521 : i32 to index
        %get3A_539 = arith.constant 16 : index
        %get3A_540 = tpu.vector_load %arg7[%get3A_537, %get3A_538, %get3A_539] {strides = array<i32>} : memref<5x128x32xf32, #tpu.memory_space<vmem>>, vector<16xf32>,
        %mul3A_541 = arith.constant 5.65685415 : f32
        %mul3A_542 = vector.broadcast %mul3A_541 : f32 to vector<16xf32>
        %mul3A_543 = arith.mulf %get3A_540, %mul3A_542 : vector<16xf32>
        %scatter3A_544 = arith.constant 0 : i32
        %scatter3A_545 = arith.constant 0 : i32
        %scatter3A_546 = arith.constant 0 : i32
        %scatter3A_547 = tpu.memref_slice %arg9[%scan3A_378, %scatter3A_544, %scatter3A_545, %scatter3A_546] : memref<5x4x8x133xf32, #tpu.memory_space<vmem>> -> memref<1x4x8x133xf32, #tpu.memory_space<vmem>>
        %scatter3A_548 = tpu.memref_squeeze %scatter3A_547 : memref<1x4x8x133xf32, #tpu.memory_space<vmem>> -> memref<4x8x133xf32, #tpu.memory_space<vmem>>
        tpu.vector_store_idx %scatter3A_548[%shift_right_logical3A_11, %and3A_22, %broadcast_in_dim3A_522], %mul3A_543 : memref<4x8x133xf32, #tpu.memory_space<vmem>>[vector<16xi32>, vector<16xi32>, vector<16xi32>], vector<16xf32>,
      }
      %scan3A_383 = arith.constant 32 : i32
      %scan3A_384 = arith.constant 0 : i32
      %scan3A_385 = arith.constant 2 : i32
      %scan3A_386 = arith.constant 0 : i32
      %scan3A_387 = arith.constant 32 : i32
      %scan3A_388 = arith.addi %scan3A_386, %scan3A_387 : i32
      %scan3A_389 = arith.constant 1 : i32
      scf.for %scan3A_427 = %scan3A_386 to %scan3A_388 step %scan3A_389  : i32 {
        %mul3A_428 = arith.constant 4 : i32
        %mul3A_429 = arith.muli %scan3A_427, %mul3A_428 : i32
        %add3A_430 = arith.constant 0 : i32
        %add3A_431 = arith.addi %mul3A_429, %add3A_430 : i32
        %broadcast_in_dim3A = vector.broadcast %add3A_431 : i32 to vector<16xi32>
        %get3A = arith.constant 2 : i32
        %get3A_432 = arith.index_cast %get3A : i32 to index
        %get3A_433 = arith.index_cast %add3A_431 : i32 to index
        %get3A_434 = arith.constant 0 : index
        %get3A_435 = tpu.vector_load %arg7[%get3A_432, %get3A_433, %get3A_434] {strides = array<i32>} : memref<5x128x32xf32, #tpu.memory_space<vmem>>, vector<16xf32>,
        %mul3A_436 = arith.constant 5.65685415 : f32
        %mul3A_437 = vector.broadcast %mul3A_436 : f32 to vector<16xf32>
        %mul3A_438 = arith.mulf %get3A_435, %mul3A_437 : vector<16xf32>
        %scatter3A = arith.constant 0 : i32
        %scatter3A_439 = arith.constant 0 : i32
        %scatter3A_440 = arith.constant 0 : i32
        %scatter3A_441 = tpu.memref_slice %arg9[%scan3A_385, %scatter3A, %scatter3A_439, %scatter3A_440] : memref<5x4x8x133xf32, #tpu.memory_space<vmem>> -> memref<1x4x8x133xf32, #tpu.memory_space<vmem>>
        %scatter3A_442 = tpu.memref_squeeze %scatter3A_441 : memref<1x4x8x133xf32, #tpu.memory_space<vmem>> -> memref<4x8x133xf32, #tpu.memory_space<vmem>>
        tpu.vector_store_idx %scatter3A_442[%shift_right_logical3A_5, %and3A_16, %broadcast_in_dim3A], %mul3A_438 : memref<4x8x133xf32, #tpu.memory_space<vmem>>[vector<16xi32>, vector<16xi32>, vector<16xi32>], vector<16xf32>,
        %get3A_443 = arith.constant 2 : i32
        %get3A_444 = arith.index_cast %get3A_443 : i32 to index
        %get3A_445 = arith.index_cast %add3A_431 : i32 to index
        %get3A_446 = arith.constant 16 : index
        %get3A_447 = tpu.vector_load %arg7[%get3A_444, %get3A_445, %get3A_446] {strides = array<i32>} : memref<5x128x32xf32, #tpu.memory_space<vmem>>, vector<16xf32>,
        %mul3A_448 = arith.constant 5.65685415 : f32
        %mul3A_449 = vector.broadcast %mul3A_448 : f32 to vector<16xf32>
        %mul3A_450 = arith.mulf %get3A_447, %mul3A_449 : vector<16xf32>
        %scatter3A_451 = arith.constant 0 : i32
        %scatter3A_452 = arith.constant 0 : i32
        %scatter3A_453 = arith.constant 0 : i32
        %scatter3A_454 = tpu.memref_slice %arg9[%scan3A_385, %scatter3A_451, %scatter3A_452, %scatter3A_453] : memref<5x4x8x133xf32, #tpu.memory_space<vmem>> -> memref<1x4x8x133xf32, #tpu.memory_space<vmem>>
        %scatter3A_455 = tpu.memref_squeeze %scatter3A_454 : memref<1x4x8x133xf32, #tpu.memory_space<vmem>> -> memref<4x8x133xf32, #tpu.memory_space<vmem>>
        tpu.vector_store_idx %scatter3A_455[%shift_right_logical3A_11, %and3A_22, %broadcast_in_dim3A], %mul3A_450 : memref<4x8x133xf32, #tpu.memory_space<vmem>>[vector<16xi32>, vector<16xi32>, vector<16xi32>], vector<16xf32>,
        %mul3A_456 = arith.constant 4 : i32
        %mul3A_457 = arith.muli %scan3A_427, %mul3A_456 : i32
        %add3A_458 = arith.constant 1 : i32
        %add3A_459 = arith.addi %mul3A_457, %add3A_458 : i32
        %broadcast_in_dim3A_460 = vector.broadcast %add3A_459 : i32 to vector<16xi32>
        %get3A_461 = arith.constant 2 : i32
        %get3A_462 = arith.index_cast %get3A_461 : i32 to index
        %get3A_463 = arith.index_cast %add3A_459 : i32 to index
        %get3A_464 = arith.constant 0 : index
        %get3A_465 = tpu.vector_load %arg7[%get3A_462, %get3A_463, %get3A_464] {strides = array<i32>} : memref<5x128x32xf32, #tpu.memory_space<vmem>>, vector<16xf32>,
        %mul3A_466 = arith.constant 5.65685415 : f32
        %mul3A_467 = vector.broadcast %mul3A_466 : f32 to vector<16xf32>
        %mul3A_468 = arith.mulf %get3A_465, %mul3A_467 : vector<16xf32>
        %scatter3A_469 = arith.constant 0 : i32
        %scatter3A_470 = arith.constant 0 : i32
        %scatter3A_471 = arith.constant 0 : i32
        %scatter3A_472 = tpu.memref_slice %arg9[%scan3A_385, %scatter3A_469, %scatter3A_470, %scatter3A_471] : memref<5x4x8x133xf32, #tpu.memory_space<vmem>> -> memref<1x4x8x133xf32, #tpu.memory_space<vmem>>
        %scatter3A_473 = tpu.memref_squeeze %scatter3A_472 : memref<1x4x8x133xf32, #tpu.memory_space<vmem>> -> memref<4x8x133xf32, #tpu.memory_space<vmem>>
        tpu.vector_store_idx %scatter3A_473[%shift_right_logical3A_5, %and3A_16, %broadcast_in_dim3A_460], %mul3A_468 : memref<4x8x133xf32, #tpu.memory_space<vmem>>[vector<16xi32>, vector<16xi32>, vector<16xi32>], vector<16xf32>,
        %get3A_474 = arith.constant 2 : i32
        %get3A_475 = arith.index_cast %get3A_474 : i32 to index
        %get3A_476 = arith.index_cast %add3A_459 : i32 to index
        %get3A_477 = arith.constant 16 : index
        %get3A_478 = tpu.vector_load %arg7[%get3A_475, %get3A_476, %get3A_477] {strides = array<i32>} : memref<5x128x32xf32, #tpu.memory_space<vmem>>, vector<16xf32>,
        %mul3A_479 = arith.constant 5.65685415 : f32
        %mul3A_480 = vector.broadcast %mul3A_479 : f32 to vector<16xf32>
        %mul3A_481 = arith.mulf %get3A_478, %mul3A_480 : vector<16xf32>
        %scatter3A_482 = arith.constant 0 : i32
        %scatter3A_483 = arith.constant 0 : i32
        %scatter3A_484 = arith.constant 0 : i32
        %scatter3A_485 = tpu.memref_slice %arg9[%scan3A_385, %scatter3A_482, %scatter3A_483, %scatter3A_484] : memref<5x4x8x133xf32, #tpu.memory_space<vmem>> -> memref<1x4x8x133xf32, #tpu.memory_space<vmem>>
        %scatter3A_486 = tpu.memref_squeeze %scatter3A_485 : memref<1x4x8x133xf32, #tpu.memory_space<vmem>> -> memref<4x8x133xf32, #tpu.memory_space<vmem>>
        tpu.vector_store_idx %scatter3A_486[%shift_right_logical3A_11, %and3A_22, %broadcast_in_dim3A_460], %mul3A_481 : memref<4x8x133xf32, #tpu.memory_space<vmem>>[vector<16xi32>, vector<16xi32>, vector<16xi32>], vector<16xf32>,
        %mul3A_487 = arith.constant 4 : i32
        %mul3A_488 = arith.muli %scan3A_427, %mul3A_487 : i32
        %add3A_489 = arith.constant 2 : i32
        %add3A_490 = arith.addi %mul3A_488, %add3A_489 : i32
        %broadcast_in_dim3A_491 = vector.broadcast %add3A_490 : i32 to vector<16xi32>
        %get3A_492 = arith.constant 2 : i32
        %get3A_493 = arith.index_cast %get3A_492 : i32 to index
        %get3A_494 = arith.index_cast %add3A_490 : i32 to index
        %get3A_495 = arith.constant 0 : index
        %get3A_496 = tpu.vector_load %arg7[%get3A_493, %get3A_494, %get3A_495] {strides = array<i32>} : memref<5x128x32xf32, #tpu.memory_space<vmem>>, vector<16xf32>,
        %mul3A_497 = arith.constant 5.65685415 : f32
        %mul3A_498 = vector.broadcast %mul3A_497 : f32 to vector<16xf32>
        %mul3A_499 = arith.mulf %get3A_496, %mul3A_498 : vector<16xf32>
        %scatter3A_500 = arith.constant 0 : i32
        %scatter3A_501 = arith.constant 0 : i32
        %scatter3A_502 = arith.constant 0 : i32
        %scatter3A_503 = tpu.memref_slice %arg9[%scan3A_385, %scatter3A_500, %scatter3A_501, %scatter3A_502] : memref<5x4x8x133xf32, #tpu.memory_space<vmem>> -> memref<1x4x8x133xf32, #tpu.memory_space<vmem>>
        %scatter3A_504 = tpu.memref_squeeze %scatter3A_503 : memref<1x4x8x133xf32, #tpu.memory_space<vmem>> -> memref<4x8x133xf32, #tpu.memory_space<vmem>>
        tpu.vector_store_idx %scatter3A_504[%shift_right_logical3A_5, %and3A_16, %broadcast_in_dim3A_491], %mul3A_499 : memref<4x8x133xf32, #tpu.memory_space<vmem>>[vector<16xi32>, vector<16xi32>, vector<16xi32>], vector<16xf32>,
        %get3A_505 = arith.constant 2 : i32
        %get3A_506 = arith.index_cast %get3A_505 : i32 to index
        %get3A_507 = arith.index_cast %add3A_490 : i32 to index
        %get3A_508 = arith.constant 16 : index
        %get3A_509 = tpu.vector_load %arg7[%get3A_506, %get3A_507, %get3A_508] {strides = array<i32>} : memref<5x128x32xf32, #tpu.memory_space<vmem>>, vector<16xf32>,
        %mul3A_510 = arith.constant 5.65685415 : f32
        %mul3A_511 = vector.broadcast %mul3A_510 : f32 to vector<16xf32>
        %mul3A_512 = arith.mulf %get3A_509, %mul3A_511 : vector<16xf32>
        %scatter3A_513 = arith.constant 0 : i32
        %scatter3A_514 = arith.constant 0 : i32
        %scatter3A_515 = arith.constant 0 : i32
        %scatter3A_516 = tpu.memref_slice %arg9[%scan3A_385, %scatter3A_513, %scatter3A_514, %scatter3A_515] : memref<5x4x8x133xf32, #tpu.memory_space<vmem>> -> memref<1x4x8x133xf32, #tpu.memory_space<vmem>>
        %scatter3A_517 = tpu.memref_squeeze %scatter3A_516 : memref<1x4x8x133xf32, #tpu.memory_space<vmem>> -> memref<4x8x133xf32, #tpu.memory_space<vmem>>
        tpu.vector_store_idx %scatter3A_517[%shift_right_logical3A_11, %and3A_22, %broadcast_in_dim3A_491], %mul3A_512 : memref<4x8x133xf32, #tpu.memory_space<vmem>>[vector<16xi32>, vector<16xi32>, vector<16xi32>], vector<16xf32>,
        %mul3A_518 = arith.constant 4 : i32
        %mul3A_519 = arith.muli %scan3A_427, %mul3A_518 : i32
        %add3A_520 = arith.constant 3 : i32
        %add3A_521 = arith.addi %mul3A_519, %add3A_520 : i32
        %broadcast_in_dim3A_522 = vector.broadcast %add3A_521 : i32 to vector<16xi32>
        %get3A_523 = arith.constant 2 : i32
        %get3A_524 = arith.index_cast %get3A_523 : i32 to index
        %get3A_525 = arith.index_cast %add3A_521 : i32 to index
        %get3A_526 = arith.constant 0 : index
        %get3A_527 = tpu.vector_load %arg7[%get3A_524, %get3A_525, %get3A_526] {strides = array<i32>} : memref<5x128x32xf32, #tpu.memory_space<vmem>>, vector<16xf32>,
        %mul3A_528 = arith.constant 5.65685415 : f32
        %mul3A_529 = vector.broadcast %mul3A_528 : f32 to vector<16xf32>
        %mul3A_530 = arith.mulf %get3A_527, %mul3A_529 : vector<16xf32>
        %scatter3A_531 = arith.constant 0 : i32
        %scatter3A_532 = arith.constant 0 : i32
        %scatter3A_533 = arith.constant 0 : i32
        %scatter3A_534 = tpu.memref_slice %arg9[%scan3A_385, %scatter3A_531, %scatter3A_532, %scatter3A_533] : memref<5x4x8x133xf32, #tpu.memory_space<vmem>> -> memref<1x4x8x133xf32, #tpu.memory_space<vmem>>
        %scatter3A_535 = tpu.memref_squeeze %scatter3A_534 : memref<1x4x8x133xf32, #tpu.memory_space<vmem>> -> memref<4x8x133xf32, #tpu.memory_space<vmem>>
        tpu.vector_store_idx %scatter3A_535[%shift_right_logical3A_5, %and3A_16, %broadcast_in_dim3A_522], %mul3A_530 : memref<4x8x133xf32, #tpu.memory_space<vmem>>[vector<16xi32>, vector<16xi32>, vector<16xi32>], vector<16xf32>,
        %get3A_536 = arith.constant 2 : i32
        %get3A_537 = arith.index_cast %get3A_536 : i32 to index
        %get3A_538 = arith.index_cast %add3A_521 : i32 to index
        %get3A_539 = arith.constant 16 : index
        %get3A_540 = tpu.vector_load %arg7[%get3A_537, %get3A_538, %get3A_539] {strides = array<i32>} : memref<5x128x32xf32, #tpu.memory_space<vmem>>, vector<16xf32>,
        %mul3A_541 = arith.constant 5.65685415 : f32
        %mul3A_542 = vector.broadcast %mul3A_541 : f32 to vector<16xf32>
        %mul3A_543 = arith.mulf %get3A_540, %mul3A_542 : vector<16xf32>
        %scatter3A_544 = arith.constant 0 : i32
        %scatter3A_545 = arith.constant 0 : i32
        %scatter3A_546 = arith.constant 0 : i32
        %scatter3A_547 = tpu.memref_slice %arg9[%scan3A_385, %scatter3A_544, %scatter3A_545, %scatter3A_546] : memref<5x4x8x133xf32, #tpu.memory_space<vmem>> -> memref<1x4x8x133xf32, #tpu.memory_space<vmem>>
        %scatter3A_548 = tpu.memref_squeeze %scatter3A_547 : memref<1x4x8x133xf32, #tpu.memory_space<vmem>> -> memref<4x8x133xf32, #tpu.memory_space<vmem>>
        tpu.vector_store_idx %scatter3A_548[%shift_right_logical3A_11, %and3A_22, %broadcast_in_dim3A_522], %mul3A_543 : memref<4x8x133xf32, #tpu.memory_space<vmem>>[vector<16xi32>, vector<16xi32>, vector<16xi32>], vector<16xf32>,
      }
      %scan3A_390 = arith.constant 32 : i32
      %scan3A_391 = arith.constant 0 : i32
      %scan3A_392 = arith.constant 3 : i32
      %scan3A_393 = arith.constant 0 : i32
      %scan3A_394 = arith.constant 32 : i32
      %scan3A_395 = arith.addi %scan3A_393, %scan3A_394 : i32
      %scan3A_396 = arith.constant 1 : i32
      scf.for %scan3A_427 = %scan3A_393 to %scan3A_395 step %scan3A_396  : i32 {
        %mul3A_428 = arith.constant 4 : i32
        %mul3A_429 = arith.muli %scan3A_427, %mul3A_428 : i32
        %add3A_430 = arith.constant 0 : i32
        %add3A_431 = arith.addi %mul3A_429, %add3A_430 : i32
        %broadcast_in_dim3A = vector.broadcast %add3A_431 : i32 to vector<16xi32>
        %get3A = arith.constant 3 : i32
        %get3A_432 = arith.index_cast %get3A : i32 to index
        %get3A_433 = arith.index_cast %add3A_431 : i32 to index
        %get3A_434 = arith.constant 0 : index
        %get3A_435 = tpu.vector_load %arg7[%get3A_432, %get3A_433, %get3A_434] {strides = array<i32>} : memref<5x128x32xf32, #tpu.memory_space<vmem>>, vector<16xf32>,
        %mul3A_436 = arith.constant 5.65685415 : f32
        %mul3A_437 = vector.broadcast %mul3A_436 : f32 to vector<16xf32>
        %mul3A_438 = arith.mulf %get3A_435, %mul3A_437 : vector<16xf32>
        %scatter3A = arith.constant 0 : i32
        %scatter3A_439 = arith.constant 0 : i32
        %scatter3A_440 = arith.constant 0 : i32
        %scatter3A_441 = tpu.memref_slice %arg9[%scan3A_392, %scatter3A, %scatter3A_439, %scatter3A_440] : memref<5x4x8x133xf32, #tpu.memory_space<vmem>> -> memref<1x4x8x133xf32, #tpu.memory_space<vmem>>
        %scatter3A_442 = tpu.memref_squeeze %scatter3A_441 : memref<1x4x8x133xf32, #tpu.memory_space<vmem>> -> memref<4x8x133xf32, #tpu.memory_space<vmem>>
        tpu.vector_store_idx %scatter3A_442[%shift_right_logical3A_5, %and3A_16, %broadcast_in_dim3A], %mul3A_438 : memref<4x8x133xf32, #tpu.memory_space<vmem>>[vector<16xi32>, vector<16xi32>, vector<16xi32>], vector<16xf32>,
        %get3A_443 = arith.constant 3 : i32
        %get3A_444 = arith.index_cast %get3A_443 : i32 to index
        %get3A_445 = arith.index_cast %add3A_431 : i32 to index
        %get3A_446 = arith.constant 16 : index
        %get3A_447 = tpu.vector_load %arg7[%get3A_444, %get3A_445, %get3A_446] {strides = array<i32>} : memref<5x128x32xf32, #tpu.memory_space<vmem>>, vector<16xf32>,
        %mul3A_448 = arith.constant 5.65685415 : f32
        %mul3A_449 = vector.broadcast %mul3A_448 : f32 to vector<16xf32>
        %mul3A_450 = arith.mulf %get3A_447, %mul3A_449 : vector<16xf32>
        %scatter3A_451 = arith.constant 0 : i32
        %scatter3A_452 = arith.constant 0 : i32
        %scatter3A_453 = arith.constant 0 : i32
        %scatter3A_454 = tpu.memref_slice %arg9[%scan3A_392, %scatter3A_451, %scatter3A_452, %scatter3A_453] : memref<5x4x8x133xf32, #tpu.memory_space<vmem>> -> memref<1x4x8x133xf32, #tpu.memory_space<vmem>>
        %scatter3A_455 = tpu.memref_squeeze %scatter3A_454 : memref<1x4x8x133xf32, #tpu.memory_space<vmem>> -> memref<4x8x133xf32, #tpu.memory_space<vmem>>
        tpu.vector_store_idx %scatter3A_455[%shift_right_logical3A_11, %and3A_22, %broadcast_in_dim3A], %mul3A_450 : memref<4x8x133xf32, #tpu.memory_space<vmem>>[vector<16xi32>, vector<16xi32>, vector<16xi32>], vector<16xf32>,
        %mul3A_456 = arith.constant 4 : i32
        %mul3A_457 = arith.muli %scan3A_427, %mul3A_456 : i32
        %add3A_458 = arith.constant 1 : i32
        %add3A_459 = arith.addi %mul3A_457, %add3A_458 : i32
        %broadcast_in_dim3A_460 = vector.broadcast %add3A_459 : i32 to vector<16xi32>
        %get3A_461 = arith.constant 3 : i32
        %get3A_462 = arith.index_cast %get3A_461 : i32 to index
        %get3A_463 = arith.index_cast %add3A_459 : i32 to index
        %get3A_464 = arith.constant 0 : index
        %get3A_465 = tpu.vector_load %arg7[%get3A_462, %get3A_463, %get3A_464] {strides = array<i32>} : memref<5x128x32xf32, #tpu.memory_space<vmem>>, vector<16xf32>,
        %mul3A_466 = arith.constant 5.65685415 : f32
        %mul3A_467 = vector.broadcast %mul3A_466 : f32 to vector<16xf32>
        %mul3A_468 = arith.mulf %get3A_465, %mul3A_467 : vector<16xf32>
        %scatter3A_469 = arith.constant 0 : i32
        %scatter3A_470 = arith.constant 0 : i32
        %scatter3A_471 = arith.constant 0 : i32
        %scatter3A_472 = tpu.memref_slice %arg9[%scan3A_392, %scatter3A_469, %scatter3A_470, %scatter3A_471] : memref<5x4x8x133xf32, #tpu.memory_space<vmem>> -> memref<1x4x8x133xf32, #tpu.memory_space<vmem>>
        %scatter3A_473 = tpu.memref_squeeze %scatter3A_472 : memref<1x4x8x133xf32, #tpu.memory_space<vmem>> -> memref<4x8x133xf32, #tpu.memory_space<vmem>>
        tpu.vector_store_idx %scatter3A_473[%shift_right_logical3A_5, %and3A_16, %broadcast_in_dim3A_460], %mul3A_468 : memref<4x8x133xf32, #tpu.memory_space<vmem>>[vector<16xi32>, vector<16xi32>, vector<16xi32>], vector<16xf32>,
        %get3A_474 = arith.constant 3 : i32
        %get3A_475 = arith.index_cast %get3A_474 : i32 to index
        %get3A_476 = arith.index_cast %add3A_459 : i32 to index
        %get3A_477 = arith.constant 16 : index
        %get3A_478 = tpu.vector_load %arg7[%get3A_475, %get3A_476, %get3A_477] {strides = array<i32>} : memref<5x128x32xf32, #tpu.memory_space<vmem>>, vector<16xf32>,
        %mul3A_479 = arith.constant 5.65685415 : f32
        %mul3A_480 = vector.broadcast %mul3A_479 : f32 to vector<16xf32>
        %mul3A_481 = arith.mulf %get3A_478, %mul3A_480 : vector<16xf32>
        %scatter3A_482 = arith.constant 0 : i32
        %scatter3A_483 = arith.constant 0 : i32
        %scatter3A_484 = arith.constant 0 : i32
        %scatter3A_485 = tpu.memref_slice %arg9[%scan3A_392, %scatter3A_482, %scatter3A_483, %scatter3A_484] : memref<5x4x8x133xf32, #tpu.memory_space<vmem>> -> memref<1x4x8x133xf32, #tpu.memory_space<vmem>>
        %scatter3A_486 = tpu.memref_squeeze %scatter3A_485 : memref<1x4x8x133xf32, #tpu.memory_space<vmem>> -> memref<4x8x133xf32, #tpu.memory_space<vmem>>
        tpu.vector_store_idx %scatter3A_486[%shift_right_logical3A_11, %and3A_22, %broadcast_in_dim3A_460], %mul3A_481 : memref<4x8x133xf32, #tpu.memory_space<vmem>>[vector<16xi32>, vector<16xi32>, vector<16xi32>], vector<16xf32>,
        %mul3A_487 = arith.constant 4 : i32
        %mul3A_488 = arith.muli %scan3A_427, %mul3A_487 : i32
        %add3A_489 = arith.constant 2 : i32
        %add3A_490 = arith.addi %mul3A_488, %add3A_489 : i32
        %broadcast_in_dim3A_491 = vector.broadcast %add3A_490 : i32 to vector<16xi32>
        %get3A_492 = arith.constant 3 : i32
        %get3A_493 = arith.index_cast %get3A_492 : i32 to index
        %get3A_494 = arith.index_cast %add3A_490 : i32 to index
        %get3A_495 = arith.constant 0 : index
        %get3A_496 = tpu.vector_load %arg7[%get3A_493, %get3A_494, %get3A_495] {strides = array<i32>} : memref<5x128x32xf32, #tpu.memory_space<vmem>>, vector<16xf32>,
        %mul3A_497 = arith.constant 5.65685415 : f32
        %mul3A_498 = vector.broadcast %mul3A_497 : f32 to vector<16xf32>
        %mul3A_499 = arith.mulf %get3A_496, %mul3A_498 : vector<16xf32>
        %scatter3A_500 = arith.constant 0 : i32
        %scatter3A_501 = arith.constant 0 : i32
        %scatter3A_502 = arith.constant 0 : i32
        %scatter3A_503 = tpu.memref_slice %arg9[%scan3A_392, %scatter3A_500, %scatter3A_501, %scatter3A_502] : memref<5x4x8x133xf32, #tpu.memory_space<vmem>> -> memref<1x4x8x133xf32, #tpu.memory_space<vmem>>
        %scatter3A_504 = tpu.memref_squeeze %scatter3A_503 : memref<1x4x8x133xf32, #tpu.memory_space<vmem>> -> memref<4x8x133xf32, #tpu.memory_space<vmem>>
        tpu.vector_store_idx %scatter3A_504[%shift_right_logical3A_5, %and3A_16, %broadcast_in_dim3A_491], %mul3A_499 : memref<4x8x133xf32, #tpu.memory_space<vmem>>[vector<16xi32>, vector<16xi32>, vector<16xi32>], vector<16xf32>,
        %get3A_505 = arith.constant 3 : i32
        %get3A_506 = arith.index_cast %get3A_505 : i32 to index
        %get3A_507 = arith.index_cast %add3A_490 : i32 to index
        %get3A_508 = arith.constant 16 : index
        %get3A_509 = tpu.vector_load %arg7[%get3A_506, %get3A_507, %get3A_508] {strides = array<i32>} : memref<5x128x32xf32, #tpu.memory_space<vmem>>, vector<16xf32>,
        %mul3A_510 = arith.constant 5.65685415 : f32
        %mul3A_511 = vector.broadcast %mul3A_510 : f32 to vector<16xf32>
        %mul3A_512 = arith.mulf %get3A_509, %mul3A_511 : vector<16xf32>
        %scatter3A_513 = arith.constant 0 : i32
        %scatter3A_514 = arith.constant 0 : i32
        %scatter3A_515 = arith.constant 0 : i32
        %scatter3A_516 = tpu.memref_slice %arg9[%scan3A_392, %scatter3A_513, %scatter3A_514, %scatter3A_515] : memref<5x4x8x133xf32, #tpu.memory_space<vmem>> -> memref<1x4x8x133xf32, #tpu.memory_space<vmem>>
        %scatter3A_517 = tpu.memref_squeeze %scatter3A_516 : memref<1x4x8x133xf32, #tpu.memory_space<vmem>> -> memref<4x8x133xf32, #tpu.memory_space<vmem>>
        tpu.vector_store_idx %scatter3A_517[%shift_right_logical3A_11, %and3A_22, %broadcast_in_dim3A_491], %mul3A_512 : memref<4x8x133xf32, #tpu.memory_space<vmem>>[vector<16xi32>, vector<16xi32>, vector<16xi32>], vector<16xf32>,
        %mul3A_518 = arith.constant 4 : i32
        %mul3A_519 = arith.muli %scan3A_427, %mul3A_518 : i32
        %add3A_520 = arith.constant 3 : i32
        %add3A_521 = arith.addi %mul3A_519, %add3A_520 : i32
        %broadcast_in_dim3A_522 = vector.broadcast %add3A_521 : i32 to vector<16xi32>
        %get3A_523 = arith.constant 3 : i32
        %get3A_524 = arith.index_cast %get3A_523 : i32 to index
        %get3A_525 = arith.index_cast %add3A_521 : i32 to index
        %get3A_526 = arith.constant 0 : index
        %get3A_527 = tpu.vector_load %arg7[%get3A_524, %get3A_525, %get3A_526] {strides = array<i32>} : memref<5x128x32xf32, #tpu.memory_space<vmem>>, vector<16xf32>,
        %mul3A_528 = arith.constant 5.65685415 : f32
        %mul3A_529 = vector.broadcast %mul3A_528 : f32 to vector<16xf32>
        %mul3A_530 = arith.mulf %get3A_527, %mul3A_529 : vector<16xf32>
        %scatter3A_531 = arith.constant 0 : i32
        %scatter3A_532 = arith.constant 0 : i32
        %scatter3A_533 = arith.constant 0 : i32
        %scatter3A_534 = tpu.memref_slice %arg9[%scan3A_392, %scatter3A_531, %scatter3A_532, %scatter3A_533] : memref<5x4x8x133xf32, #tpu.memory_space<vmem>> -> memref<1x4x8x133xf32, #tpu.memory_space<vmem>>
        %scatter3A_535 = tpu.memref_squeeze %scatter3A_534 : memref<1x4x8x133xf32, #tpu.memory_space<vmem>> -> memref<4x8x133xf32, #tpu.memory_space<vmem>>
        tpu.vector_store_idx %scatter3A_535[%shift_right_logical3A_5, %and3A_16, %broadcast_in_dim3A_522], %mul3A_530 : memref<4x8x133xf32, #tpu.memory_space<vmem>>[vector<16xi32>, vector<16xi32>, vector<16xi32>], vector<16xf32>,
        %get3A_536 = arith.constant 3 : i32
        %get3A_537 = arith.index_cast %get3A_536 : i32 to index
        %get3A_538 = arith.index_cast %add3A_521 : i32 to index
        %get3A_539 = arith.constant 16 : index
        %get3A_540 = tpu.vector_load %arg7[%get3A_537, %get3A_538, %get3A_539] {strides = array<i32>} : memref<5x128x32xf32, #tpu.memory_space<vmem>>, vector<16xf32>,
        %mul3A_541 = arith.constant 5.65685415 : f32
        %mul3A_542 = vector.broadcast %mul3A_541 : f32 to vector<16xf32>
        %mul3A_543 = arith.mulf %get3A_540, %mul3A_542 : vector<16xf32>
        %scatter3A_544 = arith.constant 0 : i32
        %scatter3A_545 = arith.constant 0 : i32
        %scatter3A_546 = arith.constant 0 : i32
        %scatter3A_547 = tpu.memref_slice %arg9[%scan3A_392, %scatter3A_544, %scatter3A_545, %scatter3A_546] : memref<5x4x8x133xf32, #tpu.memory_space<vmem>> -> memref<1x4x8x133xf32, #tpu.memory_space<vmem>>
        %scatter3A_548 = tpu.memref_squeeze %scatter3A_547 : memref<1x4x8x133xf32, #tpu.memory_space<vmem>> -> memref<4x8x133xf32, #tpu.memory_space<vmem>>
        tpu.vector_store_idx %scatter3A_548[%shift_right_logical3A_11, %and3A_22, %broadcast_in_dim3A_522], %mul3A_543 : memref<4x8x133xf32, #tpu.memory_space<vmem>>[vector<16xi32>, vector<16xi32>, vector<16xi32>], vector<16xf32>,
      }
      %scan3A_397 = arith.constant 32 : i32
      %scan3A_398 = arith.constant 0 : i32
      %scan3A_399 = arith.constant 4 : i32
      %scan3A_400 = arith.constant 0 : i32
      %scan3A_401 = arith.constant 32 : i32
      %scan3A_402 = arith.addi %scan3A_400, %scan3A_401 : i32
      %scan3A_403 = arith.constant 1 : i32
      scf.for %scan3A_427 = %scan3A_400 to %scan3A_402 step %scan3A_403  : i32 {
        %mul3A_428 = arith.constant 4 : i32
        %mul3A_429 = arith.muli %scan3A_427, %mul3A_428 : i32
        %add3A_430 = arith.constant 0 : i32
        %add3A_431 = arith.addi %mul3A_429, %add3A_430 : i32
        %broadcast_in_dim3A = vector.broadcast %add3A_431 : i32 to vector<16xi32>
        %get3A = arith.constant 4 : i32
        %get3A_432 = arith.index_cast %get3A : i32 to index
        %get3A_433 = arith.index_cast %add3A_431 : i32 to index
        %get3A_434 = arith.constant 0 : index
        %get3A_435 = tpu.vector_load %arg7[%get3A_432, %get3A_433, %get3A_434] {strides = array<i32>} : memref<5x128x32xf32, #tpu.memory_space<vmem>>, vector<16xf32>,
        %mul3A_436 = arith.constant 5.65685415 : f32
        %mul3A_437 = vector.broadcast %mul3A_436 : f32 to vector<16xf32>
        %mul3A_438 = arith.mulf %get3A_435, %mul3A_437 : vector<16xf32>
        %scatter3A = arith.constant 0 : i32
        %scatter3A_439 = arith.constant 0 : i32
        %scatter3A_440 = arith.constant 0 : i32
        %scatter3A_441 = tpu.memref_slice %arg9[%scan3A_399, %scatter3A, %scatter3A_439, %scatter3A_440] : memref<5x4x8x133xf32, #tpu.memory_space<vmem>> -> memref<1x4x8x133xf32, #tpu.memory_space<vmem>>
        %scatter3A_442 = tpu.memref_squeeze %scatter3A_441 : memref<1x4x8x133xf32, #tpu.memory_space<vmem>> -> memref<4x8x133xf32, #tpu.memory_space<vmem>>
        tpu.vector_store_idx %scatter3A_442[%shift_right_logical3A_5, %and3A_16, %broadcast_in_dim3A], %mul3A_438 : memref<4x8x133xf32, #tpu.memory_space<vmem>>[vector<16xi32>, vector<16xi32>, vector<16xi32>], vector<16xf32>,
        %get3A_443 = arith.constant 4 : i32
        %get3A_444 = arith.index_cast %get3A_443 : i32 to index
        %get3A_445 = arith.index_cast %add3A_431 : i32 to index
        %get3A_446 = arith.constant 16 : index
        %get3A_447 = tpu.vector_load %arg7[%get3A_444, %get3A_445, %get3A_446] {strides = array<i32>} : memref<5x128x32xf32, #tpu.memory_space<vmem>>, vector<16xf32>,
        %mul3A_448 = arith.constant 5.65685415 : f32
        %mul3A_449 = vector.broadcast %mul3A_448 : f32 to vector<16xf32>
        %mul3A_450 = arith.mulf %get3A_447, %mul3A_449 : vector<16xf32>
        %scatter3A_451 = arith.constant 0 : i32
        %scatter3A_452 = arith.constant 0 : i32
        %scatter3A_453 = arith.constant 0 : i32
        %scatter3A_454 = tpu.memref_slice %arg9[%scan3A_399, %scatter3A_451, %scatter3A_452, %scatter3A_453] : memref<5x4x8x133xf32, #tpu.memory_space<vmem>> -> memref<1x4x8x133xf32, #tpu.memory_space<vmem>>
        %scatter3A_455 = tpu.memref_squeeze %scatter3A_454 : memref<1x4x8x133xf32, #tpu.memory_space<vmem>> -> memref<4x8x133xf32, #tpu.memory_space<vmem>>
        tpu.vector_store_idx %scatter3A_455[%shift_right_logical3A_11, %and3A_22, %broadcast_in_dim3A], %mul3A_450 : memref<4x8x133xf32, #tpu.memory_space<vmem>>[vector<16xi32>, vector<16xi32>, vector<16xi32>], vector<16xf32>,
        %mul3A_456 = arith.constant 4 : i32
        %mul3A_457 = arith.muli %scan3A_427, %mul3A_456 : i32
        %add3A_458 = arith.constant 1 : i32
        %add3A_459 = arith.addi %mul3A_457, %add3A_458 : i32
        %broadcast_in_dim3A_460 = vector.broadcast %add3A_459 : i32 to vector<16xi32>
        %get3A_461 = arith.constant 4 : i32
        %get3A_462 = arith.index_cast %get3A_461 : i32 to index
        %get3A_463 = arith.index_cast %add3A_459 : i32 to index
        %get3A_464 = arith.constant 0 : index
        %get3A_465 = tpu.vector_load %arg7[%get3A_462, %get3A_463, %get3A_464] {strides = array<i32>} : memref<5x128x32xf32, #tpu.memory_space<vmem>>, vector<16xf32>,
        %mul3A_466 = arith.constant 5.65685415 : f32
        %mul3A_467 = vector.broadcast %mul3A_466 : f32 to vector<16xf32>
        %mul3A_468 = arith.mulf %get3A_465, %mul3A_467 : vector<16xf32>
        %scatter3A_469 = arith.constant 0 : i32
        %scatter3A_470 = arith.constant 0 : i32
        %scatter3A_471 = arith.constant 0 : i32
        %scatter3A_472 = tpu.memref_slice %arg9[%scan3A_399, %scatter3A_469, %scatter3A_470, %scatter3A_471] : memref<5x4x8x133xf32, #tpu.memory_space<vmem>> -> memref<1x4x8x133xf32, #tpu.memory_space<vmem>>
        %scatter3A_473 = tpu.memref_squeeze %scatter3A_472 : memref<1x4x8x133xf32, #tpu.memory_space<vmem>> -> memref<4x8x133xf32, #tpu.memory_space<vmem>>
        tpu.vector_store_idx %scatter3A_473[%shift_right_logical3A_5, %and3A_16, %broadcast_in_dim3A_460], %mul3A_468 : memref<4x8x133xf32, #tpu.memory_space<vmem>>[vector<16xi32>, vector<16xi32>, vector<16xi32>], vector<16xf32>,
        %get3A_474 = arith.constant 4 : i32
        %get3A_475 = arith.index_cast %get3A_474 : i32 to index
        %get3A_476 = arith.index_cast %add3A_459 : i32 to index
        %get3A_477 = arith.constant 16 : index
        %get3A_478 = tpu.vector_load %arg7[%get3A_475, %get3A_476, %get3A_477] {strides = array<i32>} : memref<5x128x32xf32, #tpu.memory_space<vmem>>, vector<16xf32>,
        %mul3A_479 = arith.constant 5.65685415 : f32
        %mul3A_480 = vector.broadcast %mul3A_479 : f32 to vector<16xf32>
        %mul3A_481 = arith.mulf %get3A_478, %mul3A_480 : vector<16xf32>
        %scatter3A_482 = arith.constant 0 : i32
        %scatter3A_483 = arith.constant 0 : i32
        %scatter3A_484 = arith.constant 0 : i32
        %scatter3A_485 = tpu.memref_slice %arg9[%scan3A_399, %scatter3A_482, %scatter3A_483, %scatter3A_484] : memref<5x4x8x133xf32, #tpu.memory_space<vmem>> -> memref<1x4x8x133xf32, #tpu.memory_space<vmem>>
        %scatter3A_486 = tpu.memref_squeeze %scatter3A_485 : memref<1x4x8x133xf32, #tpu.memory_space<vmem>> -> memref<4x8x133xf32, #tpu.memory_space<vmem>>
        tpu.vector_store_idx %scatter3A_486[%shift_right_logical3A_11, %and3A_22, %broadcast_in_dim3A_460], %mul3A_481 : memref<4x8x133xf32, #tpu.memory_space<vmem>>[vector<16xi32>, vector<16xi32>, vector<16xi32>], vector<16xf32>,
        %mul3A_487 = arith.constant 4 : i32
        %mul3A_488 = arith.muli %scan3A_427, %mul3A_487 : i32
        %add3A_489 = arith.constant 2 : i32
        %add3A_490 = arith.addi %mul3A_488, %add3A_489 : i32
        %broadcast_in_dim3A_491 = vector.broadcast %add3A_490 : i32 to vector<16xi32>
        %get3A_492 = arith.constant 4 : i32
        %get3A_493 = arith.index_cast %get3A_492 : i32 to index
        %get3A_494 = arith.index_cast %add3A_490 : i32 to index
        %get3A_495 = arith.constant 0 : index
        %get3A_496 = tpu.vector_load %arg7[%get3A_493, %get3A_494, %get3A_495] {strides = array<i32>} : memref<5x128x32xf32, #tpu.memory_space<vmem>>, vector<16xf32>,
        %mul3A_497 = arith.constant 5.65685415 : f32
        %mul3A_498 = vector.broadcast %mul3A_497 : f32 to vector<16xf32>
        %mul3A_499 = arith.mulf %get3A_496, %mul3A_498 : vector<16xf32>
        %scatter3A_500 = arith.constant 0 : i32
        %scatter3A_501 = arith.constant 0 : i32
        %scatter3A_502 = arith.constant 0 : i32
        %scatter3A_503 = tpu.memref_slice %arg9[%scan3A_399, %scatter3A_500, %scatter3A_501, %scatter3A_502] : memref<5x4x8x133xf32, #tpu.memory_space<vmem>> -> memref<1x4x8x133xf32, #tpu.memory_space<vmem>>
        %scatter3A_504 = tpu.memref_squeeze %scatter3A_503 : memref<1x4x8x133xf32, #tpu.memory_space<vmem>> -> memref<4x8x133xf32, #tpu.memory_space<vmem>>
        tpu.vector_store_idx %scatter3A_504[%shift_right_logical3A_5, %and3A_16, %broadcast_in_dim3A_491], %mul3A_499 : memref<4x8x133xf32, #tpu.memory_space<vmem>>[vector<16xi32>, vector<16xi32>, vector<16xi32>], vector<16xf32>,
        %get3A_505 = arith.constant 4 : i32
        %get3A_506 = arith.index_cast %get3A_505 : i32 to index
        %get3A_507 = arith.index_cast %add3A_490 : i32 to index
        %get3A_508 = arith.constant 16 : index
        %get3A_509 = tpu.vector_load %arg7[%get3A_506, %get3A_507, %get3A_508] {strides = array<i32>} : memref<5x128x32xf32, #tpu.memory_space<vmem>>, vector<16xf32>,
        %mul3A_510 = arith.constant 5.65685415 : f32
        %mul3A_511 = vector.broadcast %mul3A_510 : f32 to vector<16xf32>
        %mul3A_512 = arith.mulf %get3A_509, %mul3A_511 : vector<16xf32>
        %scatter3A_513 = arith.constant 0 : i32
        %scatter3A_514 = arith.constant 0 : i32
        %scatter3A_515 = arith.constant 0 : i32
        %scatter3A_516 = tpu.memref_slice %arg9[%scan3A_399, %scatter3A_513, %scatter3A_514, %scatter3A_515] : memref<5x4x8x133xf32, #tpu.memory_space<vmem>> -> memref<1x4x8x133xf32, #tpu.memory_space<vmem>>
        %scatter3A_517 = tpu.memref_squeeze %scatter3A_516 : memref<1x4x8x133xf32, #tpu.memory_space<vmem>> -> memref<4x8x133xf32, #tpu.memory_space<vmem>>
        tpu.vector_store_idx %scatter3A_517[%shift_right_logical3A_11, %and3A_22, %broadcast_in_dim3A_491], %mul3A_512 : memref<4x8x133xf32, #tpu.memory_space<vmem>>[vector<16xi32>, vector<16xi32>, vector<16xi32>], vector<16xf32>,
        %mul3A_518 = arith.constant 4 : i32
        %mul3A_519 = arith.muli %scan3A_427, %mul3A_518 : i32
        %add3A_520 = arith.constant 3 : i32
        %add3A_521 = arith.addi %mul3A_519, %add3A_520 : i32
        %broadcast_in_dim3A_522 = vector.broadcast %add3A_521 : i32 to vector<16xi32>
        %get3A_523 = arith.constant 4 : i32
        %get3A_524 = arith.index_cast %get3A_523 : i32 to index
        %get3A_525 = arith.index_cast %add3A_521 : i32 to index
        %get3A_526 = arith.constant 0 : index
        %get3A_527 = tpu.vector_load %arg7[%get3A_524, %get3A_525, %get3A_526] {strides = array<i32>} : memref<5x128x32xf32, #tpu.memory_space<vmem>>, vector<16xf32>,
        %mul3A_528 = arith.constant 5.65685415 : f32
        %mul3A_529 = vector.broadcast %mul3A_528 : f32 to vector<16xf32>
        %mul3A_530 = arith.mulf %get3A_527, %mul3A_529 : vector<16xf32>
        %scatter3A_531 = arith.constant 0 : i32
        %scatter3A_532 = arith.constant 0 : i32
        %scatter3A_533 = arith.constant 0 : i32
        %scatter3A_534 = tpu.memref_slice %arg9[%scan3A_399, %scatter3A_531, %scatter3A_532, %scatter3A_533] : memref<5x4x8x133xf32, #tpu.memory_space<vmem>> -> memref<1x4x8x133xf32, #tpu.memory_space<vmem>>
        %scatter3A_535 = tpu.memref_squeeze %scatter3A_534 : memref<1x4x8x133xf32, #tpu.memory_space<vmem>> -> memref<4x8x133xf32, #tpu.memory_space<vmem>>
        tpu.vector_store_idx %scatter3A_535[%shift_right_logical3A_5, %and3A_16, %broadcast_in_dim3A_522], %mul3A_530 : memref<4x8x133xf32, #tpu.memory_space<vmem>>[vector<16xi32>, vector<16xi32>, vector<16xi32>], vector<16xf32>,
        %get3A_536 = arith.constant 4 : i32
        %get3A_537 = arith.index_cast %get3A_536 : i32 to index
        %get3A_538 = arith.index_cast %add3A_521 : i32 to index
        %get3A_539 = arith.constant 16 : index
        %get3A_540 = tpu.vector_load %arg7[%get3A_537, %get3A_538, %get3A_539] {strides = array<i32>} : memref<5x128x32xf32, #tpu.memory_space<vmem>>, vector<16xf32>,
        %mul3A_541 = arith.constant 5.65685415 : f32
        %mul3A_542 = vector.broadcast %mul3A_541 : f32 to vector<16xf32>
        %mul3A_543 = arith.mulf %get3A_540, %mul3A_542 : vector<16xf32>
        %scatter3A_544 = arith.constant 0 : i32
        %scatter3A_545 = arith.constant 0 : i32
        %scatter3A_546 = arith.constant 0 : i32
        %scatter3A_547 = tpu.memref_slice %arg9[%scan3A_399, %scatter3A_544, %scatter3A_545, %scatter3A_546] : memref<5x4x8x133xf32, #tpu.memory_space<vmem>> -> memref<1x4x8x133xf32, #tpu.memory_space<vmem>>
        %scatter3A_548 = tpu.memref_squeeze %scatter3A_547 : memref<1x4x8x133xf32, #tpu.memory_space<vmem>> -> memref<4x8x133xf32, #tpu.memory_space<vmem>>
        tpu.vector_store_idx %scatter3A_548[%shift_right_logical3A_11, %and3A_22, %broadcast_in_dim3A_522], %mul3A_543 : memref<4x8x133xf32, #tpu.memory_space<vmem>>[vector<16xi32>, vector<16xi32>, vector<16xi32>], vector<16xf32>,
      }
      %scan3A_404 = arith.constant 32 : i32
      %mul3A_405 = arith.constant 5 : i32
      %mul3A_406 = arith.muli %add3A_282, %mul3A_405 : i32
      %dma_start3A_407 = arith.constant 0 : i32
      %dma_start3A_408 = arith.constant 0 : i32
      %dma_start3A_409 = arith.constant 0 : i32
      %dma_start3A_410 = arith.constant 0 : i32
      %dma_start3A_411 = tpu.memref_slice %arg9[%dma_start3A_407, %dma_start3A_408, %dma_start3A_409, %dma_start3A_410] : memref<5x4x8x133xf32, #tpu.memory_space<vmem>> -> memref<5x4x8x128xf32, #tpu.memory_space<vmem>>
      %dma_start3A_412 = arith.constant 0 : i32
      %dma_start3A_413 = arith.constant 0 : i32
      %dma_start3A_414 = arith.constant 0 : i32
      %dma_start3A_415 = tpu.memref_slice %arg4[%mul3A_406, %dma_start3A_412, %add3A, %dma_start3A_413, %dma_start3A_414] : memref<200x4x32x8x128xf32, #tpu.memory_space<hbm>> -> memref<5x4x1x8x128xf32, #tpu.memory_space<hbm>>
      %dma_start3A_416 = tpu.memref_squeeze %dma_start3A_415 : memref<5x4x1x8x128xf32, #tpu.memory_space<hbm>> -> memref<5x4x8x128xf32, #tpu.memory_space<hbm>>
      %dma_start3A_417 = arith.constant 0 : i32
      %dma_start3A_418 = arith.constant 0 : i32
      %dma_start3A_419 = arith.constant 0 : i32
      %dma_start3A_420 = tpu.memref_slice %arg4[%mul3A_406, %dma_start3A_417, %add3A, %dma_start3A_418, %dma_start3A_419] : memref<200x4x32x8x128xf32, #tpu.memory_space<hbm>> -> memref<5x4x1x8x128xf32, #tpu.memory_space<hbm>>
      %dma_start3A_421 = tpu.memref_squeeze %dma_start3A_420 : memref<5x4x1x8x128xf32, #tpu.memory_space<hbm>> -> memref<5x4x8x128xf32, #tpu.memory_space<hbm>>
      %dma_start3A_422 = arith.constant 0 : i32
      %dma_start3A_423 = arith.constant 0 : i32
      %dma_start3A_424 = arith.constant 0 : i32
      %dma_start3A_425 = arith.constant 0 : i32
      %dma_start3A_426 = tpu.memref_slice %arg9[%dma_start3A_422, %dma_start3A_423, %dma_start3A_424, %dma_start3A_425] : memref<5x4x8x133xf32, #tpu.memory_space<vmem>> -> memref<5x4x8x128xf32, #tpu.memory_space<vmem>>
      tpu.enqueue_dma source(%dma_start3A_426 : memref<5x4x8x128xf32, #tpu.memory_space<vmem>>) target(%dma_start3A_421 : memref<5x4x8x128xf32, #tpu.memory_space<hbm>>) target_semaphore(%arg13 : memref<!tpu.dma_semaphore, #tpu.memory_space<semaphore_mem>>)
    }
    %scan3A_88 = arith.constant 20 : i32
    %dma_wait3A = arith.constant 0 : i32
    %dma_wait3A_89 = arith.constant 0 : i32
    %dma_wait3A_90 = arith.constant 0 : i32
    %dma_wait3A_91 = arith.constant 0 : i32
    %dma_wait3A_92 = arith.constant 0 : i32
    %dma_wait3A_93 = tpu.memref_slice %arg8[%dma_wait3A_89, %dma_wait3A_90, %dma_wait3A_91, %dma_wait3A_92] : memref<5x4x8x133xf32, #tpu.memory_space<vmem>> -> memref<5x4x8x128xf32, #tpu.memory_space<vmem>>
    %dma_wait3A_94 = arith.constant 0 : i32
    %dma_wait3A_95 = arith.constant 0 : i32
    %dma_wait3A_96 = arith.constant 0 : i32
    %dma_wait3A_97 = arith.constant 0 : i32
    %dma_wait3A_98 = tpu.memref_slice %arg4[%dma_wait3A_94, %dma_wait3A_95, %dma_wait3A, %dma_wait3A_96, %dma_wait3A_97] : memref<200x4x32x8x128xf32, #tpu.memory_space<hbm>> -> memref<5x4x1x8x128xf32, #tpu.memory_space<hbm>>
    %dma_wait3A_99 = tpu.memref_squeeze %dma_wait3A_98 : memref<5x4x1x8x128xf32, #tpu.memory_space<hbm>> -> memref<5x4x8x128xf32, #tpu.memory_space<hbm>>
    %dma_wait3A_100 = arith.constant 0 : i32
    %dma_wait3A_101 = arith.constant 0 : i32
    %dma_wait3A_102 = arith.constant 0 : i32
    %dma_wait3A_103 = arith.constant 0 : i32
    %dma_wait3A_104 = tpu.memref_slice %arg8[%dma_wait3A_100, %dma_wait3A_101, %dma_wait3A_102, %dma_wait3A_103] : memref<5x4x8x133xf32, #tpu.memory_space<vmem>> -> memref<5x4x8x128xf32, #tpu.memory_space<vmem>>
    %dma_wait3A_105 = arith.constant 0 : i32
    %dma_wait3A_106 = arith.constant 0 : i32
    %dma_wait3A_107 = arith.constant 0 : i32
    %dma_wait3A_108 = arith.constant 0 : i32
    %dma_wait3A_109 = tpu.memref_slice %arg4[%dma_wait3A_105, %dma_wait3A_106, %dma_wait3A, %dma_wait3A_107, %dma_wait3A_108] : memref<200x4x32x8x128xf32, #tpu.memory_space<hbm>> -> memref<5x4x1x8x128xf32, #tpu.memory_space<hbm>>
    %dma_wait3A_110 = tpu.memref_squeeze %dma_wait3A_109 : memref<5x4x1x8x128xf32, #tpu.memory_space<hbm>> -> memref<5x4x8x128xf32, #tpu.memory_space<hbm>>
    tpu.wait_dma2 semaphore(%arg12 : memref<!tpu.dma_semaphore, #tpu.memory_space<semaphore_mem>>) src(%dma_wait3A_110 : memref<5x4x8x128xf32, #tpu.memory_space<hbm>>) dst(%dma_wait3A_104 : memref<5x4x8x128xf32, #tpu.memory_space<vmem>>)
    %dma_wait3A_111 = arith.constant 0 : i32
    %dma_wait3A_112 = arith.constant 0 : i32
    %dma_wait3A_113 = arith.constant 0 : i32
    %dma_wait3A_114 = arith.constant 0 : i32
    %dma_wait3A_115 = arith.constant 0 : i32
    %dma_wait3A_116 = tpu.memref_slice %arg9[%dma_wait3A_112, %dma_wait3A_113, %dma_wait3A_114, %dma_wait3A_115] : memref<5x4x8x133xf32, #tpu.memory_space<vmem>> -> memref<5x4x8x128xf32, #tpu.memory_space<vmem>>
    %dma_wait3A_117 = arith.constant 0 : i32
    %dma_wait3A_118 = arith.constant 0 : i32
    %dma_wait3A_119 = arith.constant 0 : i32
    %dma_wait3A_120 = arith.constant 0 : i32
    %dma_wait3A_121 = tpu.memref_slice %arg4[%dma_wait3A_117, %dma_wait3A_118, %dma_wait3A_111, %dma_wait3A_119, %dma_wait3A_120] : memref<200x4x32x8x128xf32, #tpu.memory_space<hbm>> -> memref<5x4x1x8x128xf32, #tpu.memory_space<hbm>>
    %dma_wait3A_122 = tpu.memref_squeeze %dma_wait3A_121 : memref<5x4x1x8x128xf32, #tpu.memory_space<hbm>> -> memref<5x4x8x128xf32, #tpu.memory_space<hbm>>
    %dma_wait3A_123 = arith.constant 0 : i32
    %dma_wait3A_124 = arith.constant 0 : i32
    %dma_wait3A_125 = arith.constant 0 : i32
    %dma_wait3A_126 = arith.constant 0 : i32
    %dma_wait3A_127 = tpu.memref_slice %arg9[%dma_wait3A_123, %dma_wait3A_124, %dma_wait3A_125, %dma_wait3A_126] : memref<5x4x8x133xf32, #tpu.memory_space<vmem>> -> memref<5x4x8x128xf32, #tpu.memory_space<vmem>>
    %dma_wait3A_128 = arith.constant 0 : i32
    %dma_wait3A_129 = arith.constant 0 : i32
    %dma_wait3A_130 = arith.constant 0 : i32
    %dma_wait3A_131 = arith.constant 0 : i32
    %dma_wait3A_132 = tpu.memref_slice %arg4[%dma_wait3A_128, %dma_wait3A_129, %dma_wait3A_111, %dma_wait3A_130, %dma_wait3A_131] : memref<200x4x32x8x128xf32, #tpu.memory_space<hbm>> -> memref<5x4x1x8x128xf32, #tpu.memory_space<hbm>>
    %dma_wait3A_133 = tpu.memref_squeeze %dma_wait3A_132 : memref<5x4x1x8x128xf32, #tpu.memory_space<hbm>> -> memref<5x4x8x128xf32, #tpu.memory_space<hbm>>
    tpu.wait_dma2 semaphore(%arg13 : memref<!tpu.dma_semaphore, #tpu.memory_space<semaphore_mem>>) src(%dma_wait3A_133 : memref<5x4x8x128xf32, #tpu.memory_space<hbm>>) dst(%dma_wait3A_127 : memref<5x4x8x128xf32, #tpu.memory_space<vmem>>)
    return
  }
}

</mosaic_0001>

<sc_bundles>
// kernel: kernel.3.cloned.1.call-start
scs
__scs_entry_jumppad:
0x0: {  	(pc) =	sbr.rel $0x88, $3  }
0x1: {  	(tag) =	ssettag $0x0;
	lr =	simm.s32 $0x1  }
0x2: {  	[smem:$0x3F9F] =	sst lr;
	_ =	strace $0xD0000000  }
0x3: {  	_ = 	snop  }
0x4: {  	_ = 	snop  }
0x5: {  	_ = 	snop  }
0x6: {  	_ = 	snop  }
0x7: {  	_ = 	snop  }
__scs_overlays_trampoline_lowered:
0x8: {  	[smem:$0x3FAE] =	sst s0  }
0x9: {  	[smem:$0x3FAF] =	sst s1  }
0xa: {  	[smem:$0x3FB0] =	sst s2  }
0xb: {  	[smem:$0x3FB1] =	sst s3  }
0xc: {  	[smem:$0x3FB2] =	sst s4  }
0xd: {  	[smem:$0x3FB3] =	sst s5  }
0xe: {  	[smem:$0x3FB4] =	sst s6  }
0xf: {  	[smem:$0x3FB5] =	sst s7  }
0x10: {  	[smem:$0x3FB6] =	sst s8  }
0x11: {  	[smem:$0x3FB7] =	sst s9;
	s0 =	simm.s32 @!p0 $0x0  }
0x12: {  	s1 =	sld [smem:$0x3F9D];
	s0 =	simm.s32 @p0 $0x1  }
0x13: {  	[smem:$0x3FB8] =	sst s0;
	s0 =	simm.s32 @!p1 $0x0  }
0x14: {  	s2 =	sld [smem:$0x3F9C];
	s0 =	simm.s32 @p1 $0x1  }
0x15: {  	[smem:$0x3FB9] =	sst s0;
	s0 =	simm.s32 @!p2 $0x0  }
0x16: {  	s3 =	sld [smem:$0x3FDB];
	s0 =	simm.s32 @p2 $0x1  }
0x17: {  	s4 =	simm.s32 $0x1BF5;
	[smem:$0x3FBB] =	sst s0  }
0x18: {  	s0 =	sld [smem:$0x3F9E];
	_ =	swait.ge [sflag:s4], $0x0  }
0x19: {  	s7 =	sld [smem:$0x3F9F]  }
0x1a: {  	s8 =	sadd.s32 $0xFFFFE003, lr  }
0x1b: {  	s9 =	sadd.s32 $0xFFFFFEF7, lr;
	s5 =	simm.s32 $0xFFFFFFFF;
	p2 =	slt.u32 s8, $0xFFFFF086  }
0x1c: {  	p1 =	slt.u32 s9, $0xF7A;
	s5 =	simm.s32 @!p2 $0x0  }
0x1d: {  	s5 =	simm.s32 @p1 $0x1;
	p0 =	seq.s32 s7, s2  }
0x1e: {  	s7 =	smul.u32 @!p0 $0xF7A, s2;
	p2 =	seq.s32 @!p0 s5, $0x0  }
0x1f: {  	s9 =	smul.u32 $0xF7A, s1;
	s8 =	simm.s32 @!p0 $0x1BF5;
	p2 =	por !p2, p0  }
0x20: {  	[sflag:s8] =	ssyncset.s32 @!p0 $0xFFFFF086;
	s6 =	sadd.s32 @!p0 s3, s7;
	s7 =	simm.s32 @!p0 $0x108  }
0x21: {  	s3 =	sadd.s32 s3, s9;
	s6 =	sadd.s32 @!p0 $0x88, s6;
	s7 =	simm.s32 @p2 $0x1082  }
0x22: {  	[simem:s7], [sflag:s8] =	dma.local @!p0 [hbm:s6], $0xF7A  }
0x23: {  	s9 =	sor.u32 $0xD0000000, s2;
	s6 =	simm.s32 $0x108;
	_ =	swait.ge @!p0 [sflag:s8], $0x0  }
0x24: {  	s3 =	sadd.s32 $0x88, s3;
	s6 =	simm.s32 @!p1 $0x1082;
	[sflag:s4] =	ssyncset.s32 $0xFFFFF086  }
0x25: {  	[simem:s6], [sflag:s4] =	dma.local [hbm:s3], $0xF7A  }
0x26: {  	[smem:$0x3F9F] =	sst s1;
	(tag) =	ssettag s2;
	_ =	strace s9  }
0x27: {  	s1 =	sld [smem:$0x3FAF]  }
0x28: {  	s2 =	sld [smem:$0x3FB0]  }
0x29: {  	s4 =	sld [smem:$0x3FB2]  }
0x2a: {  	p0 =	seq.s32 s5, $0x0;
	s5 =	sld [smem:$0x3FB3]  }
0x2b: {  	s6 =	sld [smem:$0x3FB4]  }
0x2c: {  	s7 =	sld [smem:$0x3FB5]  }
0x2d: {  	s3 =	simm.s32 $0x108;
	s8 =	sld [smem:$0x3FB6]  }
0x2e: {  	s3 =	simm.s32 @!p0 $0x1082;
	s9 =	sld [smem:$0x3FB7]  }
0x2f: {  	lr =	sadd.s32 s0, s3;
	s0 =	sld [smem:$0x3FAE]  }
0x30: {  	s3 =	sld [smem:$0x3FB1]  }
0x31: {  	[smem:$0x3FBA] =	sst s10  }
0x32: {  	s10 =	sld [smem:$0x3FB8];
	_ =	sdelay $0x3  }
0x33: {  	p0 =	seq.s32 s10, $0x1;
	s10 =	sld [smem:$0x3FBA];
	_ =	sdelay $0x3  }
0x34: {  	[smem:$0x3FBA] =	sst s10  }
0x35: {  	s10 =	sld [smem:$0x3FB9];
	_ =	sdelay $0x3  }
0x36: {  	p1 =	seq.s32 s10, $0x1;
	s10 =	sld [smem:$0x3FBA];
	_ =	sdelay $0x3  }
0x37: {  	[smem:$0x3FBA] =	sst s10  }
0x38: {  	s10 =	sld [smem:$0x3FBB]  }
0x39: {  	_ = 	snop;
	(pc) =	sbr.ind lr, $3  }
0x3a: {  	_ = 	snop  }
0x3b: {  	_ = 	snop  }
0x3c: {  	p2 =	seq.s32 s10, $0x1;
	s10 =	sld [smem:$0x3FBA]  }
0x3d: {  	_ =	shalt  }
0x3e: {  	_ =	shalt  }
0x3f: {  	_ =	shalt  }
0x40: {  	_ =	shalt  }
0x41: {  	_ =	shalt  }
0x42: {  	_ =	shalt  }
0x43: {  	_ =	shalt  }
0x44: {  	_ =	shalt  }
0x45: {  	_ =	shalt  }
0x46: {  	_ =	shalt  }
0x47: {  	_ =	shalt  }
0x48: {  	_ =	shalt  }
0x49: {  	_ =	shalt  }
0x4a: {  	_ =	shalt  }
0x4b: {  	_ =	shalt  }
0x4c: {  	_ =	shalt  }
0x4d: {  	_ =	shalt  }
0x4e: {  	_ =	shalt  }
0x4f: {  	_ =	shalt  }
0x50: {  	_ =	shalt  }
0x51: {  	_ =	shalt  }
0x52: {  	_ =	shalt  }
0x53: {  	_ =	shalt  }
0x54: {  	_ =	shalt  }
0x55: {  	_ =	shalt  }
0x56: {  	_ =	shalt  }
0x57: {  	_ =	shalt  }
0x58: {  	_ =	shalt  }
0x59: {  	_ =	shalt  }
0x5a: {  	_ =	shalt  }
0x5b: {  	_ =	shalt  }
0x5c: {  	_ =	shalt  }
0x5d: {  	_ =	shalt  }
0x5e: {  	_ =	shalt  }
0x5f: {  	_ =	shalt  }
0x60: {  	_ =	shalt  }
0x61: {  	_ =	shalt  }
0x62: {  	_ =	shalt  }
0x63: {  	_ =	shalt  }
0x64: {  	_ =	shalt  }
0x65: {  	_ =	shalt  }
0x66: {  	_ =	shalt  }
0x67: {  	_ =	shalt  }
0x68: {  	_ =	shalt  }
0x69: {  	_ =	shalt  }
0x6a: {  	_ =	shalt  }
0x6b: {  	_ =	shalt  }
0x6c: {  	_ =	shalt  }
0x6d: {  	_ =	shalt  }
0x6e: {  	_ =	shalt  }
0x6f: {  	_ =	shalt  }
0x70: {  	_ =	shalt  }
0x71: {  	_ =	shalt  }
0x72: {  	_ =	shalt  }
0x73: {  	_ =	shalt  }
0x74: {  	_ =	shalt  }
0x75: {  	_ =	shalt  }
0x76: {  	_ =	shalt  }
0x77: {  	_ =	shalt  }
0x78: {  	_ =	shalt  }
0x79: {  	_ =	shalt  }
0x7a: {  	_ =	shalt  }
0x7b: {  	_ =	shalt  }
0x7c: {  	_ =	shalt  }
0x7d: {  	_ =	shalt  }
0x7e: {  	_ =	shalt  }
0x7f: {  	_ =	shalt  }
0x80: {  	_ =	shalt  }
0x81: {  	_ =	shalt  }
0x82: {  	_ =	shalt  }
0x83: {  	_ =	shalt  }
0x84: {  	_ =	shalt  }
0x85: {  	_ =	shalt  }
0x86: {  	_ =	shalt  }
0x87: {  	_ =	shalt  }
.Lfunc_end0:
.L_simem_size_0:
called_computation_lowered:
.L_overlay_start_0:
0x88: {  	s2 =	sld [smem:$0x3FD9]  }
0x89: {  	s3 =	sld [smem:$0x3FFE];
	_ =	sdelay $0x1  }
0x8a: {  	s1 =	srdreg.scid  }
0x8b: {  	s0 =	sand.u32 $0x1, s1  }
0x8c: {  	s17 =	sshll.u32 s0, $0xA;
	s2 =	sadd.s32 s3, s2  }
0x8d: {  	s2 =	sadd.s32 s2, s17  }
0x8e: {  	[smem:$0x3FC6] =	sst s2  }
0x8f: {  	_ = 	snop  }
0x90: {  	s2 =	sld [smem:$0x3FD0];
	(tm) =	ssettm $0x1  }
0x91: {  	s18 =	sld [smem:$0x3FFB];
	_ =	sdelay $0x3  }
0x92: {  	_ =	strace s18  }
0x93: {  	s3 =	sld [smem:$0x3FFC];
	_ =	sdelay $0x3  }
0x94: {  	_ =	strace s3  }
0x95: {  	s3 =	sld [smem:$0x3FFD];
	_ =	sdelay $0x3  }
0x96: {  	_ =	strace s3  }
0x97: {  	_ =	strace $0x8FFFFFFF  }
0x98: {  	s19 =	sld [smem:$0x3FDB];
	_ =	sdelay $0x1  }
0x99: {  	s4 =	simm.s32 $_scs_section_size  }
0x9a: {  	s5 =	simm.s32 $_size__tile_overlayer_lowered;
	s6 =	simm.s32 $_tile_overlayer_lowered  }
0x9b: {  	s22 =	simm.s32 $0x1BFF;
	s21 =	sshll.u32 s6, $0x1;
	s3 =	sadd.s32 s4, s19  }
0x9c: {  	s7 =	simm.s32 $0x0;
	s20 =	sshll.u32 s5, $0x1;
	s5 =	sadd.s32 s21, s3  }
0x9d: {  	[timem:s7], [sflag:s22] =	dma.local [hbm:s5], s20  }
0x9e: {  	_ =	swait.ge [sflag:s22], s20  }
0x9f: {  	s4 =	ssub.s32 $0x0, s20;
	[sflag:s22] =	ssyncset.done $0x0  }
0xa0: {  	[sflag:s22] =	ssyncadd.s32 s4;
	_ =	sdelay $0x1  }
0xa1: {  	s23 =	simm.s32 $0x1B8B  }
0xa2: {  	_ =	swait.ge [sflag:s23], $0x1  }
0xa3: {  	[sflag:s23] =	ssyncset.done $0x0  }
0xa4: {  	s25 =	simm.s32 $0x1B8E;
	s24 =	sld [smem:$0x3FFE];
	[sflag:s23] =	ssyncadd.s32 $0xFFFFFFFF  }
0xa5: {  	s26 =	simm.s32 $execute0_lowered;
	[smem:$0x3FD2] =	sst s25  }
0xa6: {  	s5 =	sshll.u32 s26, $0x1;
	_ =	strace $0x80000046;
	[dreg:$0x1] =	wrdreg $0xFFFFFFFF  }
0xa7: {  	s28 =	simm.s32 $_size_execute0_lowered;
	s3 =	sadd.s32 s3, s5;
	[dreg:$0x0] =	wrdreg $0x0  }
0xa8: {  	s5 =	sshll.u32 s28, $0x1;
	[dreg:$0x2] =	wrdreg s3  }
0xa9: {  	[dreg:$0x3] =	wrdreg s5  }
0xaa: {  	[dreg:$0x4] =	wrdreg $0xC0  }
0xab: {  	_ =	task [dreg:s7], $0x5FFFF  }
0xac: {  	[dreg:$0x1] =	wrdreg $0xFFFFFFFF  }
0xad: {  	[dreg:$0x0] =	wrdreg $0x60  }
0xae: {  	[dreg:$0x2] =	wrdreg s24  }
0xaf: {  	[dreg:$0x3] =	wrdreg s2  }
0xb0: {  	[dreg:$0x4] =	wrdreg $0x9  }
0xb1: {  	_ =	task.clear_ibuf [dreg:s7], $0x5FFFF;
	_ =	strace $0x90000046  }
0xb2: {  	s29 =	simm.s32 $0x9;
	_ =	strace $0x80000048  }
0xb3: {  	_ =	swait.ge [sflag:s29], $0x1  }
0xb4: {  	[sflag:s29] =	ssyncadd.s32 $0xFFFFFFFF  }
0xb5: {  	_ =	strace $0x90000048  }
0xb6: {  	_ =	sfence  }
0xb7: {  	s30 =	sld [smem:$0x0];
	_ =	sdelay $0x2  }
0xb8: {  	s31 =	sshll.u32 s1, $0xD;
	s1 =	sshrl.u32 s1, $0x2  }
0xb9: {  	s3 =	sand.u32 $0x4000, s31;
	s1 =	sadd.s32 s1, s30  }
0xba: {  	s0 =	sor.u32 s3, s0;
	s1 =	sshll.u32 s1, $0x11  }
0xbb: {  	s0 =	sor.u32 s1, s0  }
0xbc: {  	s0 =	sadd.s32 $0x8F2B, s0  }
0xbd: {  	[sflag:s0] =	ssyncadd.remote.s32 $0x1  }
0xbe: {  	_ =	sfence.sel $0xFFFF  }
0xbf: {  	[dreg:$0x0] =	wrdreg $0xFFFFFFFF;
	(pc) =	sbr.abs _section_cstart, $3  }
0xc0: {  	[dreg:$0x1] =	wrdreg $0xFFFFFFFF  }
0xc1: {  	_ =	task.clear_ibuf [dreg:s7], $0x2FFFF;
	_ =	strace $0x9FFFFFFF  }
0xc2: {  	(tm) =	ssettm $0x7FFFFFFF  }
0xc3: {  	_ =	shalt  }
tec
execute0_lowered:
.L_overlay_start_1:
0x0: {  	(tag) =	ssettag $0x1  }
0x1: {  	s0 =	rddreg [dreg:$0x0];
	s1 =	srdreg.scid  }
0x2: {  	s3 =	stileid.u32;
	s2 =	rddreg [dreg:$0x1]  }
0x3: {  	s8 =	simm.s32 $0x80;
	s19 =	simm.s32 $0xB400;
	s20 =	simm.s32 $0xC400  }
0x4: {  	s21 =	simm.s32 $0xD400;
	s22 =	simm.s32 $0xE400;
	s23 =	simm.s32 $0xF400  }
0x5: {  	s24 =	simm.s32 $0x1;
	s28 =	simm.s32 $0x12600;
	s29 =	simm.s32 $0x13700  }
0x6: {  	s30 =	simm.s32 $0x14800;
	s31 =	simm.s32 $0x2;
	s9 =	simm.s32 $0x17B00  }
0x7: {  	s11 =	simm.s32 $0x18C00;
	s12 =	simm.s32 $0x19D00;
	s15 =	simm.s32 $0x0  }
0x8: {  	s1 =	sand.u32 $0x1, s1;
	s4 =	sshll.u32 s3, $0x1;
	s3 =	simm.s32 $0x0  }
0x9: {  	s5 =	sor.u32 s1, s4;
	[smem:$0x7FF] =	sst s3;
	s1 =	ssub.s32 $0x2, s1  }
0xa: {  	s4 =	sshll.u32 s5, $0x4;
	_ =	strace $0x80000047;
	s7 =	sshrl.u32 s1, $0x1  }
0xb: {  	v0 =	vlaneseq.u32;
	s6 =	sadd.s32 s4, s0;
	s4 =	sadd.s32 $0xF42A00, s0;
	s25 =	ssub.s32 s1, s7  }
0xc: {  	v0 =	vmul.u32 $0x88, v0;
	s1 =	simm.s32 $0x15900;
	s26 =	sadd.s32 $0x600, s6;
	s6 =	sshll.u32 s5, $0xA  }
0xd: {  	s0 =	smax.u32 s25, $0x1;
	s25 =	simm.s32 $0x10400;
	[dreg:$0x3] =	wrdreg s26  }
0xe: {  	v1 =	vadd.s32 $0x880, v0;
	[dreg:$0x4] =	wrdreg s0;
	s26 =	simm.s32 $0x11500;
	s0 =	simm.s32 $0x16A00  }
.LBB2_1:
0xf: {  	s5 =	rddreg [dreg:$0x3];
	s7 =	simm.s32 $0x1000;
	s17 =	simm.s32 $0x5  }
0x10: {  	[tilespmem:s3], [sflag:$0x5] =	stream.strided.gather [hbm4b:s5+s8], $0x6400, s7, s8, $0x38;
	[tilespmem:$0x1AE00] =	vst v63  }
0x11: {  	_ =	swait.ge [sflag:s17], $0x6400  }
0x12: {  	[sflag:s17] =	ssyncset.done $0x0  }
0x13: {  	s18 =	simm.s32 $0x6400;
	[sflag:s17] =	ssyncadd.s32 $0xFFFF9C00  }
0x14: {  	[tilespmem:s18], [sflag:$0x1] =	stream.indirect.gather [hbm4b:s4+s8], $0x20, s3, s8, $0xb8;
	[tilespmem:$0x1AE00] =	vst v63  }
0x15: {  	s7 =	simm.s32 $0x7400  }
0x16: {  	[tilespmem:s7], [sflag:$0x1] =	stream.indirect.gather [hbm4b:s4+s8], $0x20, s8, s8, $0xb8;
	[tilespmem:$0x1AE00] =	vst v63  }
0x17: {  	s10 =	simm.s32 $0x100;
	s13 =	simm.s32 $0x8400  }
0x18: {  	[tilespmem:s13], [sflag:$0x1] =	stream.indirect.gather [hbm4b:s4+s8], $0x20, s10, s8, $0xb8;
	[tilespmem:$0x1AE00] =	vst v63  }
0x19: {  	s14 =	simm.s32 $0x180;
	s16 =	simm.s32 $0x9400  }
0x1a: {  	[tilespmem:s16], [sflag:$0x1] =	stream.indirect.gather [hbm4b:s4+s8], $0x20, s14, s8, $0xb8;
	[tilespmem:$0x1AE00] =	vst v63  }
0x1b: {  	s17 =	simm.s32 $0x200;
	s18 =	simm.s32 $0xA400;
	s16 =	simm.s32 $0x0  }
0x1c: {  	[tilespmem:s18], [sflag:$0x1] =	stream.indirect.gather [hbm4b:s4+s8], $0x20, s17, s8, $0xb8;
	[tilespmem:$0x1AE00] =	vst v63  }
.LBB2_2:
0x1d: {  	s17 =	sshllo.u32 s16, $0x1  }
0x1e: {  	s5 =	smul.u32 $0xA00, s17;
	_ =	sdelay $0x1  }
0x1f: {  	s5 =	sshra.s32 s5, $0x2  }
0x20: {  	[tilespmem:s19], [sflag:$0x2] =	stream.indirect.gather [hbm4b:s4+s8], $0x20, s5, s8, $0xb8;
	[tilespmem:$0x1AE00] =	vst v63  }
0x21: {  	s7 =	sadd.s32 $0x80, s5  }
0x22: {  	[tilespmem:s20], [sflag:$0x2] =	stream.indirect.gather [hbm4b:s4+s8], $0x20, s7, s8, $0xb8;
	[tilespmem:$0x1AE00] =	vst v63  }
0x23: {  	s14 =	sadd.s32 $0x100, s5  }
0x24: {  	[tilespmem:s21], [sflag:$0x2] =	stream.indirect.gather [hbm4b:s4+s8], $0x20, s14, s8, $0xb8;
	[tilespmem:$0x1AE00] =	vst v63  }
0x25: {  	s18 =	sadd.s32 $0x180, s5  }
0x26: {  	[tilespmem:s22], [sflag:$0x2] =	stream.indirect.gather [hbm4b:s4+s8], $0x20, s18, s8, $0xb8;
	[tilespmem:$0x1AE00] =	vst v63  }
0x27: {  	s5 =	sadd.s32 $0x200, s5  }
0x28: {  	[tilespmem:s23], [sflag:$0x2] =	stream.indirect.gather [hbm4b:s4+s8], $0x20, s5, s8, $0xb8;
	[tilespmem:$0x1AE00] =	vst v63  }
0x29: {  	_ =	swait.ge [sflag:s24], $0x1000  }
0x2a: {  	[sflag:s24] =	ssyncset.done $0x0  }
0x2b: {  	[sflag:s24] =	ssyncadd.s32 $0xFFFFF000  }
0x2c: {  	_ =	swait.ge [sflag:s24], $0x1000  }
0x2d: {  	[sflag:s24] =	ssyncset.done $0x0  }
0x2e: {  	[sflag:s24] =	ssyncadd.s32 $0xFFFFF000  }
0x2f: {  	_ =	swait.ge [sflag:s24], $0x1000  }
0x30: {  	[sflag:s24] =	ssyncset.done $0x0  }
0x31: {  	[sflag:s24] =	ssyncadd.s32 $0xFFFFF000  }
0x32: {  	_ =	swait.ge [sflag:s24], $0x1000  }
0x33: {  	[sflag:s24] =	ssyncset.done $0x0  }
0x34: {  	[sflag:s24] =	ssyncadd.s32 $0xFFFFF000  }
0x35: {  	_ =	swait.ge [sflag:s24], $0x1000  }
0x36: {  	p0 =	seq.s32 s16, $0x0;
	[sflag:s24] =	ssyncset.done $0x0  }
0x37: {  	s5 =	simm.s32 @!p0 $0x3;
	[sflag:s24] =	ssyncadd.s32 $0xFFFFF000  }
0x38: {  	_ =	swait.ge @!p0 [sflag:s5], $0x5000  }
0x39: {  	[sflag:s5] =	ssyncset.done @!p0 $0x0  }
0x3a: {  	s7 =	simm.s32 $0x0;
	s18 =	simm.s32 $0x6440;
	[sflag:s5] =	ssyncadd.s32 @!p0 $0xFFFFB000  }
0x3b: {  	v2 =	vmov s7;
	v3 =	vld [tilespmem:s18+$0xFFFFFFC0]  }
0x3c: {  	v4 =	vand.u32 $0x7C, v2  }
0x3d: {  	v2 =	vadd.s32 v0, v4;
	_ =	sdelay $0x2  }
0x3e: {  	v3 =	vmul.f32 $5.656854150e+00, v3;
	_ =	sdelay $0x1  }
0x3f: {  	[tilespmem:v2+s25+$0x0] =	vst.idx.msk $0xffff, v3  }
0x40: {  	v5 =	vld [tilespmem:s18+$0xFFFFFFD0];
	_ =	sdelay $0x1  }
0x41: {  	v3 =	vadd.s32 v1, v4;
	_ =	sdelay $0x2  }
0x42: {  	v4 =	vmul.f32 $5.656854150e+00, v5;
	_ =	sdelay $0x1  }
0x43: {  	s10 =	simm.s32 $0x1;
	[tilespmem:v3+s25+$0x0] =	vst.idx.msk $0xffff, v4  }
0x44: {  	v4 =	vmov s10;
	v5 =	vld [tilespmem:s18+$0xFFFFFFE0]  }
0x45: {  	v6 =	vand.u32 $0x7D, v4  }
0x46: {  	v4 =	vadd.s32 v0, v6;
	_ =	sdelay $0x2  }
0x47: {  	v5 =	vmul.f32 $5.656854150e+00, v5;
	_ =	sdelay $0x1  }
0x48: {  	[tilespmem:v4+s25+$0x0] =	vst.idx.msk $0xffff, v5  }
0x49: {  	v7 =	vld [tilespmem:s18+$0xFFFFFFF0];
	_ =	sdelay $0x1  }
0x4a: {  	v5 =	vadd.s32 v1, v6;
	_ =	sdelay $0x2  }
0x4b: {  	v6 =	vmul.f32 $5.656854150e+00, v7;
	_ =	sdelay $0x1  }
0x4c: {  	s13 =	simm.s32 $0x2;
	[tilespmem:v5+s25+$0x0] =	vst.idx.msk $0xffff, v6  }
0x4d: {  	v6 =	vmov s13;
	v7 =	vld [tilespmem:s18+$0x0]  }
0x4e: {  	v8 =	vand.u32 $0x7E, v6  }
0x4f: {  	v6 =	vadd.s32 v0, v8;
	_ =	sdelay $0x2  }
0x50: {  	v7 =	vmul.f32 $5.656854150e+00, v7;
	_ =	sdelay $0x1  }
0x51: {  	[tilespmem:v6+s25+$0x0] =	vst.idx.msk $0xffff, v7  }
0x52: {  	v9 =	vld [tilespmem:s18+$0x10];
	_ =	sdelay $0x1  }
0x53: {  	v7 =	vadd.s32 v1, v8;
	_ =	sdelay $0x2  }
0x54: {  	v8 =	vmul.f32 $5.656854150e+00, v9;
	_ =	sdelay $0x1  }
0x55: {  	s14 =	simm.s32 $0x3;
	[tilespmem:v7+s25+$0x0] =	vst.idx.msk $0xffff, v8  }
0x56: {  	v8 =	vmov s14;
	v10 =	vld [tilespmem:s18+$0x20]  }
0x57: {  	v8 =	vand.u32 $0x7F, v8  }
0x58: {  	v9 =	vadd.s32 v0, v8;
	_ =	sdelay $0x2  }
0x59: {  	v10 =	vmul.f32 $5.656854150e+00, v10;
	_ =	sdelay $0x1  }
0x5a: {  	[tilespmem:v9+s25+$0x0] =	vst.idx.msk $0xffff, v10  }
0x5b: {  	v11 =	vld [tilespmem:s18+$0x30];
	_ =	sdelay $0x1  }
0x5c: {  	v10 =	vadd.s32 v1, v8;
	_ =	sdelay $0x2  }
0x5d: {  	s5 =	simm.s32 $0x4;
	v11 =	vmul.f32 $5.656854150e+00, v11  }
.LBB2_3:
0x5e: {  	p1 =	sne.s32 s5, $0x7C  }
0x5f: {  	s18 =	sadd.s32 $0x80, s18;
	s7 =	smov.u32 s5;
	s5 =	sadd.s32 $0x4, s5;
	[tilespmem:v10+s25+$0x0] =	vst.idx.msk $0xffff, v11  }
0x60: {  	v10 =	vmov s7;
	v11 =	vld [tilespmem:s18+$0xFFFFFFC0]  }
0x61: {  	v10 =	vand.u32 $0x7C, v10  }
0x62: {  	v12 =	vadd.s32 v0, v10;
	_ =	sdelay $0x2  }
0x63: {  	v11 =	vmul.f32 $5.656854150e+00, v11;
	_ =	sdelay $0x1  }
0x64: {  	[tilespmem:v12+s25+$0x0] =	vst.idx.msk $0xffff, v11  }
0x65: {  	v11 =	vld [tilespmem:s18+$0xFFFFFFD0];
	_ =	sdelay $0x1  }
0x66: {  	v10 =	vadd.s32 v1, v10;
	_ =	sdelay $0x2  }
0x67: {  	v11 =	vmul.f32 $5.656854150e+00, v11;
	_ =	sdelay $0x1  }
0x68: {  	s10 =	sadd.s32 $0x1, s7;
	[tilespmem:v10+s25+$0x0] =	vst.idx.msk $0xffff, v11  }
0x69: {  	v10 =	vmov s10;
	v11 =	vld [tilespmem:s18+$0xFFFFFFE0]  }
0x6a: {  	v10 =	vand.u32 $0x7D, v10  }
0x6b: {  	v12 =	vadd.s32 v0, v10;
	_ =	sdelay $0x2  }
0x6c: {  	v11 =	vmul.f32 $5.656854150e+00, v11;
	_ =	sdelay $0x1  }
0x6d: {  	[tilespmem:v12+s25+$0x0] =	vst.idx.msk $0xffff, v11  }
0x6e: {  	v11 =	vld [tilespmem:s18+$0xFFFFFFF0];
	_ =	sdelay $0x1  }
0x6f: {  	v10 =	vadd.s32 v1, v10;
	_ =	sdelay $0x2  }
0x70: {  	v11 =	vmul.f32 $5.656854150e+00, v11;
	_ =	sdelay $0x1  }
0x71: {  	s10 =	sadd.s32 $0x2, s7;
	[tilespmem:v10+s25+$0x0] =	vst.idx.msk $0xffff, v11  }
0x72: {  	v10 =	vmov s10;
	v11 =	vld [tilespmem:s18+$0x0]  }
0x73: {  	v10 =	vand.u32 $0x7E, v10  }
0x74: {  	v12 =	vadd.s32 v0, v10;
	_ =	sdelay $0x2  }
0x75: {  	v11 =	vmul.f32 $5.656854150e+00, v11;
	_ =	sdelay $0x1  }
0x76: {  	[tilespmem:v12+s25+$0x0] =	vst.idx.msk $0xffff, v11  }
0x77: {  	v11 =	vld [tilespmem:s18+$0x10];
	_ =	sdelay $0x1  }
0x78: {  	v10 =	vadd.s32 v1, v10;
	_ =	sdelay $0x2  }
0x79: {  	v11 =	vmul.f32 $5.656854150e+00, v11;
	_ =	sdelay $0x1  }
0x7a: {  	s7 =	sadd.s32 $0x3, s7;
	[tilespmem:v10+s25+$0x0] =	vst.idx.msk $0xffff, v11  }
0x7b: {  	v10 =	vmov s7;
	v11 =	vld [tilespmem:s18+$0x20]  }
0x7c: {  	v10 =	vand.u32 $0x7F, v10  }
0x7d: {  	v12 =	vadd.s32 v0, v10;
	_ =	sdelay $0x2  }
0x7e: {  	v11 =	vmul.f32 $5.656854150e+00, v11;
	_ =	sdelay $0x1  }
0x7f: {  	[tilespmem:v12+s25+$0x0] =	vst.idx.msk $0xffff, v11  }
0x80: {  	v11 =	vld [tilespmem:s18+$0x30]  }
.Ltmp0:
0x81: {  	(pc) =	sbr.rel @p1 .LBB2_3-.Ltmp0, $2  }
0x82: {  	v10 =	vadd.s32 v1, v10;
	_ =	sdelay $0x2  }
0x83: {  	v11 =	vmul.f32 $5.656854150e+00, v11  }
0x84: {  	_ =	sdelay $0x3  }
0x85: {  	s18 =	simm.s32 $0x7470;
	[tilespmem:v10+s25+$0x0] =	vst.idx.msk $0xffff, v11  }
0x86: {  	v10 =	vld [tilespmem:s18+$0xFFFFFF90];
	_ =	sdelay $0x4  }
0x87: {  	v10 =	vmul.f32 $5.656854150e+00, v10;
	_ =	sdelay $0x1  }
0x88: {  	[tilespmem:v2+s26+$0x0] =	vst.idx.msk $0xffff, v10  }
0x89: {  	v2 =	vld [tilespmem:s18+$0xFFFFFFA0];
	_ =	sdelay $0x4  }
0x8a: {  	v2 =	vmul.f32 $5.656854150e+00, v2;
	_ =	sdelay $0x1  }
0x8b: {  	[tilespmem:v3+s26+$0x0] =	vst.idx.msk $0xffff, v2  }
0x8c: {  	v2 =	vld [tilespmem:s18+$0xFFFFFFB0];
	_ =	sdelay $0x4  }
0x8d: {  	v2 =	vmul.f32 $5.656854150e+00, v2;
	_ =	sdelay $0x1  }
0x8e: {  	[tilespmem:v4+s26+$0x0] =	vst.idx.msk $0xffff, v2  }
0x8f: {  	v2 =	vld [tilespmem:s18+$0xFFFFFFC0];
	_ =	sdelay $0x4  }
0x90: {  	v2 =	vmul.f32 $5.656854150e+00, v2;
	_ =	sdelay $0x1  }
0x91: {  	[tilespmem:v5+s26+$0x0] =	vst.idx.msk $0xffff, v2  }
0x92: {  	v2 =	vld [tilespmem:s18+$0xFFFFFFD0];
	_ =	sdelay $0x4  }
0x93: {  	v2 =	vmul.f32 $5.656854150e+00, v2;
	_ =	sdelay $0x1  }
0x94: {  	[tilespmem:v6+s26+$0x0] =	vst.idx.msk $0xffff, v2  }
0x95: {  	v2 =	vld [tilespmem:s18+$0xFFFFFFE0];
	_ =	sdelay $0x4  }
0x96: {  	v2 =	vmul.f32 $5.656854150e+00, v2;
	_ =	sdelay $0x1  }
0x97: {  	[tilespmem:v7+s26+$0x0] =	vst.idx.msk $0xffff, v2  }
0x98: {  	v2 =	vld [tilespmem:s18+$0xFFFFFFF0];
	_ =	sdelay $0x4  }
0x99: {  	v2 =	vmul.f32 $5.656854150e+00, v2;
	_ =	sdelay $0x1  }
0x9a: {  	[tilespmem:v9+s26+$0x0] =	vst.idx.msk $0xffff, v2  }
0x9b: {  	v3 =	vld [tilespmem:s18+$0x0];
	_ =	sdelay $0x1  }
0x9c: {  	v2 =	vadd.s32 v1, v8;
	_ =	sdelay $0x2  }
0x9d: {  	s5 =	simm.s32 $0x4;
	v3 =	vmul.f32 $5.656854150e+00, v3  }
.LBB2_5:
0x9e: {  	p1 =	sne.s32 s5, $0x7C  }
0x9f: {  	s18 =	sadd.s32 $0x80, s18;
	s7 =	smov.u32 s5;
	s5 =	sadd.s32 $0x4, s5;
	[tilespmem:v2+s26+$0x0] =	vst.idx.msk $0xffff, v3  }
0xa0: {  	v2 =	vmov s7;
	v3 =	vld [tilespmem:s18+$0xFFFFFF90]  }
0xa1: {  	v2 =	vand.u32 $0x7C, v2  }
0xa2: {  	v4 =	vadd.s32 v0, v2;
	_ =	sdelay $0x2  }
0xa3: {  	v3 =	vmul.f32 $5.656854150e+00, v3;
	_ =	sdelay $0x1  }
0xa4: {  	[tilespmem:v4+s26+$0x0] =	vst.idx.msk $0xffff, v3  }
0xa5: {  	v3 =	vld [tilespmem:s18+$0xFFFFFFA0];
	_ =	sdelay $0x1  }
0xa6: {  	v2 =	vadd.s32 v1, v2;
	_ =	sdelay $0x2  }
0xa7: {  	v3 =	vmul.f32 $5.656854150e+00, v3;
	_ =	sdelay $0x1  }
0xa8: {  	s10 =	sadd.s32 $0x1, s7;
	[tilespmem:v2+s26+$0x0] =	vst.idx.msk $0xffff, v3  }
0xa9: {  	v2 =	vmov s10;
	v3 =	vld [tilespmem:s18+$0xFFFFFFB0]  }
0xaa: {  	v2 =	vand.u32 $0x7D, v2  }
0xab: {  	v4 =	vadd.s32 v0, v2;
	_ =	sdelay $0x2  }
0xac: {  	v3 =	vmul.f32 $5.656854150e+00, v3;
	_ =	sdelay $0x1  }
0xad: {  	[tilespmem:v4+s26+$0x0] =	vst.idx.msk $0xffff, v3  }
0xae: {  	v3 =	vld [tilespmem:s18+$0xFFFFFFC0];
	_ =	sdelay $0x1  }
0xaf: {  	v2 =	vadd.s32 v1, v2;
	_ =	sdelay $0x2  }
0xb0: {  	v3 =	vmul.f32 $5.656854150e+00, v3;
	_ =	sdelay $0x1  }
0xb1: {  	s10 =	sadd.s32 $0x2, s7;
	[tilespmem:v2+s26+$0x0] =	vst.idx.msk $0xffff, v3  }
0xb2: {  	v2 =	vmov s10;
	v3 =	vld [tilespmem:s18+$0xFFFFFFD0]  }
0xb3: {  	v2 =	vand.u32 $0x7E, v2  }
0xb4: {  	v4 =	vadd.s32 v0, v2;
	_ =	sdelay $0x2  }
0xb5: {  	v3 =	vmul.f32 $5.656854150e+00, v3;
	_ =	sdelay $0x1  }
0xb6: {  	[tilespmem:v4+s26+$0x0] =	vst.idx.msk $0xffff, v3  }
0xb7: {  	v3 =	vld [tilespmem:s18+$0xFFFFFFE0];
	_ =	sdelay $0x1  }
0xb8: {  	v2 =	vadd.s32 v1, v2;
	_ =	sdelay $0x2  }
0xb9: {  	v3 =	vmul.f32 $5.656854150e+00, v3;
	_ =	sdelay $0x1  }
0xba: {  	s7 =	sadd.s32 $0x3, s7;
	[tilespmem:v2+s26+$0x0] =	vst.idx.msk $0xffff, v3  }
0xbb: {  	v2 =	vmov s7;
	v3 =	vld [tilespmem:s18+$0xFFFFFFF0]  }
0xbc: {  	v2 =	vand.u32 $0x7F, v2  }
0xbd: {  	v4 =	vadd.s32 v0, v2;
	_ =	sdelay $0x2  }
0xbe: {  	v3 =	vmul.f32 $5.656854150e+00, v3;
	_ =	sdelay $0x1  }
0xbf: {  	[tilespmem:v4+s26+$0x0] =	vst.idx.msk $0xffff, v3  }
0xc0: {  	v3 =	vld [tilespmem:s18+$0x0]  }
.Ltmp1:
0xc1: {  	(pc) =	sbr.rel @p1 .LBB2_5-.Ltmp1, $2  }
0xc2: {  	v2 =	vadd.s32 v1, v2;
	_ =	sdelay $0x2  }
0xc3: {  	v3 =	vmul.f32 $5.656854150e+00, v3  }
0xc4: {  	_ =	sdelay $0x3  }
0xc5: {  	s5 =	simm.s32 $0x0;
	s18 =	simm.s32 $0x8470;
	[tilespmem:v2+s26+$0x0] =	vst.idx.msk $0xffff, v3  }
0xc6: {  	v2 =	vmov s5;
	v3 =	vld [tilespmem:s18+$0xFFFFFF90]  }
0xc7: {  	v4 =	vand.u32 $0x7C, v2  }
0xc8: {  	v2 =	vadd.s32 v0, v4;
	_ =	sdelay $0x2  }
0xc9: {  	v3 =	vmul.f32 $5.656854150e+00, v3;
	_ =	sdelay $0x1  }
0xca: {  	[tilespmem:v2+s28+$0x0] =	vst.idx.msk $0xffff, v3  }
0xcb: {  	v5 =	vld [tilespmem:s18+$0xFFFFFFA0];
	_ =	sdelay $0x1  }
0xcc: {  	v3 =	vadd.s32 v1, v4;
	_ =	sdelay $0x2  }
0xcd: {  	v4 =	vmul.f32 $5.656854150e+00, v5;
	_ =	sdelay $0x1  }
0xce: {  	s10 =	simm.s32 $0x1;
	[tilespmem:v3+s28+$0x0] =	vst.idx.msk $0xffff, v4  }
0xcf: {  	v4 =	vmov s10;
	v5 =	vld [tilespmem:s18+$0xFFFFFFB0]  }
0xd0: {  	v6 =	vand.u32 $0x7D, v4  }
0xd1: {  	v4 =	vadd.s32 v0, v6;
	_ =	sdelay $0x2  }
0xd2: {  	v5 =	vmul.f32 $5.656854150e+00, v5;
	_ =	sdelay $0x1  }
0xd3: {  	[tilespmem:v4+s28+$0x0] =	vst.idx.msk $0xffff, v5  }
0xd4: {  	v7 =	vld [tilespmem:s18+$0xFFFFFFC0];
	_ =	sdelay $0x1  }
0xd5: {  	v5 =	vadd.s32 v1, v6;
	_ =	sdelay $0x2  }
0xd6: {  	v6 =	vmul.f32 $5.656854150e+00, v7;
	_ =	sdelay $0x1  }
0xd7: {  	s13 =	simm.s32 $0x2;
	[tilespmem:v5+s28+$0x0] =	vst.idx.msk $0xffff, v6  }
0xd8: {  	v6 =	vmov s13;
	v7 =	vld [tilespmem:s18+$0xFFFFFFD0]  }
0xd9: {  	v8 =	vand.u32 $0x7E, v6  }
0xda: {  	v6 =	vadd.s32 v0, v8;
	_ =	sdelay $0x2  }
0xdb: {  	v7 =	vmul.f32 $5.656854150e+00, v7;
	_ =	sdelay $0x1  }
0xdc: {  	[tilespmem:v6+s28+$0x0] =	vst.idx.msk $0xffff, v7  }
0xdd: {  	v9 =	vld [tilespmem:s18+$0xFFFFFFE0];
	_ =	sdelay $0x1  }
0xde: {  	v7 =	vadd.s32 v1, v8;
	_ =	sdelay $0x2  }
0xdf: {  	v8 =	vmul.f32 $5.656854150e+00, v9;
	_ =	sdelay $0x1  }
0xe0: {  	s14 =	simm.s32 $0x3;
	[tilespmem:v7+s28+$0x0] =	vst.idx.msk $0xffff, v8  }
0xe1: {  	v8 =	vmov s14;
	v10 =	vld [tilespmem:s18+$0xFFFFFFF0]  }
0xe2: {  	v8 =	vand.u32 $0x7F, v8  }
0xe3: {  	v9 =	vadd.s32 v0, v8;
	_ =	sdelay $0x2  }
0xe4: {  	v10 =	vmul.f32 $5.656854150e+00, v10;
	_ =	sdelay $0x1  }
0xe5: {  	[tilespmem:v9+s28+$0x0] =	vst.idx.msk $0xffff, v10  }
0xe6: {  	v11 =	vld [tilespmem:s18+$0x0];
	_ =	sdelay $0x1  }
0xe7: {  	v10 =	vadd.s32 v1, v8;
	_ =	sdelay $0x2  }
0xe8: {  	s5 =	simm.s32 $0x4;
	v11 =	vmul.f32 $5.656854150e+00, v11  }
.LBB2_7:
0xe9: {  	p1 =	sne.s32 s5, $0x7C  }
0xea: {  	s18 =	sadd.s32 $0x80, s18;
	s7 =	smov.u32 s5;
	s5 =	sadd.s32 $0x4, s5;
	[tilespmem:v10+s28+$0x0] =	vst.idx.msk $0xffff, v11  }
0xeb: {  	v10 =	vmov s7;
	v11 =	vld [tilespmem:s18+$0xFFFFFF90]  }
0xec: {  	v10 =	vand.u32 $0x7C, v10  }
0xed: {  	v12 =	vadd.s32 v0, v10;
	_ =	sdelay $0x2  }
0xee: {  	v11 =	vmul.f32 $5.656854150e+00, v11;
	_ =	sdelay $0x1  }
0xef: {  	[tilespmem:v12+s28+$0x0] =	vst.idx.msk $0xffff, v11  }
0xf0: {  	v11 =	vld [tilespmem:s18+$0xFFFFFFA0];
	_ =	sdelay $0x1  }
0xf1: {  	v10 =	vadd.s32 v1, v10;
	_ =	sdelay $0x2  }
0xf2: {  	v11 =	vmul.f32 $5.656854150e+00, v11;
	_ =	sdelay $0x1  }
0xf3: {  	s10 =	sadd.s32 $0x1, s7;
	[tilespmem:v10+s28+$0x0] =	vst.idx.msk $0xffff, v11  }
0xf4: {  	v10 =	vmov s10;
	v11 =	vld [tilespmem:s18+$0xFFFFFFB0]  }
0xf5: {  	v10 =	vand.u32 $0x7D, v10  }
0xf6: {  	v12 =	vadd.s32 v0, v10;
	_ =	sdelay $0x2  }
0xf7: {  	v11 =	vmul.f32 $5.656854150e+00, v11;
	_ =	sdelay $0x1  }
0xf8: {  	[tilespmem:v12+s28+$0x0] =	vst.idx.msk $0xffff, v11  }
0xf9: {  	v11 =	vld [tilespmem:s18+$0xFFFFFFC0];
	_ =	sdelay $0x1  }
0xfa: {  	v10 =	vadd.s32 v1, v10;
	_ =	sdelay $0x2  }
0xfb: {  	v11 =	vmul.f32 $5.656854150e+00, v11;
	_ =	sdelay $0x1  }
0xfc: {  	s10 =	sadd.s32 $0x2, s7;
	[tilespmem:v10+s28+$0x0] =	vst.idx.msk $0xffff, v11  }
0xfd: {  	v10 =	vmov s10;
	v11 =	vld [tilespmem:s18+$0xFFFFFFD0]  }
0xfe: {  	v10 =	vand.u32 $0x7E, v10  }
0xff: {  	v12 =	vadd.s32 v0, v10;
	_ =	sdelay $0x2  }
0x100: {  	v11 =	vmul.f32 $5.656854150e+00, v11;
	_ =	sdelay $0x1  }
0x101: {  	[tilespmem:v12+s28+$0x0] =	vst.idx.msk $0xffff, v11  }
0x102: {  	v11 =	vld [tilespmem:s18+$0xFFFFFFE0];
	_ =	sdelay $0x1  }
0x103: {  	v10 =	vadd.s32 v1, v10;
	_ =	sdelay $0x2  }
0x104: {  	v11 =	vmul.f32 $5.656854150e+00, v11;
	_ =	sdelay $0x1  }
0x105: {  	s7 =	sadd.s32 $0x3, s7;
	[tilespmem:v10+s28+$0x0] =	vst.idx.msk $0xffff, v11  }
0x106: {  	v10 =	vmov s7;
	v11 =	vld [tilespmem:s18+$0xFFFFFFF0]  }
0x107: {  	v10 =	vand.u32 $0x7F, v10  }
0x108: {  	v12 =	vadd.s32 v0, v10;
	_ =	sdelay $0x2  }
0x109: {  	v11 =	vmul.f32 $5.656854150e+00, v11;
	_ =	sdelay $0x1  }
0x10a: {  	[tilespmem:v12+s28+$0x0] =	vst.idx.msk $0xffff, v11  }
0x10b: {  	v11 =	vld [tilespmem:s18+$0x0]  }
.Ltmp2:
0x10c: {  	(pc) =	sbr.rel @p1 .LBB2_7-.Ltmp2, $2  }
0x10d: {  	v10 =	vadd.s32 v1, v10;
	_ =	sdelay $0x2  }
0x10e: {  	v11 =	vmul.f32 $5.656854150e+00, v11  }
0x10f: {  	_ =	sdelay $0x3  }
0x110: {  	s18 =	simm.s32 $0x9470;
	[tilespmem:v10+s28+$0x0] =	vst.idx.msk $0xffff, v11  }
0x111: {  	v10 =	vld [tilespmem:s18+$0xFFFFFF90];
	_ =	sdelay $0x4  }
0x112: {  	v10 =	vmul.f32 $5.656854150e+00, v10;
	_ =	sdelay $0x1  }
0x113: {  	[tilespmem:v2+s29+$0x0] =	vst.idx.msk $0xffff, v10  }
0x114: {  	v2 =	vld [tilespmem:s18+$0xFFFFFFA0];
	_ =	sdelay $0x4  }
0x115: {  	v2 =	vmul.f32 $5.656854150e+00, v2;
	_ =	sdelay $0x1  }
0x116: {  	[tilespmem:v3+s29+$0x0] =	vst.idx.msk $0xffff, v2  }
0x117: {  	v2 =	vld [tilespmem:s18+$0xFFFFFFB0];
	_ =	sdelay $0x4  }
0x118: {  	v2 =	vmul.f32 $5.656854150e+00, v2;
	_ =	sdelay $0x1  }
0x119: {  	[tilespmem:v4+s29+$0x0] =	vst.idx.msk $0xffff, v2  }
0x11a: {  	v2 =	vld [tilespmem:s18+$0xFFFFFFC0];
	_ =	sdelay $0x4  }
0x11b: {  	v2 =	vmul.f32 $5.656854150e+00, v2;
	_ =	sdelay $0x1  }
0x11c: {  	[tilespmem:v5+s29+$0x0] =	vst.idx.msk $0xffff, v2  }
0x11d: {  	v2 =	vld [tilespmem:s18+$0xFFFFFFD0];
	_ =	sdelay $0x4  }
0x11e: {  	v2 =	vmul.f32 $5.656854150e+00, v2;
	_ =	sdelay $0x1  }
0x11f: {  	[tilespmem:v6+s29+$0x0] =	vst.idx.msk $0xffff, v2  }
0x120: {  	v2 =	vld [tilespmem:s18+$0xFFFFFFE0];
	_ =	sdelay $0x4  }
0x121: {  	v2 =	vmul.f32 $5.656854150e+00, v2;
	_ =	sdelay $0x1  }
0x122: {  	[tilespmem:v7+s29+$0x0] =	vst.idx.msk $0xffff, v2  }
0x123: {  	v2 =	vld [tilespmem:s18+$0xFFFFFFF0];
	_ =	sdelay $0x4  }
0x124: {  	v2 =	vmul.f32 $5.656854150e+00, v2;
	_ =	sdelay $0x1  }
0x125: {  	[tilespmem:v9+s29+$0x0] =	vst.idx.msk $0xffff, v2  }
0x126: {  	v3 =	vld [tilespmem:s18+$0x0];
	_ =	sdelay $0x1  }
0x127: {  	v2 =	vadd.s32 v1, v8;
	_ =	sdelay $0x2  }
0x128: {  	s5 =	simm.s32 $0x4;
	v3 =	vmul.f32 $5.656854150e+00, v3  }
.LBB2_9:
0x129: {  	p1 =	sne.s32 s5, $0x7C  }
0x12a: {  	s18 =	sadd.s32 $0x80, s18;
	s7 =	smov.u32 s5;
	s5 =	sadd.s32 $0x4, s5;
	[tilespmem:v2+s29+$0x0] =	vst.idx.msk $0xffff, v3  }
0x12b: {  	v2 =	vmov s7;
	v3 =	vld [tilespmem:s18+$0xFFFFFF90]  }
0x12c: {  	v2 =	vand.u32 $0x7C, v2  }
0x12d: {  	v4 =	vadd.s32 v0, v2;
	_ =	sdelay $0x2  }
0x12e: {  	v3 =	vmul.f32 $5.656854150e+00, v3;
	_ =	sdelay $0x1  }
0x12f: {  	[tilespmem:v4+s29+$0x0] =	vst.idx.msk $0xffff, v3  }
0x130: {  	v3 =	vld [tilespmem:s18+$0xFFFFFFA0];
	_ =	sdelay $0x1  }
0x131: {  	v2 =	vadd.s32 v1, v2;
	_ =	sdelay $0x2  }
0x132: {  	v3 =	vmul.f32 $5.656854150e+00, v3;
	_ =	sdelay $0x1  }
0x133: {  	s10 =	sadd.s32 $0x1, s7;
	[tilespmem:v2+s29+$0x0] =	vst.idx.msk $0xffff, v3  }
0x134: {  	v2 =	vmov s10;
	v3 =	vld [tilespmem:s18+$0xFFFFFFB0]  }
0x135: {  	v2 =	vand.u32 $0x7D, v2  }
0x136: {  	v4 =	vadd.s32 v0, v2;
	_ =	sdelay $0x2  }
0x137: {  	v3 =	vmul.f32 $5.656854150e+00, v3;
	_ =	sdelay $0x1  }
0x138: {  	[tilespmem:v4+s29+$0x0] =	vst.idx.msk $0xffff, v3  }
0x139: {  	v3 =	vld [tilespmem:s18+$0xFFFFFFC0];
	_ =	sdelay $0x1  }
0x13a: {  	v2 =	vadd.s32 v1, v2;
	_ =	sdelay $0x2  }
0x13b: {  	v3 =	vmul.f32 $5.656854150e+00, v3;
	_ =	sdelay $0x1  }
0x13c: {  	s10 =	sadd.s32 $0x2, s7;
	[tilespmem:v2+s29+$0x0] =	vst.idx.msk $0xffff, v3  }
0x13d: {  	v2 =	vmov s10;
	v3 =	vld [tilespmem:s18+$0xFFFFFFD0]  }
0x13e: {  	v2 =	vand.u32 $0x7E, v2  }
0x13f: {  	v4 =	vadd.s32 v0, v2;
	_ =	sdelay $0x2  }
0x140: {  	v3 =	vmul.f32 $5.656854150e+00, v3;
	_ =	sdelay $0x1  }
0x141: {  	[tilespmem:v4+s29+$0x0] =	vst.idx.msk $0xffff, v3  }
0x142: {  	v3 =	vld [tilespmem:s18+$0xFFFFFFE0];
	_ =	sdelay $0x1  }
0x143: {  	v2 =	vadd.s32 v1, v2;
	_ =	sdelay $0x2  }
0x144: {  	v3 =	vmul.f32 $5.656854150e+00, v3;
	_ =	sdelay $0x1  }
0x145: {  	s7 =	sadd.s32 $0x3, s7;
	[tilespmem:v2+s29+$0x0] =	vst.idx.msk $0xffff, v3  }
0x146: {  	v2 =	vmov s7;
	v3 =	vld [tilespmem:s18+$0xFFFFFFF0]  }
0x147: {  	v2 =	vand.u32 $0x7F, v2  }
0x148: {  	v4 =	vadd.s32 v0, v2;
	_ =	sdelay $0x2  }
0x149: {  	v3 =	vmul.f32 $5.656854150e+00, v3;
	_ =	sdelay $0x1  }
0x14a: {  	[tilespmem:v4+s29+$0x0] =	vst.idx.msk $0xffff, v3  }
0x14b: {  	v3 =	vld [tilespmem:s18+$0x0]  }
.Ltmp3:
0x14c: {  	(pc) =	sbr.rel @p1 .LBB2_9-.Ltmp3, $2  }
0x14d: {  	v2 =	vadd.s32 v1, v2;
	_ =	sdelay $0x2  }
0x14e: {  	v3 =	vmul.f32 $5.656854150e+00, v3  }
0x14f: {  	_ =	sdelay $0x3  }
0x150: {  	s5 =	simm.s32 $0x0;
	s7 =	simm.s32 $0x0;
	[tilespmem:v2+s29+$0x0] =	vst.idx.msk $0xffff, v3  }
0x151: {  	v2 =	vmov s5;
	v3 =	vld [tilespmem:s7+$0xA400]  }
0x152: {  	v2 =	vand.u32 $0x7C, v2  }
0x153: {  	v4 =	vadd.s32 v0, v2;
	_ =	sdelay $0x2  }
0x154: {  	v3 =	vmul.f32 $5.656854150e+00, v3;
	_ =	sdelay $0x1  }
0x155: {  	[tilespmem:v4+s30+$0x0] =	vst.idx.msk $0xffff, v3  }
0x156: {  	v3 =	vld [tilespmem:s7+$0xA410];
	_ =	sdelay $0x1  }
0x157: {  	v2 =	vadd.s32 v1, v2;
	_ =	sdelay $0x2  }
0x158: {  	v3 =	vmul.f32 $5.656854150e+00, v3;
	_ =	sdelay $0x1  }
0x159: {  	s13 =	simm.s32 $0x1;
	[tilespmem:v2+s30+$0x0] =	vst.idx.msk $0xffff, v3  }
0x15a: {  	v2 =	vmov s13;
	v3 =	vld [tilespmem:s7+$0xA420]  }
0x15b: {  	v2 =	vand.u32 $0x7D, v2  }
0x15c: {  	v4 =	vadd.s32 v0, v2;
	_ =	sdelay $0x2  }
0x15d: {  	v3 =	vmul.f32 $5.656854150e+00, v3;
	_ =	sdelay $0x1  }
0x15e: {  	[tilespmem:v4+s30+$0x0] =	vst.idx.msk $0xffff, v3  }
0x15f: {  	v3 =	vld [tilespmem:s7+$0xA430];
	_ =	sdelay $0x1  }
0x160: {  	v2 =	vadd.s32 v1, v2;
	_ =	sdelay $0x2  }
0x161: {  	v3 =	vmul.f32 $5.656854150e+00, v3;
	_ =	sdelay $0x1  }
0x162: {  	s14 =	simm.s32 $0x2;
	[tilespmem:v2+s30+$0x0] =	vst.idx.msk $0xffff, v3  }
0x163: {  	v2 =	vmov s14;
	v3 =	vld [tilespmem:s7+$0xA440]  }
0x164: {  	v2 =	vand.u32 $0x7E, v2  }
0x165: {  	v4 =	vadd.s32 v0, v2;
	_ =	sdelay $0x2  }
0x166: {  	v3 =	vmul.f32 $5.656854150e+00, v3;
	_ =	sdelay $0x1  }
0x167: {  	[tilespmem:v4+s30+$0x0] =	vst.idx.msk $0xffff, v3  }
0x168: {  	v3 =	vld [tilespmem:s7+$0xA450];
	_ =	sdelay $0x1  }
0x169: {  	v2 =	vadd.s32 v1, v2;
	_ =	sdelay $0x2  }
0x16a: {  	v3 =	vmul.f32 $5.656854150e+00, v3;
	_ =	sdelay $0x1  }
0x16b: {  	s18 =	simm.s32 $0x3;
	[tilespmem:v2+s30+$0x0] =	vst.idx.msk $0xffff, v3  }
0x16c: {  	v2 =	vmov s18;
	v3 =	vld [tilespmem:s7+$0xA460]  }
0x16d: {  	v2 =	vand.u32 $0x7F, v2  }
0x16e: {  	v4 =	vadd.s32 v0, v2;
	_ =	sdelay $0x2  }
0x16f: {  	v3 =	vmul.f32 $5.656854150e+00, v3;
	_ =	sdelay $0x1  }
0x170: {  	[tilespmem:v4+s30+$0x0] =	vst.idx.msk $0xffff, v3  }
0x171: {  	v3 =	vld [tilespmem:s7+$0xA470];
	_ =	sdelay $0x1  }
0x172: {  	v2 =	vadd.s32 v1, v2;
	_ =	sdelay $0x2  }
0x173: {  	s5 =	simm.s32 $0x200;
	s18 =	simm.s32 $0x7;
	s7 =	simm.s32 $0x400;
	v3 =	vmul.f32 $5.656854150e+00, v3  }
.LBB2_11:
0x174: {  	s14 =	sadd.s32 $0xFFFFFFFD, s18  }
0x175: {  	s10 =	sshra.s32 s5, $0x2;
	[tilespmem:v2+s30+$0x0] =	vst.idx.msk $0xffff, v3;
	s5 =	smov.u32 s7;
	s13 =	sadd.s32 $0x200, s7  }
0x176: {  	p1 =	sne.s32 s7, $0x3E00;
	v2 =	vmov s14;
	v3 =	vld [tilespmem:s10+$0xA400]  }
0x177: {  	v2 =	vand.u32 $0x7C, v2  }
0x178: {  	v4 =	vadd.s32 v0, v2;
	_ =	sdelay $0x2  }
0x179: {  	v3 =	vmul.f32 $5.656854150e+00, v3;
	_ =	sdelay $0x1  }
0x17a: {  	[tilespmem:v4+s30+$0x0] =	vst.idx.msk $0xffff, v3  }
0x17b: {  	v3 =	vld [tilespmem:s10+$0xA410];
	_ =	sdelay $0x1  }
0x17c: {  	v2 =	vadd.s32 v1, v2;
	_ =	sdelay $0x2  }
0x17d: {  	v3 =	vmul.f32 $5.656854150e+00, v3;
	_ =	sdelay $0x1  }
0x17e: {  	s7 =	sadd.s32 $0xFFFFFFFE, s18;
	[tilespmem:v2+s30+$0x0] =	vst.idx.msk $0xffff, v3  }
0x17f: {  	v2 =	vmov s7;
	v3 =	vld [tilespmem:s10+$0xA420]  }
0x180: {  	v2 =	vand.u32 $0x7D, v2  }
0x181: {  	v4 =	vadd.s32 v0, v2;
	_ =	sdelay $0x2  }
0x182: {  	v3 =	vmul.f32 $5.656854150e+00, v3;
	_ =	sdelay $0x1  }
0x183: {  	[tilespmem:v4+s30+$0x0] =	vst.idx.msk $0xffff, v3  }
0x184: {  	v3 =	vld [tilespmem:s10+$0xA430];
	_ =	sdelay $0x1  }
0x185: {  	v2 =	vadd.s32 v1, v2;
	_ =	sdelay $0x2  }
0x186: {  	v3 =	vmul.f32 $5.656854150e+00, v3;
	_ =	sdelay $0x1  }
0x187: {  	s7 =	sadd.s32 $0xFFFFFFFF, s18;
	[tilespmem:v2+s30+$0x0] =	vst.idx.msk $0xffff, v3  }
0x188: {  	v2 =	vmov s7;
	v3 =	vld [tilespmem:s10+$0xA440]  }
0x189: {  	v2 =	vand.u32 $0x7E, v2  }
0x18a: {  	v4 =	vadd.s32 v0, v2;
	_ =	sdelay $0x2  }
0x18b: {  	v3 =	vmul.f32 $5.656854150e+00, v3;
	_ =	sdelay $0x1  }
0x18c: {  	[tilespmem:v4+s30+$0x0] =	vst.idx.msk $0xffff, v3  }
0x18d: {  	v3 =	vld [tilespmem:s10+$0xA450];
	_ =	sdelay $0x1  }
0x18e: {  	v2 =	vadd.s32 v1, v2;
	_ =	sdelay $0x2  }
0x18f: {  	v3 =	vmul.f32 $5.656854150e+00, v3;
	_ =	sdelay $0x1  }
0x190: {  	[tilespmem:v2+s30+$0x0] =	vst.idx.msk $0xffff, v3  }
0x191: {  	v2 =	vmov s18;
	v3 =	vld [tilespmem:s10+$0xA460]  }
0x192: {  	v2 =	vand.u32 $0x7F, v2  }
0x193: {  	v4 =	vadd.s32 v0, v2;
	_ =	sdelay $0x2  }
0x194: {  	v3 =	vmul.f32 $5.656854150e+00, v3;
	_ =	sdelay $0x1  }
0x195: {  	[tilespmem:v4+s30+$0x0] =	vst.idx.msk $0xffff, v3  }
0x196: {  	v3 =	vld [tilespmem:s10+$0xA470];
	_ =	sdelay $0x1  }
.Ltmp4:
0x197: {  	v2 =	vadd.s32 v1, v2;
	(pc) =	sbr.rel @p1 .LBB2_11-.Ltmp4, $3  }
0x198: {  	_ =	sdelay $0x1  }
0x199: {  	v3 =	vmul.f32 $5.656854150e+00, v3  }
0x19a: {  	s7 =	smov.u32 s13;
	s18 =	sadd.s32 $0x4, s18  }
0x19b: {  	_ =	sdelay $0x3  }
0x19c: {  	s7 =	sadd.s32 $0xFFFFFFFD, s18;
	s5 =	sshra.s32 s5, $0x2;
	[tilespmem:v2+s30+$0x0] =	vst.idx.msk $0xffff, v3  }
0x19d: {  	v2 =	vmov s7;
	v3 =	vld [tilespmem:s5+$0xA400]  }
0x19e: {  	v2 =	vand.u32 $0x7C, v2  }
0x19f: {  	v4 =	vadd.s32 v0, v2;
	_ =	sdelay $0x2  }
0x1a0: {  	v3 =	vmul.f32 $5.656854150e+00, v3;
	_ =	sdelay $0x1  }
0x1a1: {  	[tilespmem:v4+s30+$0x0] =	vst.idx.msk $0xffff, v3  }
0x1a2: {  	v3 =	vld [tilespmem:s5+$0xA410];
	_ =	sdelay $0x1  }
0x1a3: {  	v2 =	vadd.s32 v1, v2;
	_ =	sdelay $0x2  }
0x1a4: {  	v3 =	vmul.f32 $5.656854150e+00, v3;
	_ =	sdelay $0x1  }
0x1a5: {  	s13 =	sadd.s32 $0xFFFFFFFE, s18;
	[tilespmem:v2+s30+$0x0] =	vst.idx.msk $0xffff, v3  }
0x1a6: {  	v2 =	vmov s13;
	v3 =	vld [tilespmem:s5+$0xA420]  }
0x1a7: {  	v2 =	vand.u32 $0x7D, v2  }
0x1a8: {  	v61 =	vadd.s32 v0, v2;
	_ =	sdelay $0x2  }
0x1a9: {  	v3 =	vmul.f32 $5.656854150e+00, v3;
	_ =	sdelay $0x1  }
0x1aa: {  	[tilespmem:v61+s30+$0x0] =	vst.idx.msk $0xffff, v3  }
0x1ab: {  	v3 =	vld [tilespmem:s5+$0xA430];
	_ =	sdelay $0x1  }
0x1ac: {  	v2 =	vadd.s32 v1, v2;
	_ =	sdelay $0x2  }
0x1ad: {  	v3 =	vmul.f32 $5.656854150e+00, v3;
	_ =	sdelay $0x1  }
0x1ae: {  	s14 =	sadd.s32 $0xFFFFFFFF, s18;
	[tilespmem:v2+s30+$0x0] =	vst.idx.msk $0xffff, v3  }
0x1af: {  	v2 =	vmov s14;
	v3 =	vld [tilespmem:s5+$0xA440]  }
0x1b0: {  	v2 =	vand.u32 $0x7E, v2  }
0x1b1: {  	v62 =	vadd.s32 v0, v2;
	_ =	sdelay $0x2  }
0x1b2: {  	v3 =	vmul.f32 $5.656854150e+00, v3;
	_ =	sdelay $0x1  }
0x1b3: {  	[tilespmem:v62+s30+$0x0] =	vst.idx.msk $0xffff, v3  }
0x1b4: {  	v3 =	vld [tilespmem:s5+$0xA450];
	_ =	sdelay $0x1  }
0x1b5: {  	v2 =	vadd.s32 v1, v2;
	_ =	sdelay $0x2  }
0x1b6: {  	v3 =	vmul.f32 $5.656854150e+00, v3;
	_ =	sdelay $0x1  }
0x1b7: {  	[tilespmem:v2+s30+$0x0] =	vst.idx.msk $0xffff, v3  }
0x1b8: {  	v2 =	vmov s18;
	v3 =	vld [tilespmem:s5+$0xA460]  }
0x1b9: {  	v2 =	vand.u32 $0x7F, v2  }
0x1ba: {  	v63 =	vadd.s32 v0, v2;
	_ =	sdelay $0x2  }
0x1bb: {  	v3 =	vmul.f32 $5.656854150e+00, v3;
	_ =	sdelay $0x1  }
0x1bc: {  	[tilespmem:v63+s30+$0x0] =	vst.idx.msk $0xffff, v3  }
0x1bd: {  	v3 =	vld [tilespmem:s5+$0xA470];
	_ =	sdelay $0x1  }
0x1be: {  	v2 =	vadd.s32 v1, v2  }
0x1bf: {  	s7 =	smul.u32 $0x140000, s16;
	_ =	sdelay $0x1  }
0x1c0: {  	s5 =	sor.u32 s6, s7;
	v3 =	vmul.f32 $5.656854150e+00, v3  }
0x1c1: {  	s5 =	sshrl.u32 s5, $0x3  }
0x1c2: {  	s10 =	simm.s32 $0x10400;
	s7 =	sadd.s32 s2, s5;
	[tilespmem:v2+s30+$0x0] =	vst.idx.msk $0xffff, v3  }
0x1c3: {  	[hbm4b:s7+s3] =	stream.linear.scatter [tilespmem:s10], [sflag:$0x3], $0x80, $0x38;
	[tilespmem:$0x1AE00] =	vst v63  }
0x1c4: {  	s13 =	simm.s32 $0x10488;
	s10 =	sadd.s32 $0x10, s7  }
0x1c5: {  	[hbm4b:s10+s3] =	stream.linear.scatter [tilespmem:s13], [sflag:$0x3], $0x80, $0x38;
	[tilespmem:$0x1AE00] =	vst v63  }
0x1c6: {  	s14 =	simm.s32 $0x10510;
	s18 =	sadd.s32 $0x20, s7  }
0x1c7: {  	[hbm4b:s18+s3] =	stream.linear.scatter [tilespmem:s14], [sflag:$0x3], $0x80, $0x38;
	[tilespmem:$0x1AE00] =	vst v63  }
0x1c8: {  	s10 =	simm.s32 $0x10598;
	s13 =	sadd.s32 $0x30, s7  }
0x1c9: {  	[hbm4b:s13+s3] =	stream.linear.scatter [tilespmem:s10], [sflag:$0x3], $0x80, $0x38;
	[tilespmem:$0x1AE00] =	vst v63  }
0x1ca: {  	s14 =	simm.s32 $0x10620;
	s18 =	sadd.s32 $0x40, s7  }
0x1cb: {  	[hbm4b:s18+s3] =	stream.linear.scatter [tilespmem:s14], [sflag:$0x3], $0x80, $0x38;
	[tilespmem:$0x1AE00] =	vst v63  }
0x1cc: {  	s5 =	simm.s32 $0x440;
	s10 =	simm.s32 $0x106A8;
	s13 =	sadd.s32 $0x50, s7  }
0x1cd: {  	[hbm4b:s13+s3] =	stream.linear.scatter [tilespmem:s10], [sflag:$0x3], $0x80, $0x38;
	[tilespmem:$0x1AE00] =	vst v63  }
0x1ce: {  	s14 =	simm.s32 $0x10730;
	s18 =	sadd.s32 $0x60, s7;
	s10 =	simm.s32 $0x2200  }
0x1cf: {  	[hbm4b:s18+s3] =	stream.linear.scatter [tilespmem:s14], [sflag:$0x3], $0x80, $0x38;
	[tilespmem:$0x1AE00] =	vst v63  }
0x1d0: {  	s13 =	simm.s32 $0x107B8;
	s18 =	sadd.s32 $0x70, s7;
	s7 =	sadd.s32 $0x1000, s7  }
.LBB2_13:
0x1d1: {  	[hbm4b:s18+s3] =	stream.linear.scatter [tilespmem:s13], [sflag:$0x3], $0x80, $0x38;
	[tilespmem:$0x1AE00] =	vst v63  }
0x1d2: {  	s13 =	smov.u32 s5;
	s5 =	smov.u32 s10  }
0x1d3: {  	s14 =	sadd.s32 $0x1100, s10;
	s5 =	sshra.s32 s5, $0x2;
	s18 =	sadd.s32 $0x10400, s13  }
0x1d4: {  	[hbm4b:s7+s3] =	stream.linear.scatter [tilespmem:s18], [sflag:$0x3], $0x80, $0x38;
	[tilespmem:$0x1AE00] =	vst v63  }
0x1d5: {  	p1 =	sne.s32 s10, $0x14300;
	s10 =	sadd.s32 $0x10488, s13;
	s18 =	sadd.s32 $0x10, s7  }
0x1d6: {  	[hbm4b:s18+s3] =	stream.linear.scatter [tilespmem:s10], [sflag:$0x3], $0x80, $0x38;
	[tilespmem:$0x1AE00] =	vst v63  }
0x1d7: {  	s10 =	sadd.s32 $0x10510, s13;
	s18 =	sadd.s32 $0x20, s7  }
0x1d8: {  	[hbm4b:s18+s3] =	stream.linear.scatter [tilespmem:s10], [sflag:$0x3], $0x80, $0x38;
	[tilespmem:$0x1AE00] =	vst v63  }
0x1d9: {  	s10 =	sadd.s32 $0x10598, s13;
	s18 =	sadd.s32 $0x30, s7  }
0x1da: {  	[hbm4b:s18+s3] =	stream.linear.scatter [tilespmem:s10], [sflag:$0x3], $0x80, $0x38;
	[tilespmem:$0x1AE00] =	vst v63  }
0x1db: {  	s10 =	sadd.s32 $0x10620, s13;
	s18 =	sadd.s32 $0x40, s7  }
0x1dc: {  	[hbm4b:s18+s3] =	stream.linear.scatter [tilespmem:s10], [sflag:$0x3], $0x80, $0x38;
	[tilespmem:$0x1AE00] =	vst v63  }
.Ltmp5:
0x1dd: {  	s10 =	sadd.s32 $0x106A8, s13;
	s18 =	sadd.s32 $0x50, s7;
	(pc) =	sbr.rel @p1 .LBB2_13-.Ltmp5, $4  }
0x1de: {  	[hbm4b:s18+s3] =	stream.linear.scatter [tilespmem:s10], [sflag:$0x3], $0x80, $0x38;
	[tilespmem:$0x1AE00] =	vst v63  }
0x1df: {  	s10 =	sadd.s32 $0x10730, s13;
	s18 =	sadd.s32 $0x60, s7;
	s13 =	sadd.s32 $0x107B8, s13  }
0x1e0: {  	[hbm4b:s18+s3] =	stream.linear.scatter [tilespmem:s10], [sflag:$0x3], $0x80, $0x38;
	[tilespmem:$0x1AE00] =	vst v63  }
0x1e1: {  	s18 =	sadd.s32 $0x70, s7;
	s7 =	sadd.s32 $0x1000, s7;
	s10 =	smov.u32 s14  }
0x1e2: {  	[hbm4b:s18+s3] =	stream.linear.scatter [tilespmem:s13], [sflag:$0x3], $0x80, $0x38;
	[tilespmem:$0x1AE00] =	vst v63  }
0x1e3: {  	s10 =	sadd.s32 $0x10400, s5  }
0x1e4: {  	[hbm4b:s7+s3] =	stream.linear.scatter [tilespmem:s10], [sflag:$0x3], $0x80, $0x38;
	[tilespmem:$0x1AE00] =	vst v63  }
0x1e5: {  	s14 =	sadd.s32 $0x10488, s5;
	s18 =	sadd.s32 $0x10, s7  }
0x1e6: {  	[hbm4b:s18+s3] =	stream.linear.scatter [tilespmem:s14], [sflag:$0x3], $0x80, $0x38;
	[tilespmem:$0x1AE00] =	vst v63  }
0x1e7: {  	s14 =	sadd.s32 $0x10510, s5;
	s18 =	sadd.s32 $0x20, s7  }
0x1e8: {  	[hbm4b:s18+s3] =	stream.linear.scatter [tilespmem:s14], [sflag:$0x3], $0x80, $0x38;
	[tilespmem:$0x1AE00] =	vst v63  }
0x1e9: {  	s14 =	sadd.s32 $0x10598, s5;
	s18 =	sadd.s32 $0x30, s7  }
0x1ea: {  	[hbm4b:s18+s3] =	stream.linear.scatter [tilespmem:s14], [sflag:$0x3], $0x80, $0x38;
	[tilespmem:$0x1AE00] =	vst v63  }
0x1eb: {  	s14 =	sadd.s32 $0x10620, s5;
	s18 =	sadd.s32 $0x40, s7  }
0x1ec: {  	[hbm4b:s18+s3] =	stream.linear.scatter [tilespmem:s14], [sflag:$0x3], $0x80, $0x38;
	[tilespmem:$0x1AE00] =	vst v63  }
0x1ed: {  	p1 =	seq.s32 s16, $0x13;
	s14 =	sadd.s32 $0x106A8, s5;
	s18 =	sadd.s32 $0x50, s7  }
0x1ee: {  	[hbm4b:s18+s3] =	stream.linear.scatter [tilespmem:s14], [sflag:$0x3], $0x80, $0x38;
	[tilespmem:$0x1AE00] =	vst v63  }
0x1ef: {  	s10 =	smul.u32 @!p1 $0x1400, s16;
	s14 =	sadd.s32 $0x10730, s5;
	s18 =	sadd.s32 $0x60, s7  }
0x1f0: {  	[hbm4b:s18+s3] =	stream.linear.scatter [tilespmem:s14], [sflag:$0x3], $0x80, $0x38;
	[tilespmem:$0x1AE00] =	vst v63  }
0x1f1: {  	s14 =	sadd.s32 $0x107B8, s5;
	s18 =	sadd.s32 $0x70, s7;
	s5 =	sshra.s32 @!p1 s10, $0x2  }
0x1f2: {  	[hbm4b:s18+s3] =	stream.linear.scatter [tilespmem:s14], [sflag:$0x3], $0x80, $0x38;
	[tilespmem:$0x1AE00] =	vst v63  }
0x1f3: {  	s13 =	simm.s32 @!p1 $0x6400;
	s10 =	simm.s32 @!p1 $0x80;
	s7 =	sadd.s32 @!p1 $0x500, s5  }
0x1f4: {  	[tilespmem:s13], [sflag:$0x1] =	stream.indirect.gather @!p1 [hbm4b:s4+s10], $0x20, s7, s10, $0xb8;
	[tilespmem:$0x1AE00] =	vst v63  }
0x1f5: {  	s7 =	sadd.s32 @!p1 $0x580, s5;
	s13 =	simm.s32 @!p1 $0x7400  }
0x1f6: {  	[tilespmem:s13], [sflag:$0x1] =	stream.indirect.gather @!p1 [hbm4b:s4+s10], $0x20, s7, s10, $0xb8;
	[tilespmem:$0x1AE00] =	vst v63  }
0x1f7: {  	s7 =	sadd.s32 @!p1 $0x600, s5;
	s13 =	simm.s32 @!p1 $0x8400  }
0x1f8: {  	[tilespmem:s13], [sflag:$0x1] =	stream.indirect.gather @!p1 [hbm4b:s4+s10], $0x20, s7, s10, $0xb8;
	[tilespmem:$0x1AE00] =	vst v63  }
0x1f9: {  	s7 =	sadd.s32 @!p1 $0x680, s5;
	s13 =	simm.s32 @!p1 $0x9400  }
0x1fa: {  	[tilespmem:s13], [sflag:$0x1] =	stream.indirect.gather @!p1 [hbm4b:s4+s10], $0x20, s7, s10, $0xb8;
	[tilespmem:$0x1AE00] =	vst v63  }
0x1fb: {  	s5 =	sadd.s32 @!p1 $0x700, s5;
	s7 =	simm.s32 @!p1 $0xA400  }
0x1fc: {  	[tilespmem:s7], [sflag:$0x1] =	stream.indirect.gather @!p1 [hbm4b:s4+s10], $0x20, s5, s10, $0xb8;
	[tilespmem:$0x1AE00] =	vst v63  }
0x1fd: {  	_ =	swait.ge [sflag:s31], $0x1000  }
0x1fe: {  	[sflag:s31] =	ssyncset.done $0x0  }
0x1ff: {  	[sflag:s31] =	ssyncadd.s32 $0xFFFFF000  }
0x200: {  	_ =	swait.ge [sflag:s31], $0x1000  }
0x201: {  	[sflag:s31] =	ssyncset.done $0x0  }
0x202: {  	[sflag:s31] =	ssyncadd.s32 $0xFFFFF000  }
0x203: {  	_ =	swait.ge [sflag:s31], $0x1000  }
0x204: {  	[sflag:s31] =	ssyncset.done $0x0  }
0x205: {  	[sflag:s31] =	ssyncadd.s32 $0xFFFFF000  }
0x206: {  	_ =	swait.ge [sflag:s31], $0x1000  }
0x207: {  	[sflag:s31] =	ssyncset.done $0x0  }
0x208: {  	[sflag:s31] =	ssyncadd.s32 $0xFFFFF000  }
0x209: {  	_ =	swait.ge [sflag:s31], $0x1000  }
0x20a: {  	[sflag:s31] =	ssyncset.done $0x0  }
0x20b: {  	s5 =	simm.s32 @!p0 $0x4;
	[sflag:s31] =	ssyncadd.s32 $0xFFFFF000  }
0x20c: {  	_ =	swait.ge @!p0 [sflag:s5], $0x5000  }
0x20d: {  	[sflag:s5] =	ssyncset.done @!p0 $0x0  }
0x20e: {  	s18 =	simm.s32 $0xB440;
	s7 =	simm.s32 $0x0;
	[sflag:s5] =	ssyncadd.s32 @!p0 $0xFFFFB000  }
0x20f: {  	v2 =	vmov s7;
	v3 =	vld [tilespmem:s18+$0xFFFFFFC0]  }
0x210: {  	v4 =	vand.u32 $0x7C, v2  }
0x211: {  	v2 =	vadd.s32 v0, v4;
	_ =	sdelay $0x2  }
0x212: {  	v3 =	vmul.f32 $5.656854150e+00, v3;
	_ =	sdelay $0x1  }
0x213: {  	[tilespmem:v2+s1+$0x0] =	vst.idx.msk $0xffff, v3  }
0x214: {  	v5 =	vld [tilespmem:s18+$0xFFFFFFD0];
	_ =	sdelay $0x1  }
0x215: {  	v3 =	vadd.s32 v1, v4;
	_ =	sdelay $0x2  }
0x216: {  	v4 =	vmul.f32 $5.656854150e+00, v5;
	_ =	sdelay $0x1  }
0x217: {  	s10 =	simm.s32 $0x1;
	[tilespmem:v3+s1+$0x0] =	vst.idx.msk $0xffff, v4  }
0x218: {  	v4 =	vmov s10;
	v5 =	vld [tilespmem:s18+$0xFFFFFFE0]  }
0x219: {  	v6 =	vand.u32 $0x7D, v4  }
0x21a: {  	v4 =	vadd.s32 v0, v6;
	_ =	sdelay $0x2  }
0x21b: {  	v5 =	vmul.f32 $5.656854150e+00, v5;
	_ =	sdelay $0x1  }
0x21c: {  	[tilespmem:v4+s1+$0x0] =	vst.idx.msk $0xffff, v5  }
0x21d: {  	v7 =	vld [tilespmem:s18+$0xFFFFFFF0];
	_ =	sdelay $0x1  }
0x21e: {  	v5 =	vadd.s32 v1, v6;
	_ =	sdelay $0x2  }
0x21f: {  	v6 =	vmul.f32 $5.656854150e+00, v7;
	_ =	sdelay $0x1  }
0x220: {  	s13 =	simm.s32 $0x2;
	[tilespmem:v5+s1+$0x0] =	vst.idx.msk $0xffff, v6  }
0x221: {  	v6 =	vmov s13;
	v7 =	vld [tilespmem:s18+$0x0]  }
0x222: {  	v8 =	vand.u32 $0x7E, v6  }
0x223: {  	v6 =	vadd.s32 v0, v8;
	_ =	sdelay $0x2  }
0x224: {  	v7 =	vmul.f32 $5.656854150e+00, v7;
	_ =	sdelay $0x1  }
0x225: {  	[tilespmem:v6+s1+$0x0] =	vst.idx.msk $0xffff, v7  }
0x226: {  	v9 =	vld [tilespmem:s18+$0x10];
	_ =	sdelay $0x1  }
0x227: {  	v7 =	vadd.s32 v1, v8;
	_ =	sdelay $0x2  }
0x228: {  	v8 =	vmul.f32 $5.656854150e+00, v9;
	_ =	sdelay $0x1  }
0x229: {  	s14 =	simm.s32 $0x3;
	[tilespmem:v7+s1+$0x0] =	vst.idx.msk $0xffff, v8  }
0x22a: {  	v8 =	vmov s14;
	v10 =	vld [tilespmem:s18+$0x20]  }
0x22b: {  	v8 =	vand.u32 $0x7F, v8  }
0x22c: {  	v9 =	vadd.s32 v0, v8;
	_ =	sdelay $0x2  }
0x22d: {  	v10 =	vmul.f32 $5.656854150e+00, v10;
	_ =	sdelay $0x1  }
0x22e: {  	[tilespmem:v9+s1+$0x0] =	vst.idx.msk $0xffff, v10  }
0x22f: {  	v11 =	vld [tilespmem:s18+$0x30];
	_ =	sdelay $0x1  }
0x230: {  	v10 =	vadd.s32 v1, v8;
	_ =	sdelay $0x2  }
0x231: {  	s5 =	simm.s32 $0x4;
	v11 =	vmul.f32 $5.656854150e+00, v11  }
.LBB2_15:
0x232: {  	p0 =	sne.s32 s5, $0x7C  }
0x233: {  	s18 =	sadd.s32 $0x80, s18;
	s7 =	smov.u32 s5;
	s5 =	sadd.s32 $0x4, s5;
	[tilespmem:v10+s1+$0x0] =	vst.idx.msk $0xffff, v11  }
0x234: {  	v10 =	vmov s7;
	v11 =	vld [tilespmem:s18+$0xFFFFFFC0]  }
0x235: {  	v10 =	vand.u32 $0x7C, v10  }
0x236: {  	v12 =	vadd.s32 v0, v10;
	_ =	sdelay $0x2  }
0x237: {  	v11 =	vmul.f32 $5.656854150e+00, v11;
	_ =	sdelay $0x1  }
0x238: {  	[tilespmem:v12+s1+$0x0] =	vst.idx.msk $0xffff, v11  }
0x239: {  	v11 =	vld [tilespmem:s18+$0xFFFFFFD0];
	_ =	sdelay $0x1  }
0x23a: {  	v10 =	vadd.s32 v1, v10;
	_ =	sdelay $0x2  }
0x23b: {  	v11 =	vmul.f32 $5.656854150e+00, v11;
	_ =	sdelay $0x1  }
0x23c: {  	s10 =	sadd.s32 $0x1, s7;
	[tilespmem:v10+s1+$0x0] =	vst.idx.msk $0xffff, v11  }
0x23d: {  	v10 =	vmov s10;
	v11 =	vld [tilespmem:s18+$0xFFFFFFE0]  }
0x23e: {  	v10 =	vand.u32 $0x7D, v10  }
0x23f: {  	v12 =	vadd.s32 v0, v10;
	_ =	sdelay $0x2  }
0x240: {  	v11 =	vmul.f32 $5.656854150e+00, v11;
	_ =	sdelay $0x1  }
0x241: {  	[tilespmem:v12+s1+$0x0] =	vst.idx.msk $0xffff, v11  }
0x242: {  	v11 =	vld [tilespmem:s18+$0xFFFFFFF0];
	_ =	sdelay $0x1  }
0x243: {  	v10 =	vadd.s32 v1, v10;
	_ =	sdelay $0x2  }
0x244: {  	v11 =	vmul.f32 $5.656854150e+00, v11;
	_ =	sdelay $0x1  }
0x245: {  	s10 =	sadd.s32 $0x2, s7;
	[tilespmem:v10+s1+$0x0] =	vst.idx.msk $0xffff, v11  }
0x246: {  	v10 =	vmov s10;
	v11 =	vld [tilespmem:s18+$0x0]  }
0x247: {  	v10 =	vand.u32 $0x7E, v10  }
0x248: {  	v12 =	vadd.s32 v0, v10;
	_ =	sdelay $0x2  }
0x249: {  	v11 =	vmul.f32 $5.656854150e+00, v11;
	_ =	sdelay $0x1  }
0x24a: {  	[tilespmem:v12+s1+$0x0] =	vst.idx.msk $0xffff, v11  }
0x24b: {  	v11 =	vld [tilespmem:s18+$0x10];
	_ =	sdelay $0x1  }
0x24c: {  	v10 =	vadd.s32 v1, v10;
	_ =	sdelay $0x2  }
0x24d: {  	v11 =	vmul.f32 $5.656854150e+00, v11;
	_ =	sdelay $0x1  }
0x24e: {  	s7 =	sadd.s32 $0x3, s7;
	[tilespmem:v10+s1+$0x0] =	vst.idx.msk $0xffff, v11  }
0x24f: {  	v10 =	vmov s7;
	v11 =	vld [tilespmem:s18+$0x20]  }
0x250: {  	v10 =	vand.u32 $0x7F, v10  }
0x251: {  	v12 =	vadd.s32 v0, v10;
	_ =	sdelay $0x2  }
0x252: {  	v11 =	vmul.f32 $5.656854150e+00, v11;
	_ =	sdelay $0x1  }
0x253: {  	[tilespmem:v12+s1+$0x0] =	vst.idx.msk $0xffff, v11  }
0x254: {  	v11 =	vld [tilespmem:s18+$0x30]  }
.Ltmp6:
0x255: {  	(pc) =	sbr.rel @p0 .LBB2_15-.Ltmp6, $2  }
0x256: {  	v10 =	vadd.s32 v1, v10;
	_ =	sdelay $0x2  }
0x257: {  	v11 =	vmul.f32 $5.656854150e+00, v11  }
0x258: {  	_ =	sdelay $0x3  }
0x259: {  	s18 =	simm.s32 $0xC470;
	[tilespmem:v10+s1+$0x0] =	vst.idx.msk $0xffff, v11  }
0x25a: {  	v10 =	vld [tilespmem:s18+$0xFFFFFF90];
	_ =	sdelay $0x4  }
0x25b: {  	v10 =	vmul.f32 $5.656854150e+00, v10;
	_ =	sdelay $0x1  }
0x25c: {  	[tilespmem:v2+s0+$0x0] =	vst.idx.msk $0xffff, v10  }
0x25d: {  	v2 =	vld [tilespmem:s18+$0xFFFFFFA0];
	_ =	sdelay $0x4  }
0x25e: {  	v2 =	vmul.f32 $5.656854150e+00, v2;
	_ =	sdelay $0x1  }
0x25f: {  	[tilespmem:v3+s0+$0x0] =	vst.idx.msk $0xffff, v2  }
0x260: {  	v2 =	vld [tilespmem:s18+$0xFFFFFFB0];
	_ =	sdelay $0x4  }
0x261: {  	v2 =	vmul.f32 $5.656854150e+00, v2;
	_ =	sdelay $0x1  }
0x262: {  	[tilespmem:v4+s0+$0x0] =	vst.idx.msk $0xffff, v2  }
0x263: {  	v2 =	vld [tilespmem:s18+$0xFFFFFFC0];
	_ =	sdelay $0x4  }
0x264: {  	v2 =	vmul.f32 $5.656854150e+00, v2;
	_ =	sdelay $0x1  }
0x265: {  	[tilespmem:v5+s0+$0x0] =	vst.idx.msk $0xffff, v2  }
0x266: {  	v2 =	vld [tilespmem:s18+$0xFFFFFFD0];
	_ =	sdelay $0x4  }
0x267: {  	v2 =	vmul.f32 $5.656854150e+00, v2;
	_ =	sdelay $0x1  }
0x268: {  	[tilespmem:v6+s0+$0x0] =	vst.idx.msk $0xffff, v2  }
0x269: {  	v2 =	vld [tilespmem:s18+$0xFFFFFFE0];
	_ =	sdelay $0x4  }
0x26a: {  	v2 =	vmul.f32 $5.656854150e+00, v2;
	_ =	sdelay $0x1  }
0x26b: {  	[tilespmem:v7+s0+$0x0] =	vst.idx.msk $0xffff, v2  }
0x26c: {  	v2 =	vld [tilespmem:s18+$0xFFFFFFF0];
	_ =	sdelay $0x4  }
0x26d: {  	v2 =	vmul.f32 $5.656854150e+00, v2;
	_ =	sdelay $0x1  }
0x26e: {  	[tilespmem:v9+s0+$0x0] =	vst.idx.msk $0xffff, v2  }
0x26f: {  	v3 =	vld [tilespmem:s18+$0x0];
	_ =	sdelay $0x1  }
0x270: {  	v2 =	vadd.s32 v1, v8;
	_ =	sdelay $0x2  }
0x271: {  	s5 =	simm.s32 $0x4;
	v3 =	vmul.f32 $5.656854150e+00, v3  }
.LBB2_17:
0x272: {  	p0 =	sne.s32 s5, $0x7C  }
0x273: {  	s18 =	sadd.s32 $0x80, s18;
	s7 =	smov.u32 s5;
	s5 =	sadd.s32 $0x4, s5;
	[tilespmem:v2+s0+$0x0] =	vst.idx.msk $0xffff, v3  }
0x274: {  	v2 =	vmov s7;
	v3 =	vld [tilespmem:s18+$0xFFFFFF90]  }
0x275: {  	v2 =	vand.u32 $0x7C, v2  }
0x276: {  	v4 =	vadd.s32 v0, v2;
	_ =	sdelay $0x2  }
0x277: {  	v3 =	vmul.f32 $5.656854150e+00, v3;
	_ =	sdelay $0x1  }
0x278: {  	[tilespmem:v4+s0+$0x0] =	vst.idx.msk $0xffff, v3  }
0x279: {  	v3 =	vld [tilespmem:s18+$0xFFFFFFA0];
	_ =	sdelay $0x1  }
0x27a: {  	v2 =	vadd.s32 v1, v2;
	_ =	sdelay $0x2  }
0x27b: {  	v3 =	vmul.f32 $5.656854150e+00, v3;
	_ =	sdelay $0x1  }
0x27c: {  	s10 =	sadd.s32 $0x1, s7;
	[tilespmem:v2+s0+$0x0] =	vst.idx.msk $0xffff, v3  }
0x27d: {  	v2 =	vmov s10;
	v3 =	vld [tilespmem:s18+$0xFFFFFFB0]  }
0x27e: {  	v2 =	vand.u32 $0x7D, v2  }
0x27f: {  	v4 =	vadd.s32 v0, v2;
	_ =	sdelay $0x2  }
0x280: {  	v3 =	vmul.f32 $5.656854150e+00, v3;
	_ =	sdelay $0x1  }
0x281: {  	[tilespmem:v4+s0+$0x0] =	vst.idx.msk $0xffff, v3  }
0x282: {  	v3 =	vld [tilespmem:s18+$0xFFFFFFC0];
	_ =	sdelay $0x1  }
0x283: {  	v2 =	vadd.s32 v1, v2;
	_ =	sdelay $0x2  }
0x284: {  	v3 =	vmul.f32 $5.656854150e+00, v3;
	_ =	sdelay $0x1  }
0x285: {  	s10 =	sadd.s32 $0x2, s7;
	[tilespmem:v2+s0+$0x0] =	vst.idx.msk $0xffff, v3  }
0x286: {  	v2 =	vmov s10;
	v3 =	vld [tilespmem:s18+$0xFFFFFFD0]  }
0x287: {  	v2 =	vand.u32 $0x7E, v2  }
0x288: {  	v4 =	vadd.s32 v0, v2;
	_ =	sdelay $0x2  }
0x289: {  	v3 =	vmul.f32 $5.656854150e+00, v3;
	_ =	sdelay $0x1  }
0x28a: {  	[tilespmem:v4+s0+$0x0] =	vst.idx.msk $0xffff, v3  }
0x28b: {  	v3 =	vld [tilespmem:s18+$0xFFFFFFE0];
	_ =	sdelay $0x1  }
0x28c: {  	v2 =	vadd.s32 v1, v2;
	_ =	sdelay $0x2  }
0x28d: {  	v3 =	vmul.f32 $5.656854150e+00, v3;
	_ =	sdelay $0x1  }
0x28e: {  	s7 =	sadd.s32 $0x3, s7;
	[tilespmem:v2+s0+$0x0] =	vst.idx.msk $0xffff, v3  }
0x28f: {  	v2 =	vmov s7;
	v3 =	vld [tilespmem:s18+$0xFFFFFFF0]  }
0x290: {  	v2 =	vand.u32 $0x7F, v2  }
0x291: {  	v4 =	vadd.s32 v0, v2;
	_ =	sdelay $0x2  }
0x292: {  	v3 =	vmul.f32 $5.656854150e+00, v3;
	_ =	sdelay $0x1  }
0x293: {  	[tilespmem:v4+s0+$0x0] =	vst.idx.msk $0xffff, v3  }
0x294: {  	v3 =	vld [tilespmem:s18+$0x0]  }
.Ltmp7:
0x295: {  	(pc) =	sbr.rel @p0 .LBB2_17-.Ltmp7, $2  }
0x296: {  	v2 =	vadd.s32 v1, v2;
	_ =	sdelay $0x2  }
0x297: {  	v3 =	vmul.f32 $5.656854150e+00, v3  }
0x298: {  	_ =	sdelay $0x3  }
0x299: {  	s5 =	simm.s32 $0x0;
	s18 =	simm.s32 $0xD470;
	[tilespmem:v2+s0+$0x0] =	vst.idx.msk $0xffff, v3  }
0x29a: {  	v2 =	vmov s5;
	v3 =	vld [tilespmem:s18+$0xFFFFFF90]  }
0x29b: {  	v4 =	vand.u32 $0x7C, v2  }
0x29c: {  	v2 =	vadd.s32 v0, v4;
	_ =	sdelay $0x2  }
0x29d: {  	v3 =	vmul.f32 $5.656854150e+00, v3;
	_ =	sdelay $0x1  }
0x29e: {  	[tilespmem:v2+s9+$0x0] =	vst.idx.msk $0xffff, v3  }
0x29f: {  	v5 =	vld [tilespmem:s18+$0xFFFFFFA0];
	_ =	sdelay $0x1  }
0x2a0: {  	v3 =	vadd.s32 v1, v4;
	_ =	sdelay $0x2  }
0x2a1: {  	v4 =	vmul.f32 $5.656854150e+00, v5;
	_ =	sdelay $0x1  }
0x2a2: {  	s10 =	simm.s32 $0x1;
	[tilespmem:v3+s9+$0x0] =	vst.idx.msk $0xffff, v4  }
0x2a3: {  	v4 =	vmov s10;
	v5 =	vld [tilespmem:s18+$0xFFFFFFB0]  }
0x2a4: {  	v6 =	vand.u32 $0x7D, v4  }
0x2a5: {  	v4 =	vadd.s32 v0, v6;
	_ =	sdelay $0x2  }
0x2a6: {  	v5 =	vmul.f32 $5.656854150e+00, v5;
	_ =	sdelay $0x1  }
0x2a7: {  	[tilespmem:v4+s9+$0x0] =	vst.idx.msk $0xffff, v5  }
0x2a8: {  	v7 =	vld [tilespmem:s18+$0xFFFFFFC0];
	_ =	sdelay $0x1  }
0x2a9: {  	v5 =	vadd.s32 v1, v6;
	_ =	sdelay $0x2  }
0x2aa: {  	v6 =	vmul.f32 $5.656854150e+00, v7;
	_ =	sdelay $0x1  }
0x2ab: {  	s13 =	simm.s32 $0x2;
	[tilespmem:v5+s9+$0x0] =	vst.idx.msk $0xffff, v6  }
0x2ac: {  	v6 =	vmov s13;
	v7 =	vld [tilespmem:s18+$0xFFFFFFD0]  }
0x2ad: {  	v8 =	vand.u32 $0x7E, v6  }
0x2ae: {  	v6 =	vadd.s32 v0, v8;
	_ =	sdelay $0x2  }
0x2af: {  	v7 =	vmul.f32 $5.656854150e+00, v7;
	_ =	sdelay $0x1  }
0x2b0: {  	[tilespmem:v6+s9+$0x0] =	vst.idx.msk $0xffff, v7  }
0x2b1: {  	v9 =	vld [tilespmem:s18+$0xFFFFFFE0];
	_ =	sdelay $0x1  }
0x2b2: {  	v7 =	vadd.s32 v1, v8;
	_ =	sdelay $0x2  }
0x2b3: {  	v8 =	vmul.f32 $5.656854150e+00, v9;
	_ =	sdelay $0x1  }
0x2b4: {  	s14 =	simm.s32 $0x3;
	[tilespmem:v7+s9+$0x0] =	vst.idx.msk $0xffff, v8  }
0x2b5: {  	v8 =	vmov s14;
	v10 =	vld [tilespmem:s18+$0xFFFFFFF0]  }
0x2b6: {  	v8 =	vand.u32 $0x7F, v8  }
0x2b7: {  	v9 =	vadd.s32 v0, v8;
	_ =	sdelay $0x2  }
0x2b8: {  	v10 =	vmul.f32 $5.656854150e+00, v10;
	_ =	sdelay $0x1  }
0x2b9: {  	[tilespmem:v9+s9+$0x0] =	vst.idx.msk $0xffff, v10  }
0x2ba: {  	v11 =	vld [tilespmem:s18+$0x0];
	_ =	sdelay $0x1  }
0x2bb: {  	v10 =	vadd.s32 v1, v8;
	_ =	sdelay $0x2  }
0x2bc: {  	s5 =	simm.s32 $0x4;
	v11 =	vmul.f32 $5.656854150e+00, v11  }
.LBB2_19:
0x2bd: {  	p0 =	sne.s32 s5, $0x7C  }
0x2be: {  	s18 =	sadd.s32 $0x80, s18;
	s7 =	smov.u32 s5;
	s5 =	sadd.s32 $0x4, s5;
	[tilespmem:v10+s9+$0x0] =	vst.idx.msk $0xffff, v11  }
0x2bf: {  	v10 =	vmov s7;
	v11 =	vld [tilespmem:s18+$0xFFFFFF90]  }
0x2c0: {  	v10 =	vand.u32 $0x7C, v10  }
0x2c1: {  	v12 =	vadd.s32 v0, v10;
	_ =	sdelay $0x2  }
0x2c2: {  	v11 =	vmul.f32 $5.656854150e+00, v11;
	_ =	sdelay $0x1  }
0x2c3: {  	[tilespmem:v12+s9+$0x0] =	vst.idx.msk $0xffff, v11  }
0x2c4: {  	v11 =	vld [tilespmem:s18+$0xFFFFFFA0];
	_ =	sdelay $0x1  }
0x2c5: {  	v10 =	vadd.s32 v1, v10;
	_ =	sdelay $0x2  }
0x2c6: {  	v11 =	vmul.f32 $5.656854150e+00, v11;
	_ =	sdelay $0x1  }
0x2c7: {  	s10 =	sadd.s32 $0x1, s7;
	[tilespmem:v10+s9+$0x0] =	vst.idx.msk $0xffff, v11  }
0x2c8: {  	v10 =	vmov s10;
	v11 =	vld [tilespmem:s18+$0xFFFFFFB0]  }
0x2c9: {  	v10 =	vand.u32 $0x7D, v10  }
0x2ca: {  	v12 =	vadd.s32 v0, v10;
	_ =	sdelay $0x2  }
0x2cb: {  	v11 =	vmul.f32 $5.656854150e+00, v11;
	_ =	sdelay $0x1  }
0x2cc: {  	[tilespmem:v12+s9+$0x0] =	vst.idx.msk $0xffff, v11  }
0x2cd: {  	v11 =	vld [tilespmem:s18+$0xFFFFFFC0];
	_ =	sdelay $0x1  }
0x2ce: {  	v10 =	vadd.s32 v1, v10;
	_ =	sdelay $0x2  }
0x2cf: {  	v11 =	vmul.f32 $5.656854150e+00, v11;
	_ =	sdelay $0x1  }
0x2d0: {  	s10 =	sadd.s32 $0x2, s7;
	[tilespmem:v10+s9+$0x0] =	vst.idx.msk $0xffff, v11  }
0x2d1: {  	v10 =	vmov s10;
	v11 =	vld [tilespmem:s18+$0xFFFFFFD0]  }
0x2d2: {  	v10 =	vand.u32 $0x7E, v10  }
0x2d3: {  	v12 =	vadd.s32 v0, v10;
	_ =	sdelay $0x2  }
0x2d4: {  	v11 =	vmul.f32 $5.656854150e+00, v11;
	_ =	sdelay $0x1  }
0x2d5: {  	[tilespmem:v12+s9+$0x0] =	vst.idx.msk $0xffff, v11  }
0x2d6: {  	v11 =	vld [tilespmem:s18+$0xFFFFFFE0];
	_ =	sdelay $0x1  }
0x2d7: {  	v10 =	vadd.s32 v1, v10;
	_ =	sdelay $0x2  }
0x2d8: {  	v11 =	vmul.f32 $5.656854150e+00, v11;
	_ =	sdelay $0x1  }
0x2d9: {  	s7 =	sadd.s32 $0x3, s7;
	[tilespmem:v10+s9+$0x0] =	vst.idx.msk $0xffff, v11  }
0x2da: {  	v10 =	vmov s7;
	v11 =	vld [tilespmem:s18+$0xFFFFFFF0]  }
0x2db: {  	v10 =	vand.u32 $0x7F, v10  }
0x2dc: {  	v12 =	vadd.s32 v0, v10;
	_ =	sdelay $0x2  }
0x2dd: {  	v11 =	vmul.f32 $5.656854150e+00, v11;
	_ =	sdelay $0x1  }
0x2de: {  	[tilespmem:v12+s9+$0x0] =	vst.idx.msk $0xffff, v11  }
0x2df: {  	v11 =	vld [tilespmem:s18+$0x0]  }
.Ltmp8:
0x2e0: {  	(pc) =	sbr.rel @p0 .LBB2_19-.Ltmp8, $2  }
0x2e1: {  	v10 =	vadd.s32 v1, v10;
	_ =	sdelay $0x2  }
0x2e2: {  	v11 =	vmul.f32 $5.656854150e+00, v11  }
0x2e3: {  	_ =	sdelay $0x3  }
0x2e4: {  	s18 =	simm.s32 $0xE470;
	[tilespmem:v10+s9+$0x0] =	vst.idx.msk $0xffff, v11  }
0x2e5: {  	v10 =	vld [tilespmem:s18+$0xFFFFFF90];
	_ =	sdelay $0x4  }
0x2e6: {  	v10 =	vmul.f32 $5.656854150e+00, v10;
	_ =	sdelay $0x1  }
0x2e7: {  	[tilespmem:v2+s11+$0x0] =	vst.idx.msk $0xffff, v10  }
0x2e8: {  	v2 =	vld [tilespmem:s18+$0xFFFFFFA0];
	_ =	sdelay $0x4  }
0x2e9: {  	v2 =	vmul.f32 $5.656854150e+00, v2;
	_ =	sdelay $0x1  }
0x2ea: {  	[tilespmem:v3+s11+$0x0] =	vst.idx.msk $0xffff, v2  }
0x2eb: {  	v2 =	vld [tilespmem:s18+$0xFFFFFFB0];
	_ =	sdelay $0x4  }
0x2ec: {  	v2 =	vmul.f32 $5.656854150e+00, v2;
	_ =	sdelay $0x1  }
0x2ed: {  	[tilespmem:v4+s11+$0x0] =	vst.idx.msk $0xffff, v2  }
0x2ee: {  	v2 =	vld [tilespmem:s18+$0xFFFFFFC0];
	_ =	sdelay $0x4  }
0x2ef: {  	v2 =	vmul.f32 $5.656854150e+00, v2;
	_ =	sdelay $0x1  }
0x2f0: {  	[tilespmem:v5+s11+$0x0] =	vst.idx.msk $0xffff, v2  }
0x2f1: {  	v2 =	vld [tilespmem:s18+$0xFFFFFFD0];
	_ =	sdelay $0x4  }
0x2f2: {  	v2 =	vmul.f32 $5.656854150e+00, v2;
	_ =	sdelay $0x1  }
0x2f3: {  	[tilespmem:v6+s11+$0x0] =	vst.idx.msk $0xffff, v2  }
0x2f4: {  	v2 =	vld [tilespmem:s18+$0xFFFFFFE0];
	_ =	sdelay $0x4  }
0x2f5: {  	v2 =	vmul.f32 $5.656854150e+00, v2;
	_ =	sdelay $0x1  }
0x2f6: {  	[tilespmem:v7+s11+$0x0] =	vst.idx.msk $0xffff, v2  }
0x2f7: {  	v2 =	vld [tilespmem:s18+$0xFFFFFFF0];
	_ =	sdelay $0x4  }
0x2f8: {  	v2 =	vmul.f32 $5.656854150e+00, v2;
	_ =	sdelay $0x1  }
0x2f9: {  	[tilespmem:v9+s11+$0x0] =	vst.idx.msk $0xffff, v2  }
0x2fa: {  	v3 =	vld [tilespmem:s18+$0x0];
	_ =	sdelay $0x1  }
0x2fb: {  	v2 =	vadd.s32 v1, v8;
	_ =	sdelay $0x2  }
0x2fc: {  	s5 =	simm.s32 $0x4;
	v3 =	vmul.f32 $5.656854150e+00, v3  }
.LBB2_21:
0x2fd: {  	p0 =	sne.s32 s5, $0x7C  }
0x2fe: {  	s18 =	sadd.s32 $0x80, s18;
	s7 =	smov.u32 s5;
	s5 =	sadd.s32 $0x4, s5;
	[tilespmem:v2+s11+$0x0] =	vst.idx.msk $0xffff, v3  }
0x2ff: {  	v2 =	vmov s7;
	v3 =	vld [tilespmem:s18+$0xFFFFFF90]  }
0x300: {  	v2 =	vand.u32 $0x7C, v2  }
0x301: {  	v4 =	vadd.s32 v0, v2;
	_ =	sdelay $0x2  }
0x302: {  	v3 =	vmul.f32 $5.656854150e+00, v3;
	_ =	sdelay $0x1  }
0x303: {  	[tilespmem:v4+s11+$0x0] =	vst.idx.msk $0xffff, v3  }
0x304: {  	v3 =	vld [tilespmem:s18+$0xFFFFFFA0];
	_ =	sdelay $0x1  }
0x305: {  	v2 =	vadd.s32 v1, v2;
	_ =	sdelay $0x2  }
0x306: {  	v3 =	vmul.f32 $5.656854150e+00, v3;
	_ =	sdelay $0x1  }
0x307: {  	s10 =	sadd.s32 $0x1, s7;
	[tilespmem:v2+s11+$0x0] =	vst.idx.msk $0xffff, v3  }
0x308: {  	v2 =	vmov s10;
	v3 =	vld [tilespmem:s18+$0xFFFFFFB0]  }
0x309: {  	v2 =	vand.u32 $0x7D, v2  }
0x30a: {  	v4 =	vadd.s32 v0, v2;
	_ =	sdelay $0x2  }
0x30b: {  	v3 =	vmul.f32 $5.656854150e+00, v3;
	_ =	sdelay $0x1  }
0x30c: {  	[tilespmem:v4+s11+$0x0] =	vst.idx.msk $0xffff, v3  }
0x30d: {  	v3 =	vld [tilespmem:s18+$0xFFFFFFC0];
	_ =	sdelay $0x1  }
0x30e: {  	v2 =	vadd.s32 v1, v2;
	_ =	sdelay $0x2  }
0x30f: {  	v3 =	vmul.f32 $5.656854150e+00, v3;
	_ =	sdelay $0x1  }
0x310: {  	s10 =	sadd.s32 $0x2, s7;
	[tilespmem:v2+s11+$0x0] =	vst.idx.msk $0xffff, v3  }
0x311: {  	v2 =	vmov s10;
	v3 =	vld [tilespmem:s18+$0xFFFFFFD0]  }
0x312: {  	v2 =	vand.u32 $0x7E, v2  }
0x313: {  	v4 =	vadd.s32 v0, v2;
	_ =	sdelay $0x2  }
0x314: {  	v3 =	vmul.f32 $5.656854150e+00, v3;
	_ =	sdelay $0x1  }
0x315: {  	[tilespmem:v4+s11+$0x0] =	vst.idx.msk $0xffff, v3  }
0x316: {  	v3 =	vld [tilespmem:s18+$0xFFFFFFE0];
	_ =	sdelay $0x1  }
0x317: {  	v2 =	vadd.s32 v1, v2;
	_ =	sdelay $0x2  }
0x318: {  	v3 =	vmul.f32 $5.656854150e+00, v3;
	_ =	sdelay $0x1  }
0x319: {  	s7 =	sadd.s32 $0x3, s7;
	[tilespmem:v2+s11+$0x0] =	vst.idx.msk $0xffff, v3  }
0x31a: {  	v2 =	vmov s7;
	v3 =	vld [tilespmem:s18+$0xFFFFFFF0]  }
0x31b: {  	v2 =	vand.u32 $0x7F, v2  }
0x31c: {  	v4 =	vadd.s32 v0, v2;
	_ =	sdelay $0x2  }
0x31d: {  	v3 =	vmul.f32 $5.656854150e+00, v3;
	_ =	sdelay $0x1  }
0x31e: {  	[tilespmem:v4+s11+$0x0] =	vst.idx.msk $0xffff, v3  }
0x31f: {  	v3 =	vld [tilespmem:s18+$0x0]  }
.Ltmp9:
0x320: {  	(pc) =	sbr.rel @p0 .LBB2_21-.Ltmp9, $2  }
0x321: {  	v2 =	vadd.s32 v1, v2;
	_ =	sdelay $0x2  }
0x322: {  	v3 =	vmul.f32 $5.656854150e+00, v3  }
0x323: {  	_ =	sdelay $0x3  }
0x324: {  	s5 =	simm.s32 $0x0;
	s7 =	simm.s32 $0x0;
	[tilespmem:v2+s11+$0x0] =	vst.idx.msk $0xffff, v3  }
0x325: {  	v2 =	vmov s5;
	v3 =	vld [tilespmem:s7+$0xF400]  }
0x326: {  	v2 =	vand.u32 $0x7C, v2  }
0x327: {  	v4 =	vadd.s32 v0, v2;
	_ =	sdelay $0x2  }
0x328: {  	v3 =	vmul.f32 $5.656854150e+00, v3;
	_ =	sdelay $0x1  }
0x329: {  	[tilespmem:v4+s12+$0x0] =	vst.idx.msk $0xffff, v3  }
0x32a: {  	v3 =	vld [tilespmem:s7+$0xF410];
	_ =	sdelay $0x1  }
0x32b: {  	v2 =	vadd.s32 v1, v2;
	_ =	sdelay $0x2  }
0x32c: {  	v3 =	vmul.f32 $5.656854150e+00, v3;
	_ =	sdelay $0x1  }
0x32d: {  	s13 =	simm.s32 $0x1;
	[tilespmem:v2+s12+$0x0] =	vst.idx.msk $0xffff, v3  }
0x32e: {  	v2 =	vmov s13;
	v3 =	vld [tilespmem:s7+$0xF420]  }
0x32f: {  	v2 =	vand.u32 $0x7D, v2  }
0x330: {  	v4 =	vadd.s32 v0, v2;
	_ =	sdelay $0x2  }
0x331: {  	v3 =	vmul.f32 $5.656854150e+00, v3;
	_ =	sdelay $0x1  }
0x332: {  	[tilespmem:v4+s12+$0x0] =	vst.idx.msk $0xffff, v3  }
0x333: {  	v3 =	vld [tilespmem:s7+$0xF430];
	_ =	sdelay $0x1  }
0x334: {  	v2 =	vadd.s32 v1, v2;
	_ =	sdelay $0x2  }
0x335: {  	v3 =	vmul.f32 $5.656854150e+00, v3;
	_ =	sdelay $0x1  }
0x336: {  	s14 =	simm.s32 $0x2;
	[tilespmem:v2+s12+$0x0] =	vst.idx.msk $0xffff, v3  }
0x337: {  	v2 =	vmov s14;
	v3 =	vld [tilespmem:s7+$0xF440]  }
0x338: {  	v2 =	vand.u32 $0x7E, v2  }
0x339: {  	v4 =	vadd.s32 v0, v2;
	_ =	sdelay $0x2  }
0x33a: {  	v3 =	vmul.f32 $5.656854150e+00, v3;
	_ =	sdelay $0x1  }
0x33b: {  	[tilespmem:v4+s12+$0x0] =	vst.idx.msk $0xffff, v3  }
0x33c: {  	v3 =	vld [tilespmem:s7+$0xF450];
	_ =	sdelay $0x1  }
0x33d: {  	v2 =	vadd.s32 v1, v2;
	_ =	sdelay $0x2  }
0x33e: {  	v3 =	vmul.f32 $5.656854150e+00, v3;
	_ =	sdelay $0x1  }
0x33f: {  	s18 =	simm.s32 $0x3;
	[tilespmem:v2+s12+$0x0] =	vst.idx.msk $0xffff, v3  }
0x340: {  	v2 =	vmov s18;
	v3 =	vld [tilespmem:s7+$0xF460]  }
0x341: {  	v2 =	vand.u32 $0x7F, v2  }
0x342: {  	v4 =	vadd.s32 v0, v2;
	_ =	sdelay $0x2  }
0x343: {  	v3 =	vmul.f32 $5.656854150e+00, v3;
	_ =	sdelay $0x1  }
0x344: {  	[tilespmem:v4+s12+$0x0] =	vst.idx.msk $0xffff, v3  }
0x345: {  	v3 =	vld [tilespmem:s7+$0xF470];
	_ =	sdelay $0x1  }
0x346: {  	v2 =	vadd.s32 v1, v2;
	_ =	sdelay $0x2  }
0x347: {  	s5 =	simm.s32 $0x200;
	s13 =	simm.s32 $0x400;
	s18 =	simm.s32 $0x7;
	v3 =	vmul.f32 $5.656854150e+00, v3  }
.LBB2_23:
0x348: {  	s14 =	sadd.s32 $0xFFFFFFFD, s18  }
0x349: {  	s10 =	sshra.s32 s5, $0x2;
	[tilespmem:v2+s12+$0x0] =	vst.idx.msk $0xffff, v3;
	s5 =	smov.u32 s13;
	s7 =	sadd.s32 $0x200, s13  }
0x34a: {  	p0 =	sne.s32 s13, $0x3E00;
	v2 =	vmov s14;
	v3 =	vld [tilespmem:s10+$0xF400]  }
0x34b: {  	v2 =	vand.u32 $0x7C, v2  }
0x34c: {  	v4 =	vadd.s32 v0, v2;
	_ =	sdelay $0x2  }
0x34d: {  	v3 =	vmul.f32 $5.656854150e+00, v3;
	_ =	sdelay $0x1  }
0x34e: {  	[tilespmem:v4+s12+$0x0] =	vst.idx.msk $0xffff, v3  }
0x34f: {  	v3 =	vld [tilespmem:s10+$0xF410];
	_ =	sdelay $0x1  }
0x350: {  	v2 =	vadd.s32 v1, v2;
	_ =	sdelay $0x2  }
0x351: {  	v3 =	vmul.f32 $5.656854150e+00, v3;
	_ =	sdelay $0x1  }
0x352: {  	s13 =	sadd.s32 $0xFFFFFFFE, s18;
	[tilespmem:v2+s12+$0x0] =	vst.idx.msk $0xffff, v3  }
0x353: {  	v2 =	vmov s13;
	v3 =	vld [tilespmem:s10+$0xF420]  }
0x354: {  	v2 =	vand.u32 $0x7D, v2  }
0x355: {  	v4 =	vadd.s32 v0, v2;
	_ =	sdelay $0x2  }
0x356: {  	v3 =	vmul.f32 $5.656854150e+00, v3;
	_ =	sdelay $0x1  }
0x357: {  	[tilespmem:v4+s12+$0x0] =	vst.idx.msk $0xffff, v3  }
0x358: {  	v3 =	vld [tilespmem:s10+$0xF430];
	_ =	sdelay $0x1  }
0x359: {  	v2 =	vadd.s32 v1, v2;
	_ =	sdelay $0x2  }
0x35a: {  	v3 =	vmul.f32 $5.656854150e+00, v3;
	_ =	sdelay $0x1  }
0x35b: {  	s13 =	sadd.s32 $0xFFFFFFFF, s18;
	[tilespmem:v2+s12+$0x0] =	vst.idx.msk $0xffff, v3  }
0x35c: {  	v2 =	vmov s13;
	v3 =	vld [tilespmem:s10+$0xF440]  }
0x35d: {  	v2 =	vand.u32 $0x7E, v2  }
0x35e: {  	v4 =	vadd.s32 v0, v2;
	_ =	sdelay $0x2  }
0x35f: {  	v3 =	vmul.f32 $5.656854150e+00, v3;
	_ =	sdelay $0x1  }
0x360: {  	[tilespmem:v4+s12+$0x0] =	vst.idx.msk $0xffff, v3  }
0x361: {  	v3 =	vld [tilespmem:s10+$0xF450];
	_ =	sdelay $0x1  }
0x362: {  	v2 =	vadd.s32 v1, v2;
	_ =	sdelay $0x2  }
0x363: {  	v3 =	vmul.f32 $5.656854150e+00, v3;
	_ =	sdelay $0x1  }
0x364: {  	[tilespmem:v2+s12+$0x0] =	vst.idx.msk $0xffff, v3  }
0x365: {  	v2 =	vmov s18;
	v3 =	vld [tilespmem:s10+$0xF460]  }
0x366: {  	v2 =	vand.u32 $0x7F, v2  }
0x367: {  	v4 =	vadd.s32 v0, v2;
	_ =	sdelay $0x2  }
0x368: {  	v3 =	vmul.f32 $5.656854150e+00, v3;
	_ =	sdelay $0x1  }
0x369: {  	[tilespmem:v4+s12+$0x0] =	vst.idx.msk $0xffff, v3  }
0x36a: {  	v3 =	vld [tilespmem:s10+$0xF470];
	_ =	sdelay $0x1  }
.Ltmp10:
0x36b: {  	v2 =	vadd.s32 v1, v2;
	(pc) =	sbr.rel @p0 .LBB2_23-.Ltmp10, $3  }
0x36c: {  	_ =	sdelay $0x1  }
0x36d: {  	v3 =	vmul.f32 $5.656854150e+00, v3  }
0x36e: {  	s13 =	smov.u32 s7;
	s18 =	sadd.s32 $0x4, s18  }
0x36f: {  	_ =	sdelay $0x3  }
0x370: {  	s7 =	sadd.s32 $0xFFFFFFFD, s18;
	s5 =	sshra.s32 s5, $0x2;
	[tilespmem:v2+s12+$0x0] =	vst.idx.msk $0xffff, v3  }
0x371: {  	v2 =	vmov s7;
	v3 =	vld [tilespmem:s5+$0xF400]  }
0x372: {  	v2 =	vand.u32 $0x7C, v2  }
0x373: {  	v4 =	vadd.s32 v0, v2;
	_ =	sdelay $0x2  }
0x374: {  	v3 =	vmul.f32 $5.656854150e+00, v3;
	_ =	sdelay $0x1  }
0x375: {  	[tilespmem:v4+s12+$0x0] =	vst.idx.msk $0xffff, v3  }
0x376: {  	v3 =	vld [tilespmem:s5+$0xF410];
	_ =	sdelay $0x1  }
0x377: {  	v2 =	vadd.s32 v1, v2;
	_ =	sdelay $0x2  }
0x378: {  	v3 =	vmul.f32 $5.656854150e+00, v3;
	_ =	sdelay $0x1  }
0x379: {  	s13 =	sadd.s32 $0xFFFFFFFE, s18;
	[tilespmem:v2+s12+$0x0] =	vst.idx.msk $0xffff, v3  }
0x37a: {  	v2 =	vmov s13;
	v3 =	vld [tilespmem:s5+$0xF420]  }
0x37b: {  	v2 =	vand.u32 $0x7D, v2  }
0x37c: {  	v61 =	vadd.s32 v0, v2;
	_ =	sdelay $0x2  }
0x37d: {  	v3 =	vmul.f32 $5.656854150e+00, v3;
	_ =	sdelay $0x1  }
0x37e: {  	[tilespmem:v61+s12+$0x0] =	vst.idx.msk $0xffff, v3  }
0x37f: {  	v3 =	vld [tilespmem:s5+$0xF430];
	_ =	sdelay $0x1  }
0x380: {  	v2 =	vadd.s32 v1, v2;
	_ =	sdelay $0x2  }
0x381: {  	v3 =	vmul.f32 $5.656854150e+00, v3;
	_ =	sdelay $0x1  }
0x382: {  	s14 =	sadd.s32 $0xFFFFFFFF, s18;
	[tilespmem:v2+s12+$0x0] =	vst.idx.msk $0xffff, v3  }
0x383: {  	v2 =	vmov s14;
	v3 =	vld [tilespmem:s5+$0xF440]  }
0x384: {  	v2 =	vand.u32 $0x7E, v2  }
0x385: {  	v62 =	vadd.s32 v0, v2;
	_ =	sdelay $0x2  }
0x386: {  	v3 =	vmul.f32 $5.656854150e+00, v3;
	_ =	sdelay $0x1  }
0x387: {  	[tilespmem:v62+s12+$0x0] =	vst.idx.msk $0xffff, v3  }
0x388: {  	v3 =	vld [tilespmem:s5+$0xF450];
	_ =	sdelay $0x1  }
0x389: {  	v2 =	vadd.s32 v1, v2;
	_ =	sdelay $0x2  }
0x38a: {  	v3 =	vmul.f32 $5.656854150e+00, v3;
	_ =	sdelay $0x1  }
0x38b: {  	[tilespmem:v2+s12+$0x0] =	vst.idx.msk $0xffff, v3  }
0x38c: {  	v2 =	vmov s18;
	v3 =	vld [tilespmem:s5+$0xF460]  }
0x38d: {  	v2 =	vand.u32 $0x7F, v2  }
0x38e: {  	v63 =	vadd.s32 v0, v2;
	_ =	sdelay $0x2  }
0x38f: {  	v3 =	vmul.f32 $5.656854150e+00, v3;
	_ =	sdelay $0x1  }
0x390: {  	[tilespmem:v63+s12+$0x0] =	vst.idx.msk $0xffff, v3  }
0x391: {  	v3 =	vld [tilespmem:s5+$0xF470];
	_ =	sdelay $0x1  }
0x392: {  	v2 =	vadd.s32 v1, v2  }
0x393: {  	s10 =	smul.u32 $0xA0000, s17;
	_ =	sdelay $0x1  }
0x394: {  	s5 =	sor.u32 s6, s10;
	v3 =	vmul.f32 $5.656854150e+00, v3  }
0x395: {  	s5 =	sshrl.u32 s5, $0x3  }
0x396: {  	s13 =	simm.s32 $0x15900;
	s7 =	sadd.s32 s2, s5;
	[tilespmem:v2+s12+$0x0] =	vst.idx.msk $0xffff, v3  }
0x397: {  	[hbm4b:s7+s3] =	stream.linear.scatter [tilespmem:s13], [sflag:$0x4], $0x80, $0x38;
	[tilespmem:$0x1AE00] =	vst v63  }
0x398: {  	s14 =	simm.s32 $0x15988;
	s10 =	sadd.s32 $0x10, s7  }
0x399: {  	[hbm4b:s10+s3] =	stream.linear.scatter [tilespmem:s14], [sflag:$0x4], $0x80, $0x38;
	[tilespmem:$0x1AE00] =	vst v63  }
0x39a: {  	s17 =	simm.s32 $0x15A10;
	s18 =	sadd.s32 $0x20, s7  }
0x39b: {  	[hbm4b:s18+s3] =	stream.linear.scatter [tilespmem:s17], [sflag:$0x4], $0x80, $0x38;
	[tilespmem:$0x1AE00] =	vst v63  }
0x39c: {  	s13 =	simm.s32 $0x15A98;
	s14 =	sadd.s32 $0x30, s7  }
0x39d: {  	[hbm4b:s14+s3] =	stream.linear.scatter [tilespmem:s13], [sflag:$0x4], $0x80, $0x38;
	[tilespmem:$0x1AE00] =	vst v63  }
0x39e: {  	s17 =	simm.s32 $0x15B20;
	s18 =	sadd.s32 $0x40, s7  }
0x39f: {  	[hbm4b:s18+s3] =	stream.linear.scatter [tilespmem:s17], [sflag:$0x4], $0x80, $0x38;
	[tilespmem:$0x1AE00] =	vst v63  }
0x3a0: {  	s5 =	simm.s32 $0x440;
	s13 =	simm.s32 $0x15BA8;
	s14 =	sadd.s32 $0x50, s7  }
0x3a1: {  	[hbm4b:s14+s3] =	stream.linear.scatter [tilespmem:s13], [sflag:$0x4], $0x80, $0x38;
	[tilespmem:$0x1AE00] =	vst v63  }
0x3a2: {  	s10 =	simm.s32 $0x2200;
	s17 =	simm.s32 $0x15C30;
	s18 =	sadd.s32 $0x60, s7  }
0x3a3: {  	[hbm4b:s18+s3] =	stream.linear.scatter [tilespmem:s17], [sflag:$0x4], $0x80, $0x38;
	[tilespmem:$0x1AE00] =	vst v63  }
0x3a4: {  	s13 =	simm.s32 $0x15CB8;
	s17 =	sadd.s32 $0x70, s7;
	s7 =	sadd.s32 $0x1000, s7  }
.LBB2_25:
0x3a5: {  	[hbm4b:s17+s3] =	stream.linear.scatter [tilespmem:s13], [sflag:$0x4], $0x80, $0x38;
	[tilespmem:$0x1AE00] =	vst v63  }
0x3a6: {  	s13 =	smov.u32 s5;
	s5 =	smov.u32 s10  }
0x3a7: {  	s14 =	sadd.s32 $0x1100, s10;
	s5 =	sshra.s32 s5, $0x2;
	s17 =	sadd.s32 $0x15900, s13  }
0x3a8: {  	[hbm4b:s7+s3] =	stream.linear.scatter [tilespmem:s17], [sflag:$0x4], $0x80, $0x38;
	[tilespmem:$0x1AE00] =	vst v63  }
0x3a9: {  	p0 =	sne.s32 s10, $0x14300;
	s10 =	sadd.s32 $0x15988, s13;
	s17 =	sadd.s32 $0x10, s7  }
0x3aa: {  	[hbm4b:s17+s3] =	stream.linear.scatter [tilespmem:s10], [sflag:$0x4], $0x80, $0x38;
	[tilespmem:$0x1AE00] =	vst v63  }
0x3ab: {  	s10 =	sadd.s32 $0x15A10, s13;
	s17 =	sadd.s32 $0x20, s7  }
0x3ac: {  	[hbm4b:s17+s3] =	stream.linear.scatter [tilespmem:s10], [sflag:$0x4], $0x80, $0x38;
	[tilespmem:$0x1AE00] =	vst v63  }
0x3ad: {  	s10 =	sadd.s32 $0x15A98, s13;
	s17 =	sadd.s32 $0x30, s7  }
0x3ae: {  	[hbm4b:s17+s3] =	stream.linear.scatter [tilespmem:s10], [sflag:$0x4], $0x80, $0x38;
	[tilespmem:$0x1AE00] =	vst v63  }
0x3af: {  	s10 =	sadd.s32 $0x15B20, s13;
	s17 =	sadd.s32 $0x40, s7  }
0x3b0: {  	[hbm4b:s17+s3] =	stream.linear.scatter [tilespmem:s10], [sflag:$0x4], $0x80, $0x38;
	[tilespmem:$0x1AE00] =	vst v63  }
.Ltmp11:
0x3b1: {  	s10 =	sadd.s32 $0x15BA8, s13;
	s17 =	sadd.s32 $0x50, s7;
	(pc) =	sbr.rel @p0 .LBB2_25-.Ltmp11, $4  }
0x3b2: {  	[hbm4b:s17+s3] =	stream.linear.scatter [tilespmem:s10], [sflag:$0x4], $0x80, $0x38;
	[tilespmem:$0x1AE00] =	vst v63  }
0x3b3: {  	s10 =	sadd.s32 $0x15C30, s13;
	s17 =	sadd.s32 $0x60, s7;
	s13 =	sadd.s32 $0x15CB8, s13  }
0x3b4: {  	[hbm4b:s17+s3] =	stream.linear.scatter [tilespmem:s10], [sflag:$0x4], $0x80, $0x38;
	[tilespmem:$0x1AE00] =	vst v63  }
0x3b5: {  	s17 =	sadd.s32 $0x70, s7;
	s7 =	sadd.s32 $0x1000, s7;
	s10 =	smov.u32 s14  }
0x3b6: {  	[hbm4b:s17+s3] =	stream.linear.scatter [tilespmem:s13], [sflag:$0x4], $0x80, $0x38;
	[tilespmem:$0x1AE00] =	vst v63  }
0x3b7: {  	s10 =	sadd.s32 $0x15900, s5  }
0x3b8: {  	[hbm4b:s7+s3] =	stream.linear.scatter [tilespmem:s10], [sflag:$0x4], $0x80, $0x38;
	[tilespmem:$0x1AE00] =	vst v63  }
0x3b9: {  	s17 =	sadd.s32 $0x15988, s5;
	s18 =	sadd.s32 $0x10, s7  }
0x3ba: {  	[hbm4b:s18+s3] =	stream.linear.scatter [tilespmem:s17], [sflag:$0x4], $0x80, $0x38;
	[tilespmem:$0x1AE00] =	vst v63  }
0x3bb: {  	s13 =	sadd.s32 $0x15A10, s5;
	s14 =	sadd.s32 $0x20, s7  }
0x3bc: {  	[hbm4b:s14+s3] =	stream.linear.scatter [tilespmem:s13], [sflag:$0x4], $0x80, $0x38;
	[tilespmem:$0x1AE00] =	vst v63  }
0x3bd: {  	s17 =	sadd.s32 $0x15A98, s5;
	s18 =	sadd.s32 $0x30, s7  }
0x3be: {  	[hbm4b:s18+s3] =	stream.linear.scatter [tilespmem:s17], [sflag:$0x4], $0x80, $0x38;
	[tilespmem:$0x1AE00] =	vst v63  }
0x3bf: {  	s16 =	sadd.s32 $0x1, s16;
	s13 =	sadd.s32 $0x15B20, s5;
	s14 =	sadd.s32 $0x40, s7  }
0x3c0: {  	[hbm4b:s14+s3] =	stream.linear.scatter [tilespmem:s13], [sflag:$0x4], $0x80, $0x38;
	[tilespmem:$0x1AE00] =	vst v63  }
0x3c1: {  	p0 =	sne.s32 s16, $0x14;
	s17 =	sadd.s32 $0x15BA8, s5;
	s18 =	sadd.s32 $0x50, s7  }
0x3c2: {  	[hbm4b:s18+s3] =	stream.linear.scatter [tilespmem:s17], [sflag:$0x4], $0x80, $0x38;
	[tilespmem:$0x1AE00] =	vst v63  }
.Ltmp12:
0x3c3: {  	_ = 	snop;
	(pc) =	sbr.rel @p0 .LBB2_2-.Ltmp12, $4  }
0x3c4: {  	s13 =	sadd.s32 $0x15C30, s5;
	s14 =	sadd.s32 $0x60, s7  }
0x3c5: {  	[hbm4b:s14+s3] =	stream.linear.scatter [tilespmem:s13], [sflag:$0x4], $0x80, $0x38;
	[tilespmem:$0x1AE00] =	vst v63  }
0x3c6: {  	s17 =	sadd.s32 $0x15CB8, s5;
	s18 =	sadd.s32 $0x70, s7  }
0x3c7: {  	[hbm4b:s18+s3] =	stream.linear.scatter [tilespmem:s17], [sflag:$0x4], $0x80, $0x38;
	[tilespmem:$0x1AE00] =	vst v63  }
0x3c8: {  	s5 =	simm.s32 $0x3  }
0x3c9: {  	_ =	swait.ge [sflag:s5], $0x5000  }
0x3ca: {  	[sflag:s5] =	ssyncset.done $0x0  }
0x3cb: {  	s7 =	simm.s32 $0x4;
	[sflag:s5] =	ssyncadd.s32 $0xFFFFB000  }
0x3cc: {  	_ =	swait.ge [sflag:s7], $0x5000  }
0x3cd: {  	s15 =	sadd.s32 $0x1, s15;
	s18 =	rddreg [dreg:$0x4]  }
0x3ce: {  	p0 =	sne.s32 s15, s18  }
.Ltmp13:
0x3cf: {  	_ = 	snop;
	(pc) =	sbr.rel @p0 .LBB2_1-.Ltmp13, $3  }
0x3d0: {  	_ =	sdelay $0x1  }
0x3d1: {  	[sflag:s7] =	ssyncset.done $0x0  }
0x3d2: {  	[sflag:s7] =	ssyncadd.s32 $0xFFFFB000  }
0x3d3: {  	_ =	sfence.sel $0x180000  }
0x3d4: {  	[bflag:$0x0] =	sbarrier.arrive $0xFFFF  }
0x3d5: {  	_ =	strace $0x90000047  }
0x3d6: {  	s0 =	stileid.u32;
	[bflag:$0x2] =	sbarrier.arrive $0xFFFF  }
0x3d7: {  	p0 =	sne.s32 s0, $0x0;
	s0 =	rddreg [dreg:$0x2]  }
0x3d8: {  	s0 =	sadd.s32 @!p0 $0x100000, s0  }
0x3d9: {  	[sflag:s0] =	ssyncadd.tile.s32 @!p0 $0x1;
	_ =	shalt  }
.Lfunc_end2:
_tile_overlayer_lowered:
.L_overlay_start_2:
0x3da: {  	(tag) =	ssettag $0x2  }
0x3db: {  	s0 =	rddreg [dreg:$0x0];
	s2 =	stileid.u32  }
0x3dc: {  	s1 =	rddreg [dreg:$0x1];
	p0 =	sne.s32 s2, $0x0  }
0x3dd: {  	s3 =	rddreg [dreg:$0x2];
	[bflag:$0x3] =	sbarrier.arrive $0xFFFF;
	s2 =	simm.s32 @!p0 $0x1C05  }
0x3de: {  	[timem:s3], [sflag:s2] =	dma.local @!p0 [hbm:s0], s1  }
0x3df: {  	s0 =	simm.s32 @!p0 $0x5  }
0x3e0: {  	_ =	swait.ge @!p0 [sflag:s0], s1  }
0x3e1: {  	s1 =	ssub.s32 @!p0 $0x0, s1;
	[sflag:s0] =	ssyncset.done @!p0 $0x0  }
0x3e2: {  	[sflag:s0] =	ssyncadd.s32 @!p0 s1  }
0x3e3: {  	[bflag:$0x3] =	sbarrier.arrive $0xFFFF  }
0x3e4: {  	_ =	shalt  }

</sc_bundles>
